<compile_context>
chip_gen: v7x
topology: tpu7x:2x2x1
jax: 0.10.2.dev20260603
libtpu: 0.0.44.dev20260713+nightly
codegen_flags: <defaults>
</compile_context>

<pallas_src>
import functools

import jax
import jax.numpy as jnp
from jax import lax
from jax.experimental import pallas as pl
from jax.experimental.pallas import tpu as pltpu
from jax.experimental.pallas import tpu_sc as plsc

N_ATOMS = 1000
NA = 1024
NC, NS = 2, 16
NW = NC * NS
APW = NA // NW
L = 16
M = 32
CH = 32
NB = 16
CUTOFF = 5.0

_HALF_PI_OVER_CUT = 3.14159265358979 / (2.0 * CUTOFF)


def _rsqrt16(x):
    i = lax.bitcast_convert_type(x, jnp.int32)
    i = jnp.int32(0x5F3759DF) - lax.shift_right_arithmetic(i, 1)
    y = lax.bitcast_convert_type(i, jnp.float32)
    for _ in range(2):
        y = y * (1.5 - 0.5 * x * y * y)
    return y


def _cos16(u):
    u2 = u * u
    return 1.0 + u2 * (-0.5 + u2 * (1.0 / 24.0 + u2 * (-1.0 / 720.0
           + u2 * (1.0 / 40320.0 - u2 * (1.0 / 3628800.0)))))


def _sc_body(coord_h, nbr_h, wmu_h, feat_h, outf_h,
             coord_v, nbr_v, wmu_v, feat_v, outf_v):
    wid = lax.axis_index("s") * NC + lax.axis_index("c")
    pltpu.sync_copy(coord_h, coord_v)
    pltpu.sync_copy(nbr_h.at[wid], nbr_v)
    pltpu.sync_copy(wmu_h, wmu_v)
    pltpu.sync_copy(feat_h.at[wid], feat_v)

    mus = [wmu_v[0, b, :] for b in range(NB)]
    ws = [wmu_v[1, b, :] for b in range(NB)]
    for g in range(APW // L):
        lb = g * L
        gbase = wid * APW + lb
        cx = coord_v[pl.ds(gbase, L)]
        cy = coord_v[pl.ds(NA + gbase, L)]
        cz = coord_v[pl.ds(2 * NA + gbase, L)]

        def m_body(m, acc):
            f0, f1x, f1y, f1z, fxx, fxy, fxz, fyy, fyz, fzz = acc
            idx = nbr_v[m, pl.ds(lb, L)]
            gx = plsc.load_gather(coord_v, [idx])
            gy = plsc.load_gather(coord_v, [idx + NA])
            gz = plsc.load_gather(coord_v, [idx + 2 * NA])
            rx = gx - cx
            ry = gy - cy
            rz = gz - cz
            d2 = rx * rx + ry * ry + rz * rz + 1e-10
            rinv = _rsqrt16(d2)
            d = d2 * rinv
            cu = _cos16(jnp.minimum(d, CUTOFF) * _HALF_PI_OVER_CUT)
            fc = cu * cu
            bsum = jnp.zeros((L,), jnp.float32)
            for b in range(NB):
                t = d - mus[b]
                bsum = bsum + ws[b] * jnp.exp(-(t * t))
            fn = bsum * fc
            fnx = fn * rx
            fny = fn * ry
            fnz = fn * rz
            return (f0 + fn, f1x + fnx, f1y + fny, f1z + fnz,
                    fxx + fnx * rx, fxy + fnx * ry, fxz + fnx * rz,
                    fyy + fny * ry, fyz + fny * rz, fzz + fnz * rz)

        z = jnp.zeros((L,), jnp.float32)
        F0, F1x, F1y, F1z, Fxx, Fxy, Fxz, Fyy, Fyz, Fzz = lax.fori_loop(
            0, M, m_body, (z, z, z, z, z, z, z, z, z, z))
        F1 = (F1x, F1y, F1z)
        F2 = ((Fxx, Fxy, Fxz), (Fxy, Fyy, Fyz), (Fxz, Fyz, Fzz))

        def ch_body(ch, _):
            a0 = feat_v[ch, pl.ds(lb, L)]
            a1 = [feat_v[CH + ch * 3 + p, pl.ds(lb, L)] for p in range(3)]
            a2 = [[feat_v[4 * CH + ch * 9 + 3 * p + q, pl.ds(lb, L)]
                   for q in range(3)] for p in range(3)]
            o0 = a0 * F0
            for p in range(3):
                o0 = o0 + a1[p] * F1[p]
                for q in range(3):
                    o0 = o0 + a2[p][q] * F2[p][q]
            outf_v[ch, pl.ds(lb, L)] = o0
            for p in range(3):
                o1 = a0 * F1[p] + a1[p] * F0
                for k in range(3):
                    o1 = o1 + a1[k] * F2[k][p] + a2[p][k] * F1[k]
                outf_v[CH + ch * 3 + p, pl.ds(lb, L)] = o1
            for p in range(3):
                for q in range(3):
                    o2 = a0 * F2[p][q] + a1[p] * F1[q] + a2[p][q] * F0
                    for k in range(3):
                        o2 = o2 + a2[p][k] * F2[k][q]
                    outf_v[4 * CH + ch * 9 + 3 * p + q, pl.ds(lb, L)] = o2
            return 0

        lax.fori_loop(0, CH, ch_body, 0)

    pltpu.sync_copy(outf_v, outf_h.at[wid])


@functools.partial(
    pl.kernel,
    out_type=jax.ShapeDtypeStruct((NW, 13 * CH, APW), jnp.float32),
    mesh=plsc.VectorSubcoreMesh(core_axis_name="c", subcore_axis_name="s"),
    compiler_params=pltpu.CompilerParams(needs_layout_passes=False),
    scratch_types=[
        pltpu.VMEM((3 * NA,), jnp.float32),
        pltpu.VMEM((M, APW), jnp.int32),
        pltpu.VMEM((2, NB, L), jnp.float32),
        pltpu.VMEM((13 * CH, APW), jnp.float32),
        pltpu.VMEM((13 * CH, APW), jnp.float32),
    ],
)
def _sc_kernel(coord_h, nbr_h, wmu_h, feat_h, outf_h,
               coord_v, nbr_v, wmu_v, feat_v, outf_v):
    _sc_body(coord_h, nbr_h, wmu_h, feat_h, outf_h,
             coord_v, nbr_v, wmu_v, feat_v, outf_v)


def kernel(input_tensors_0, input_tensors_1, input_tensors_2,
           coordinate, neighbor, mask, rbf_w, rbf_mu):
    pad = NA - N_ATOMS
    coord = jnp.pad(coordinate[0], ((0, pad), (0, 0)))
    coord_t = coord.T.reshape(3 * NA)
    nbr = jnp.pad(neighbor[0], ((0, pad), (0, 0)))
    nbr_c = nbr.reshape(NW, APW, M).transpose(0, 2, 1)
    feat = jnp.concatenate([
        input_tensors_0[0],
        input_tensors_1[0].reshape(N_ATOMS, CH * 3),
        input_tensors_2[0].reshape(N_ATOMS, CH * 9),
    ], axis=1)
    feat_c = (jnp.pad(feat, ((0, pad), (0, 0)))
              .reshape(NW, APW, 13 * CH).transpose(0, 2, 1))
    wmu = jnp.stack([
        jnp.tile(rbf_mu[:, None], (1, L)),
        jnp.tile(rbf_w[:, None], (1, L)),
    ]).astype(jnp.float32)

    outf_c = _sc_kernel(coord_t, nbr_c, wmu, feat_c)

    outf = outf_c.transpose(0, 2, 1).reshape(NA, 13 * CH)[:N_ATOMS]
    out0 = outf[:, :CH][None]
    out1 = outf[:, CH:4 * CH].reshape(N_ATOMS, CH, 3)[None]
    out2 = outf[:, 4 * CH:].reshape(N_ATOMS, CH, 3, 3)[None]
    return (out0, out1, out2)

# --- scband reference (transcript-rebuilt; emitter-appended) ---
"""Pipeline reference for scband-tensor-aggregate-layer-3968549782327 (READ-ONLY COPY).

The authoritative reference and input builder live on the scoring server;
editing this copy changes nothing except your own understanding.
"""

import jax, jax.numpy as jnp
import numpy as np

MAX_OUT_WAY = 2
MAX_R_WAY = 2
CUTOFF = 5.0
N_BASIS = 16
B, N_ATOMS, N_NEIGH, N_CHANNEL = 1, 1000, 32, 32


def way_combination(out_ways, in_ways, r_ways):
    combos = []
    for o in out_ways:
        for i in in_ways:
            for r in r_ways:
                if abs(i - r) <= o <= i + r and (o + i + r) % 2 == 0:
                    combos.append((o, i, r))
    return combos


def expand_to(t, n_dim, dim=-1):
    while t.ndim < n_dim:
        t = jnp.expand_dims(t, dim)
    return t


def multi_outer_product(vec, n):
    base = vec.shape[:-1]
    out = jnp.ones(base, dtype=vec.dtype)
    for k in range(n):
        out = out[..., None] * vec.reshape(base + (1,) * k + (3,))
    return out


def find_distances(coordinate, neighbor, mask):
    b, n, m = neighbor.shape
    idx = neighbor.reshape(b, n * m)
    nb = jnp.take_along_axis(coordinate, idx[:, :, None], axis=1).reshape(b, n, m, 3)
    rij = nb - coordinate[:, :, None, :]
    rij = jnp.where(mask[..., None], rij, 0.0)
    return rij


def radius_fn(dij, w, mu):
    basis = jnp.exp(-1.0 * (dij[..., None] - mu) ** 2)
    fcut = 0.5 * (jnp.cos(jnp.pi * jnp.clip(dij, 0.0, CUTOFF) / CUTOFF) + 1.0)
    return jnp.sum(basis * w, axis=-1) * fcut


def forward_impl(in0, in1, in2, coordinate, neighbor, mask, rbf_w, rbf_mu):
    input_tensors = {0: in0, 1: in1, 2: in2}
    output_tensors = {w: None for w in range(MAX_OUT_WAY + 1)}
    for (out_way, in_way, r_way) in way_combination(range(MAX_OUT_WAY + 1), sorted(input_tensors.keys()), range(MAX_R_WAY + 1)):
        coupling_way = (in_way + r_way - out_way) // 2
        rij = find_distances(coordinate, neighbor, mask)
        dij = jnp.sqrt(jnp.sum(rij * rij, axis=-1) + 1e-10)
        fn = radius_fn(dij, rbf_w, rbf_mu)
        filter_tensor = multi_outer_product(rij, r_way) * expand_to(fn, r_way + 3)
        n_way = in_way + r_way - coupling_way + 4
        inp = expand_to(input_tensors[in_way][:, :, :, None, ...], n_way, dim=-1)
        filt = expand_to(filter_tensor[:, :, None, ...], n_way, dim=4)
        sum_axis = tuple([3] + list(range(in_way - coupling_way + 4, in_way + 4)))
        out_t = jnp.sum(inp * filt, axis=sum_axis)
        output_tensors[out_way] = out_t if output_tensors[out_way] is None else output_tensors[out_way] + out_t
    return (output_tensors[0], output_tensors[1], output_tensors[2])


def setup_inputs(seed: int = 0):
    key = jax.random.key(seed)
    ks = jax.random.split(key, 8)
    in0 = jax.random.normal(ks[0], (B, N_ATOMS, N_CHANNEL), dtype=jnp.float32)
    in1 = jax.random.normal(ks[1], (B, N_ATOMS, N_CHANNEL, 3), dtype=jnp.float32)
    in2 = jax.random.normal(ks[2], (B, N_ATOMS, N_CHANNEL, 3, 3), dtype=jnp.float32)
    coordinate = jax.random.normal(ks[3], (B, N_ATOMS, 3), dtype=jnp.float32) * 3.0
    neighbor = jax.random.randint(ks[4], (B, N_ATOMS, N_NEIGH), 0, N_ATOMS, dtype=jnp.int32)
    mask = jnp.ones((B, N_ATOMS, N_NEIGH), dtype=bool)
    rbf_w = jax.random.normal(ks[5], (N_BASIS,), dtype=jnp.float32) * 0.1
    rbf_mu = jnp.linspace(0.0, CUTOFF, N_BASIS).astype(jnp.float32)
    return {'input_tensors_0': in0, 'input_tensors_1': in1, 'input_tensors_2': in2, 'coordinate': coordinate, 'neighbor': neighbor, 'mask': mask, 'rbf_w': rbf_w, 'rbf_mu': rbf_mu}


def reference(input_tensors_0, input_tensors_1, input_tensors_2, coordinate, neighbor, mask, rbf_w, rbf_mu):
    return forward_impl(input_tensors_0, input_tensors_1, input_tensors_2, coordinate, neighbor, mask, rbf_w, rbf_mu)

if __name__ == "__main__":
    import jax
    _d = setup_inputs()
    print(jax.jit(kernel)(*tuple(_d.values())))

</pallas_src>

<mosaic_0001>
#map = affine_map<(d0, d1) -> (0)>
#map1 = affine_map<(d0, d1) -> (0, 0, 0)>
module attributes {stable_mosaic.version = 14 : i64} {
  func.func @_sc_kernel(%arg0: i32, %arg1: i32, %arg2: memref<3072xf32, #tpu.memory_space<hbm>>, %arg3: memref<32x32x32xi32, #tpu.memory_space<hbm>>, %arg4: memref<2x16x16xf32, #tpu.memory_space<hbm>>, %arg5: memref<32x416x32xf32, #tpu.memory_space<hbm>>, %arg6: memref<32x416x32xf32, #tpu.memory_space<hbm>>, %arg7: memref<3072xf32, #tpu.memory_space<vmem>>, %arg8: memref<32x32xi32, #tpu.memory_space<vmem>>, %arg9: memref<2x16x16xf32, #tpu.memory_space<vmem>>, %arg10: memref<416x32xf32, #tpu.memory_space<vmem>>, %arg11: memref<416x32xf32, #tpu.memory_space<vmem>>) attributes {dimension_semantics = [#tpu.dimension_semantics<core_parallel>, #tpu.dimension_semantics<subcore_parallel>], iteration_bounds = array<i64: 2, 16>, scalar_prefetch = 0 : i64, scratch_operands = 5 : i64, tpu.core_type = #tpu.core_type<sc_vector_subcore>, window_params = [{transform_indices = #map}, {transform_indices = #map1}, {transform_indices = #map1}, {transform_indices = #map1}, {transform_indices = #map1}]} {
    %mul3A = arith.constant 2 : i32
    %mul3A_0 = arith.muli %arg1, %mul3A : i32
    %add3A = arith.addi %mul3A_0, %arg0 : i32
    "tpu.region"() ({
      %run_scoped3A = tpu.sem_alloc : memref<!tpu.dma_semaphore, #tpu.memory_space<semaphore_mem>>
      tpu.enqueue_dma source(%arg2 : memref<3072xf32, #tpu.memory_space<hbm>>) target(%arg7 : memref<3072xf32, #tpu.memory_space<vmem>>) target_semaphore(%run_scoped3A : memref<!tpu.dma_semaphore, #tpu.memory_space<semaphore_mem>>)
      tpu.wait_dma2 semaphore(%run_scoped3A : memref<!tpu.dma_semaphore, #tpu.memory_space<semaphore_mem>>) src(%arg2 : memref<3072xf32, #tpu.memory_space<hbm>>) dst(%arg7 : memref<3072xf32, #tpu.memory_space<vmem>>)
      tpu.yield
    }) : () -> ()
    "tpu.region"() ({
      %run_scoped3A = tpu.sem_alloc : memref<!tpu.dma_semaphore, #tpu.memory_space<semaphore_mem>>
      %dma_start3A = arith.constant 0 : i32
      %dma_start3A_248 = arith.constant 0 : i32
      %dma_start3A_249 = tpu.memref_slice %arg3[%add3A, %dma_start3A, %dma_start3A_248] : memref<32x32x32xi32, #tpu.memory_space<hbm>> -> memref<1x32x32xi32, #tpu.memory_space<hbm>>
      %dma_start3A_250 = tpu.memref_squeeze %dma_start3A_249 : memref<1x32x32xi32, #tpu.memory_space<hbm>> -> memref<32x32xi32, #tpu.memory_space<hbm>>
      %dma_start3A_251 = arith.constant 0 : i32
      %dma_start3A_252 = arith.constant 0 : i32
      %dma_start3A_253 = tpu.memref_slice %arg3[%add3A, %dma_start3A_251, %dma_start3A_252] : memref<32x32x32xi32, #tpu.memory_space<hbm>> -> memref<1x32x32xi32, #tpu.memory_space<hbm>>
      %dma_start3A_254 = tpu.memref_squeeze %dma_start3A_253 : memref<1x32x32xi32, #tpu.memory_space<hbm>> -> memref<32x32xi32, #tpu.memory_space<hbm>>
      tpu.enqueue_dma source(%dma_start3A_254 : memref<32x32xi32, #tpu.memory_space<hbm>>) target(%arg8 : memref<32x32xi32, #tpu.memory_space<vmem>>) target_semaphore(%run_scoped3A : memref<!tpu.dma_semaphore, #tpu.memory_space<semaphore_mem>>)
      %dma_wait3A = arith.constant 0 : i32
      %dma_wait3A_255 = arith.constant 0 : i32
      %dma_wait3A_256 = tpu.memref_slice %arg3[%add3A, %dma_wait3A, %dma_wait3A_255] : memref<32x32x32xi32, #tpu.memory_space<hbm>> -> memref<1x32x32xi32, #tpu.memory_space<hbm>>
      %dma_wait3A_257 = tpu.memref_squeeze %dma_wait3A_256 : memref<1x32x32xi32, #tpu.memory_space<hbm>> -> memref<32x32xi32, #tpu.memory_space<hbm>>
      %dma_wait3A_258 = arith.constant 0 : i32
      %dma_wait3A_259 = arith.constant 0 : i32
      %dma_wait3A_260 = tpu.memref_slice %arg3[%add3A, %dma_wait3A_258, %dma_wait3A_259] : memref<32x32x32xi32, #tpu.memory_space<hbm>> -> memref<1x32x32xi32, #tpu.memory_space<hbm>>
      %dma_wait3A_261 = tpu.memref_squeeze %dma_wait3A_260 : memref<1x32x32xi32, #tpu.memory_space<hbm>> -> memref<32x32xi32, #tpu.memory_space<hbm>>
      tpu.wait_dma2 semaphore(%run_scoped3A : memref<!tpu.dma_semaphore, #tpu.memory_space<semaphore_mem>>) src(%dma_wait3A_261 : memref<32x32xi32, #tpu.memory_space<hbm>>) dst(%arg8 : memref<32x32xi32, #tpu.memory_space<vmem>>)
      tpu.yield
    }) : () -> ()
    "tpu.region"() ({
      %run_scoped3A = tpu.sem_alloc : memref<!tpu.dma_semaphore, #tpu.memory_space<semaphore_mem>>
      tpu.enqueue_dma source(%arg4 : memref<2x16x16xf32, #tpu.memory_space<hbm>>) target(%arg9 : memref<2x16x16xf32, #tpu.memory_space<vmem>>) target_semaphore(%run_scoped3A : memref<!tpu.dma_semaphore, #tpu.memory_space<semaphore_mem>>)
      tpu.wait_dma2 semaphore(%run_scoped3A : memref<!tpu.dma_semaphore, #tpu.memory_space<semaphore_mem>>) src(%arg4 : memref<2x16x16xf32, #tpu.memory_space<hbm>>) dst(%arg9 : memref<2x16x16xf32, #tpu.memory_space<vmem>>)
      tpu.yield
    }) : () -> ()
    "tpu.region"() ({
      %run_scoped3A = tpu.sem_alloc : memref<!tpu.dma_semaphore, #tpu.memory_space<semaphore_mem>>
      %dma_start3A = arith.constant 0 : i32
      %dma_start3A_248 = arith.constant 0 : i32
      %dma_start3A_249 = tpu.memref_slice %arg5[%add3A, %dma_start3A, %dma_start3A_248] : memref<32x416x32xf32, #tpu.memory_space<hbm>> -> memref<1x416x32xf32, #tpu.memory_space<hbm>>
      %dma_start3A_250 = tpu.memref_squeeze %dma_start3A_249 : memref<1x416x32xf32, #tpu.memory_space<hbm>> -> memref<416x32xf32, #tpu.memory_space<hbm>>
      %dma_start3A_251 = arith.constant 0 : i32
      %dma_start3A_252 = arith.constant 0 : i32
      %dma_start3A_253 = tpu.memref_slice %arg5[%add3A, %dma_start3A_251, %dma_start3A_252] : memref<32x416x32xf32, #tpu.memory_space<hbm>> -> memref<1x416x32xf32, #tpu.memory_space<hbm>>
      %dma_start3A_254 = tpu.memref_squeeze %dma_start3A_253 : memref<1x416x32xf32, #tpu.memory_space<hbm>> -> memref<416x32xf32, #tpu.memory_space<hbm>>
      tpu.enqueue_dma source(%dma_start3A_254 : memref<416x32xf32, #tpu.memory_space<hbm>>) target(%arg10 : memref<416x32xf32, #tpu.memory_space<vmem>>) target_semaphore(%run_scoped3A : memref<!tpu.dma_semaphore, #tpu.memory_space<semaphore_mem>>)
      %dma_wait3A = arith.constant 0 : i32
      %dma_wait3A_255 = arith.constant 0 : i32
      %dma_wait3A_256 = tpu.memref_slice %arg5[%add3A, %dma_wait3A, %dma_wait3A_255] : memref<32x416x32xf32, #tpu.memory_space<hbm>> -> memref<1x416x32xf32, #tpu.memory_space<hbm>>
      %dma_wait3A_257 = tpu.memref_squeeze %dma_wait3A_256 : memref<1x416x32xf32, #tpu.memory_space<hbm>> -> memref<416x32xf32, #tpu.memory_space<hbm>>
      %dma_wait3A_258 = arith.constant 0 : i32
      %dma_wait3A_259 = arith.constant 0 : i32
      %dma_wait3A_260 = tpu.memref_slice %arg5[%add3A, %dma_wait3A_258, %dma_wait3A_259] : memref<32x416x32xf32, #tpu.memory_space<hbm>> -> memref<1x416x32xf32, #tpu.memory_space<hbm>>
      %dma_wait3A_261 = tpu.memref_squeeze %dma_wait3A_260 : memref<1x416x32xf32, #tpu.memory_space<hbm>> -> memref<416x32xf32, #tpu.memory_space<hbm>>
      tpu.wait_dma2 semaphore(%run_scoped3A : memref<!tpu.dma_semaphore, #tpu.memory_space<semaphore_mem>>) src(%dma_wait3A_261 : memref<416x32xf32, #tpu.memory_space<hbm>>) dst(%arg10 : memref<416x32xf32, #tpu.memory_space<vmem>>)
      tpu.yield
    }) : () -> ()
    %get3A = arith.constant 0 : i32
    %get3A_1 = arith.constant 0 : i32
    %get3A_2 = arith.index_cast %get3A : i32 to index
    %get3A_3 = arith.index_cast %get3A_1 : i32 to index
    %get3A_4 = arith.constant 0 : index
    %get3A_5 = tpu.vector_load %arg9[%get3A_2, %get3A_3, %get3A_4] {strides = array<i32>} : memref<2x16x16xf32, #tpu.memory_space<vmem>>, vector<16xf32>,
    %get3A_6 = arith.constant 0 : i32
    %get3A_7 = arith.constant 1 : i32
    %get3A_8 = arith.index_cast %get3A_6 : i32 to index
    %get3A_9 = arith.index_cast %get3A_7 : i32 to index
    %get3A_10 = arith.constant 0 : index
    %get3A_11 = tpu.vector_load %arg9[%get3A_8, %get3A_9, %get3A_10] {strides = array<i32>} : memref<2x16x16xf32, #tpu.memory_space<vmem>>, vector<16xf32>,
    %get3A_12 = arith.constant 0 : i32
    %get3A_13 = arith.constant 2 : i32
    %get3A_14 = arith.index_cast %get3A_12 : i32 to index
    %get3A_15 = arith.index_cast %get3A_13 : i32 to index
    %get3A_16 = arith.constant 0 : index
    %get3A_17 = tpu.vector_load %arg9[%get3A_14, %get3A_15, %get3A_16] {strides = array<i32>} : memref<2x16x16xf32, #tpu.memory_space<vmem>>, vector<16xf32>,
    %get3A_18 = arith.constant 0 : i32
    %get3A_19 = arith.constant 3 : i32
    %get3A_20 = arith.index_cast %get3A_18 : i32 to index
    %get3A_21 = arith.index_cast %get3A_19 : i32 to index
    %get3A_22 = arith.constant 0 : index
    %get3A_23 = tpu.vector_load %arg9[%get3A_20, %get3A_21, %get3A_22] {strides = array<i32>} : memref<2x16x16xf32, #tpu.memory_space<vmem>>, vector<16xf32>,
    %get3A_24 = arith.constant 0 : i32
    %get3A_25 = arith.constant 4 : i32
    %get3A_26 = arith.index_cast %get3A_24 : i32 to index
    %get3A_27 = arith.index_cast %get3A_25 : i32 to index
    %get3A_28 = arith.constant 0 : index
    %get3A_29 = tpu.vector_load %arg9[%get3A_26, %get3A_27, %get3A_28] {strides = array<i32>} : memref<2x16x16xf32, #tpu.memory_space<vmem>>, vector<16xf32>,
    %get3A_30 = arith.constant 0 : i32
    %get3A_31 = arith.constant 5 : i32
    %get3A_32 = arith.index_cast %get3A_30 : i32 to index
    %get3A_33 = arith.index_cast %get3A_31 : i32 to index
    %get3A_34 = arith.constant 0 : index
    %get3A_35 = tpu.vector_load %arg9[%get3A_32, %get3A_33, %get3A_34] {strides = array<i32>} : memref<2x16x16xf32, #tpu.memory_space<vmem>>, vector<16xf32>,
    %get3A_36 = arith.constant 0 : i32
    %get3A_37 = arith.constant 6 : i32
    %get3A_38 = arith.index_cast %get3A_36 : i32 to index
    %get3A_39 = arith.index_cast %get3A_37 : i32 to index
    %get3A_40 = arith.constant 0 : index
    %get3A_41 = tpu.vector_load %arg9[%get3A_38, %get3A_39, %get3A_40] {strides = array<i32>} : memref<2x16x16xf32, #tpu.memory_space<vmem>>, vector<16xf32>,
    %get3A_42 = arith.constant 0 : i32
    %get3A_43 = arith.constant 7 : i32
    %get3A_44 = arith.index_cast %get3A_42 : i32 to index
    %get3A_45 = arith.index_cast %get3A_43 : i32 to index
    %get3A_46 = arith.constant 0 : index
    %get3A_47 = tpu.vector_load %arg9[%get3A_44, %get3A_45, %get3A_46] {strides = array<i32>} : memref<2x16x16xf32, #tpu.memory_space<vmem>>, vector<16xf32>,
    %get3A_48 = arith.constant 0 : i32
    %get3A_49 = arith.constant 8 : i32
    %get3A_50 = arith.index_cast %get3A_48 : i32 to index
    %get3A_51 = arith.index_cast %get3A_49 : i32 to index
    %get3A_52 = arith.constant 0 : index
    %get3A_53 = tpu.vector_load %arg9[%get3A_50, %get3A_51, %get3A_52] {strides = array<i32>} : memref<2x16x16xf32, #tpu.memory_space<vmem>>, vector<16xf32>,
    %get3A_54 = arith.constant 0 : i32
    %get3A_55 = arith.constant 9 : i32
    %get3A_56 = arith.index_cast %get3A_54 : i32 to index
    %get3A_57 = arith.index_cast %get3A_55 : i32 to index
    %get3A_58 = arith.constant 0 : index
    %get3A_59 = tpu.vector_load %arg9[%get3A_56, %get3A_57, %get3A_58] {strides = array<i32>} : memref<2x16x16xf32, #tpu.memory_space<vmem>>, vector<16xf32>,
    %get3A_60 = arith.constant 0 : i32
    %get3A_61 = arith.constant 10 : i32
    %get3A_62 = arith.index_cast %get3A_60 : i32 to index
    %get3A_63 = arith.index_cast %get3A_61 : i32 to index
    %get3A_64 = arith.constant 0 : index
    %get3A_65 = tpu.vector_load %arg9[%get3A_62, %get3A_63, %get3A_64] {strides = array<i32>} : memref<2x16x16xf32, #tpu.memory_space<vmem>>, vector<16xf32>,
    %get3A_66 = arith.constant 0 : i32
    %get3A_67 = arith.constant 11 : i32
    %get3A_68 = arith.index_cast %get3A_66 : i32 to index
    %get3A_69 = arith.index_cast %get3A_67 : i32 to index
    %get3A_70 = arith.constant 0 : index
    %get3A_71 = tpu.vector_load %arg9[%get3A_68, %get3A_69, %get3A_70] {strides = array<i32>} : memref<2x16x16xf32, #tpu.memory_space<vmem>>, vector<16xf32>,
    %get3A_72 = arith.constant 0 : i32
    %get3A_73 = arith.constant 12 : i32
    %get3A_74 = arith.index_cast %get3A_72 : i32 to index
    %get3A_75 = arith.index_cast %get3A_73 : i32 to index
    %get3A_76 = arith.constant 0 : index
    %get3A_77 = tpu.vector_load %arg9[%get3A_74, %get3A_75, %get3A_76] {strides = array<i32>} : memref<2x16x16xf32, #tpu.memory_space<vmem>>, vector<16xf32>,
    %get3A_78 = arith.constant 0 : i32
    %get3A_79 = arith.constant 13 : i32
    %get3A_80 = arith.index_cast %get3A_78 : i32 to index
    %get3A_81 = arith.index_cast %get3A_79 : i32 to index
    %get3A_82 = arith.constant 0 : index
    %get3A_83 = tpu.vector_load %arg9[%get3A_80, %get3A_81, %get3A_82] {strides = array<i32>} : memref<2x16x16xf32, #tpu.memory_space<vmem>>, vector<16xf32>,
    %get3A_84 = arith.constant 0 : i32
    %get3A_85 = arith.constant 14 : i32
    %get3A_86 = arith.index_cast %get3A_84 : i32 to index
    %get3A_87 = arith.index_cast %get3A_85 : i32 to index
    %get3A_88 = arith.constant 0 : index
    %get3A_89 = tpu.vector_load %arg9[%get3A_86, %get3A_87, %get3A_88] {strides = array<i32>} : memref<2x16x16xf32, #tpu.memory_space<vmem>>, vector<16xf32>,
    %get3A_90 = arith.constant 0 : i32
    %get3A_91 = arith.constant 15 : i32
    %get3A_92 = arith.index_cast %get3A_90 : i32 to index
    %get3A_93 = arith.index_cast %get3A_91 : i32 to index
    %get3A_94 = arith.constant 0 : index
    %get3A_95 = tpu.vector_load %arg9[%get3A_92, %get3A_93, %get3A_94] {strides = array<i32>} : memref<2x16x16xf32, #tpu.memory_space<vmem>>, vector<16xf32>,
    %get3A_96 = arith.constant 1 : i32
    %get3A_97 = arith.constant 0 : i32
    %get3A_98 = arith.index_cast %get3A_96 : i32 to index
    %get3A_99 = arith.index_cast %get3A_97 : i32 to index
    %get3A_100 = arith.constant 0 : index
    %get3A_101 = tpu.vector_load %arg9[%get3A_98, %get3A_99, %get3A_100] {strides = array<i32>} : memref<2x16x16xf32, #tpu.memory_space<vmem>>, vector<16xf32>,
    %get3A_102 = arith.constant 1 : i32
    %get3A_103 = arith.constant 1 : i32
    %get3A_104 = arith.index_cast %get3A_102 : i32 to index
    %get3A_105 = arith.index_cast %get3A_103 : i32 to index
    %get3A_106 = arith.constant 0 : index
    %get3A_107 = tpu.vector_load %arg9[%get3A_104, %get3A_105, %get3A_106] {strides = array<i32>} : memref<2x16x16xf32, #tpu.memory_space<vmem>>, vector<16xf32>,
    %get3A_108 = arith.constant 1 : i32
    %get3A_109 = arith.constant 2 : i32
    %get3A_110 = arith.index_cast %get3A_108 : i32 to index
    %get3A_111 = arith.index_cast %get3A_109 : i32 to index
    %get3A_112 = arith.constant 0 : index
    %get3A_113 = tpu.vector_load %arg9[%get3A_110, %get3A_111, %get3A_112] {strides = array<i32>} : memref<2x16x16xf32, #tpu.memory_space<vmem>>, vector<16xf32>,
    %get3A_114 = arith.constant 1 : i32
    %get3A_115 = arith.constant 3 : i32
    %get3A_116 = arith.index_cast %get3A_114 : i32 to index
    %get3A_117 = arith.index_cast %get3A_115 : i32 to index
    %get3A_118 = arith.constant 0 : index
    %get3A_119 = tpu.vector_load %arg9[%get3A_116, %get3A_117, %get3A_118] {strides = array<i32>} : memref<2x16x16xf32, #tpu.memory_space<vmem>>, vector<16xf32>,
    %get3A_120 = arith.constant 1 : i32
    %get3A_121 = arith.constant 4 : i32
    %get3A_122 = arith.index_cast %get3A_120 : i32 to index
    %get3A_123 = arith.index_cast %get3A_121 : i32 to index
    %get3A_124 = arith.constant 0 : index
    %get3A_125 = tpu.vector_load %arg9[%get3A_122, %get3A_123, %get3A_124] {strides = array<i32>} : memref<2x16x16xf32, #tpu.memory_space<vmem>>, vector<16xf32>,
    %get3A_126 = arith.constant 1 : i32
    %get3A_127 = arith.constant 5 : i32
    %get3A_128 = arith.index_cast %get3A_126 : i32 to index
    %get3A_129 = arith.index_cast %get3A_127 : i32 to index
    %get3A_130 = arith.constant 0 : index
    %get3A_131 = tpu.vector_load %arg9[%get3A_128, %get3A_129, %get3A_130] {strides = array<i32>} : memref<2x16x16xf32, #tpu.memory_space<vmem>>, vector<16xf32>,
    %get3A_132 = arith.constant 1 : i32
    %get3A_133 = arith.constant 6 : i32
    %get3A_134 = arith.index_cast %get3A_132 : i32 to index
    %get3A_135 = arith.index_cast %get3A_133 : i32 to index
    %get3A_136 = arith.constant 0 : index
    %get3A_137 = tpu.vector_load %arg9[%get3A_134, %get3A_135, %get3A_136] {strides = array<i32>} : memref<2x16x16xf32, #tpu.memory_space<vmem>>, vector<16xf32>,
    %get3A_138 = arith.constant 1 : i32
    %get3A_139 = arith.constant 7 : i32
    %get3A_140 = arith.index_cast %get3A_138 : i32 to index
    %get3A_141 = arith.index_cast %get3A_139 : i32 to index
    %get3A_142 = arith.constant 0 : index
    %get3A_143 = tpu.vector_load %arg9[%get3A_140, %get3A_141, %get3A_142] {strides = array<i32>} : memref<2x16x16xf32, #tpu.memory_space<vmem>>, vector<16xf32>,
    %get3A_144 = arith.constant 1 : i32
    %get3A_145 = arith.constant 8 : i32
    %get3A_146 = arith.index_cast %get3A_144 : i32 to index
    %get3A_147 = arith.index_cast %get3A_145 : i32 to index
    %get3A_148 = arith.constant 0 : index
    %get3A_149 = tpu.vector_load %arg9[%get3A_146, %get3A_147, %get3A_148] {strides = array<i32>} : memref<2x16x16xf32, #tpu.memory_space<vmem>>, vector<16xf32>,
    %get3A_150 = arith.constant 1 : i32
    %get3A_151 = arith.constant 9 : i32
    %get3A_152 = arith.index_cast %get3A_150 : i32 to index
    %get3A_153 = arith.index_cast %get3A_151 : i32 to index
    %get3A_154 = arith.constant 0 : index
    %get3A_155 = tpu.vector_load %arg9[%get3A_152, %get3A_153, %get3A_154] {strides = array<i32>} : memref<2x16x16xf32, #tpu.memory_space<vmem>>, vector<16xf32>,
    %get3A_156 = arith.constant 1 : i32
    %get3A_157 = arith.constant 10 : i32
    %get3A_158 = arith.index_cast %get3A_156 : i32 to index
    %get3A_159 = arith.index_cast %get3A_157 : i32 to index
    %get3A_160 = arith.constant 0 : index
    %get3A_161 = tpu.vector_load %arg9[%get3A_158, %get3A_159, %get3A_160] {strides = array<i32>} : memref<2x16x16xf32, #tpu.memory_space<vmem>>, vector<16xf32>,
    %get3A_162 = arith.constant 1 : i32
    %get3A_163 = arith.constant 11 : i32
    %get3A_164 = arith.index_cast %get3A_162 : i32 to index
    %get3A_165 = arith.index_cast %get3A_163 : i32 to index
    %get3A_166 = arith.constant 0 : index
    %get3A_167 = tpu.vector_load %arg9[%get3A_164, %get3A_165, %get3A_166] {strides = array<i32>} : memref<2x16x16xf32, #tpu.memory_space<vmem>>, vector<16xf32>,
    %get3A_168 = arith.constant 1 : i32
    %get3A_169 = arith.constant 12 : i32
    %get3A_170 = arith.index_cast %get3A_168 : i32 to index
    %get3A_171 = arith.index_cast %get3A_169 : i32 to index
    %get3A_172 = arith.constant 0 : index
    %get3A_173 = tpu.vector_load %arg9[%get3A_170, %get3A_171, %get3A_172] {strides = array<i32>} : memref<2x16x16xf32, #tpu.memory_space<vmem>>, vector<16xf32>,
    %get3A_174 = arith.constant 1 : i32
    %get3A_175 = arith.constant 13 : i32
    %get3A_176 = arith.index_cast %get3A_174 : i32 to index
    %get3A_177 = arith.index_cast %get3A_175 : i32 to index
    %get3A_178 = arith.constant 0 : index
    %get3A_179 = tpu.vector_load %arg9[%get3A_176, %get3A_177, %get3A_178] {strides = array<i32>} : memref<2x16x16xf32, #tpu.memory_space<vmem>>, vector<16xf32>,
    %get3A_180 = arith.constant 1 : i32
    %get3A_181 = arith.constant 14 : i32
    %get3A_182 = arith.index_cast %get3A_180 : i32 to index
    %get3A_183 = arith.index_cast %get3A_181 : i32 to index
    %get3A_184 = arith.constant 0 : index
    %get3A_185 = tpu.vector_load %arg9[%get3A_182, %get3A_183, %get3A_184] {strides = array<i32>} : memref<2x16x16xf32, #tpu.memory_space<vmem>>, vector<16xf32>,
    %get3A_186 = arith.constant 1 : i32
    %get3A_187 = arith.constant 15 : i32
    %get3A_188 = arith.index_cast %get3A_186 : i32 to index
    %get3A_189 = arith.index_cast %get3A_187 : i32 to index
    %get3A_190 = arith.constant 0 : index
    %get3A_191 = tpu.vector_load %arg9[%get3A_188, %get3A_189, %get3A_190] {strides = array<i32>} : memref<2x16x16xf32, #tpu.memory_space<vmem>>, vector<16xf32>,
    %mul3A_192 = arith.constant 32 : i32
    %mul3A_193 = arith.muli %add3A, %mul3A_192 : i32
    %add3A_194 = arith.constant 0 : i32
    %add3A_195 = arith.addi %mul3A_193, %add3A_194 : i32
    %get3A_196 = arith.index_cast %add3A_195 : i32 to index
    %get3A_197 = tpu.vector_load %arg7[%get3A_196] {strides = array<i32>} : memref<3072xf32, #tpu.memory_space<vmem>>, vector<16xf32>,
    %add3A_198 = arith.constant 1024 : i32
    %add3A_199 = arith.addi %add3A_198, %add3A_195 : i32
    %get3A_200 = arith.index_cast %add3A_199 : i32 to index
    %get3A_201 = tpu.vector_load %arg7[%get3A_200] {strides = array<i32>} : memref<3072xf32, #tpu.memory_space<vmem>>, vector<16xf32>,
    %add3A_202 = arith.constant 2048 : i32
    %add3A_203 = arith.addi %add3A_202, %add3A_195 : i32
    %get3A_204 = arith.index_cast %add3A_203 : i32 to index
    %get3A_205 = tpu.vector_load %arg7[%get3A_204] {strides = array<i32>} : memref<3072xf32, #tpu.memory_space<vmem>>, vector<16xf32>,
    %broadcast_in_dim3A = arith.constant 0.000000e+00 : f32
    %broadcast_in_dim3A_206 = vector.broadcast %broadcast_in_dim3A : f32 to vector<16xf32>
    %scan3A = arith.constant 0 : i32
    %scan3A_207 = arith.constant 32 : i32
    %scan3A_208 = arith.addi %scan3A, %scan3A_207 : i32
    %scan3A_209 = arith.constant 1 : i32
    %scan3A_210:10 = scf.for %scan3A_248 = %scan3A to %scan3A_208 step %scan3A_209 iter_args(%scan3A_249 = %broadcast_in_dim3A_206, %scan3A_250 = %broadcast_in_dim3A_206, %scan3A_251 = %broadcast_in_dim3A_206, %scan3A_252 = %broadcast_in_dim3A_206, %scan3A_253 = %broadcast_in_dim3A_206, %scan3A_254 = %broadcast_in_dim3A_206, %scan3A_255 = %broadcast_in_dim3A_206, %scan3A_256 = %broadcast_in_dim3A_206, %scan3A_257 = %broadcast_in_dim3A_206, %scan3A_258 = %broadcast_in_dim3A_206) -> (vector<16xf32>, vector<16xf32>, vector<16xf32>, vector<16xf32>, vector<16xf32>, vector<16xf32>, vector<16xf32>, vector<16xf32>, vector<16xf32>, vector<16xf32>)  : i32 {
      %get3A_259 = arith.index_cast %scan3A_248 : i32 to index
      %get3A_260 = arith.constant 0 : index
      %get3A_261 = tpu.vector_load %arg8[%get3A_259, %get3A_260] {strides = array<i32>} : memref<32x32xi32, #tpu.memory_space<vmem>>, vector<16xi32>,
      %gather3A = tpu.vector_load_idx %arg7[%get3A_261] : memref<3072xf32, #tpu.memory_space<vmem>>[vector<16xi32>], vector<16xf32>,
      %add3A_262 = arith.constant 1024 : i32
      %add3A_263 = vector.broadcast %add3A_262 : i32 to vector<16xi32>
      %add3A_264 = arith.addi %get3A_261, %add3A_263 : vector<16xi32>
      %gather3A_265 = tpu.vector_load_idx %arg7[%add3A_264] : memref<3072xf32, #tpu.memory_space<vmem>>[vector<16xi32>], vector<16xf32>,
      %add3A_266 = arith.constant 2048 : i32
      %add3A_267 = vector.broadcast %add3A_266 : i32 to vector<16xi32>
      %add3A_268 = arith.addi %get3A_261, %add3A_267 : vector<16xi32>
      %gather3A_269 = tpu.vector_load_idx %arg7[%add3A_268] : memref<3072xf32, #tpu.memory_space<vmem>>[vector<16xi32>], vector<16xf32>,
      %sub3A = arith.subf %gather3A, %get3A_197 : vector<16xf32>
      %sub3A_270 = arith.subf %gather3A_265, %get3A_201 : vector<16xf32>
      %sub3A_271 = arith.subf %gather3A_269, %get3A_205 : vector<16xf32>
      %mul3A_272 = arith.mulf %sub3A, %sub3A : vector<16xf32>
      %mul3A_273 = arith.mulf %sub3A_270, %sub3A_270 : vector<16xf32>
      %add3A_274 = arith.addf %mul3A_272, %mul3A_273 : vector<16xf32>
      %mul3A_275 = arith.mulf %sub3A_271, %sub3A_271 : vector<16xf32>
      %add3A_276 = arith.addf %add3A_274, %mul3A_275 : vector<16xf32>
      %add3A_277 = arith.constant 1.000000e-10 : f32
      %add3A_278 = vector.broadcast %add3A_277 : f32 to vector<16xf32>
      %add3A_279 = arith.addf %add3A_276, %add3A_278 : vector<16xf32>
      %bitcast_convert_type3A = tpu.bitcast %add3A_279 : vector<16xf32> -> vector<16xi32>
      %shift_right_arithmetic3A = arith.constant 1 : i32
      %shift_right_arithmetic3A_280 = vector.broadcast %shift_right_arithmetic3A : i32 to vector<16xi32>
      %shift_right_arithmetic3A_281 = arith.shrsi %bitcast_convert_type3A, %shift_right_arithmetic3A_280 : vector<16xi32>
      %sub3A_282 = arith.constant 1597463007 : i32
      %sub3A_283 = vector.broadcast %sub3A_282 : i32 to vector<16xi32>
      %sub3A_284 = arith.subi %sub3A_283, %shift_right_arithmetic3A_281 : vector<16xi32>
      %bitcast_convert_type3A_285 = tpu.bitcast %sub3A_284 : vector<16xi32> -> vector<16xf32>
      %mul3A_286 = arith.constant 5.000000e-01 : f32
      %mul3A_287 = vector.broadcast %mul3A_286 : f32 to vector<16xf32>
      %mul3A_288 = arith.mulf %mul3A_287, %add3A_279 : vector<16xf32>
      %mul3A_289 = arith.mulf %mul3A_288, %bitcast_convert_type3A_285 : vector<16xf32>
      %mul3A_290 = arith.mulf %mul3A_289, %bitcast_convert_type3A_285 : vector<16xf32>
      %sub3A_291 = arith.constant 1.500000e+00 : f32
      %sub3A_292 = vector.broadcast %sub3A_291 : f32 to vector<16xf32>
      %sub3A_293 = arith.subf %sub3A_292, %mul3A_290 : vector<16xf32>
      %mul3A_294 = arith.mulf %bitcast_convert_type3A_285, %sub3A_293 : vector<16xf32>
      %mul3A_295 = arith.constant 5.000000e-01 : f32
      %mul3A_296 = vector.broadcast %mul3A_295 : f32 to vector<16xf32>
      %mul3A_297 = arith.mulf %mul3A_296, %add3A_279 : vector<16xf32>
      %mul3A_298 = arith.mulf %mul3A_297, %mul3A_294 : vector<16xf32>
      %mul3A_299 = arith.mulf %mul3A_298, %mul3A_294 : vector<16xf32>
      %sub3A_300 = arith.constant 1.500000e+00 : f32
      %sub3A_301 = vector.broadcast %sub3A_300 : f32 to vector<16xf32>
      %sub3A_302 = arith.subf %sub3A_301, %mul3A_299 : vector<16xf32>
      %mul3A_303 = arith.mulf %mul3A_294, %sub3A_302 : vector<16xf32>
      %mul3A_304 = arith.mulf %add3A_279, %mul3A_303 : vector<16xf32>
      %min3A = arith.constant 5.000000e+00 : f32
      %min3A_305 = vector.broadcast %min3A : f32 to vector<16xf32>
      %min3A_306 = arith.minimumf %mul3A_304, %min3A_305 : vector<16xf32>
      %mul3A_307 = arith.constant 0.314159274 : f32
      %mul3A_308 = vector.broadcast %mul3A_307 : f32 to vector<16xf32>
      %mul3A_309 = arith.mulf %min3A_306, %mul3A_308 : vector<16xf32>
      %mul3A_310 = arith.mulf %mul3A_309, %mul3A_309 : vector<16xf32>
      %mul3A_311 = arith.constant 2.755732E-7 : f32
      %mul3A_312 = vector.broadcast %mul3A_311 : f32 to vector<16xf32>
      %mul3A_313 = arith.mulf %mul3A_310, %mul3A_312 : vector<16xf32>
      %sub3A_314 = arith.constant 2.48015876E-5 : f32
      %sub3A_315 = vector.broadcast %sub3A_314 : f32 to vector<16xf32>
      %sub3A_316 = arith.subf %sub3A_315, %mul3A_313 : vector<16xf32>
      %mul3A_317 = arith.mulf %mul3A_310, %sub3A_316 : vector<16xf32>
      %add3A_318 = arith.constant -0.00138888892 : f32
      %add3A_319 = vector.broadcast %add3A_318 : f32 to vector<16xf32>
      %add3A_320 = arith.addf %add3A_319, %mul3A_317 : vector<16xf32>
      %mul3A_321 = arith.mulf %mul3A_310, %add3A_320 : vector<16xf32>
      %add3A_322 = arith.constant 0.0416666679 : f32
      %add3A_323 = vector.broadcast %add3A_322 : f32 to vector<16xf32>
      %add3A_324 = arith.addf %add3A_323, %mul3A_321 : vector<16xf32>
      %mul3A_325 = arith.mulf %mul3A_310, %add3A_324 : vector<16xf32>
      %add3A_326 = arith.constant -5.000000e-01 : f32
      %add3A_327 = vector.broadcast %add3A_326 : f32 to vector<16xf32>
      %add3A_328 = arith.addf %add3A_327, %mul3A_325 : vector<16xf32>
      %mul3A_329 = arith.mulf %mul3A_310, %add3A_328 : vector<16xf32>
      %add3A_330 = arith.constant 1.000000e+00 : f32
      %add3A_331 = vector.broadcast %add3A_330 : f32 to vector<16xf32>
      %add3A_332 = arith.addf %add3A_331, %mul3A_329 : vector<16xf32>
      %mul3A_333 = arith.mulf %add3A_332, %add3A_332 : vector<16xf32>
      %broadcast_in_dim3A_334 = arith.constant 0.000000e+00 : f32
      %broadcast_in_dim3A_335 = vector.broadcast %broadcast_in_dim3A_334 : f32 to vector<16xf32>
      %sub3A_336 = arith.subf %mul3A_304, %get3A_5 : vector<16xf32>
      %mul3A_337 = arith.mulf %sub3A_336, %sub3A_336 : vector<16xf32>
      %neg3A = arith.constant 0.000000e+00 : f32
      %neg3A_338 = vector.broadcast %neg3A : f32 to vector<16xf32>
      %neg3A_339 = arith.subf %neg3A_338, %mul3A_337 : vector<16xf32>
      %exp3A = math.exp %neg3A_339 : vector<16xf32>
      %mul3A_340 = arith.mulf %get3A_101, %exp3A : vector<16xf32>
      %add3A_341 = arith.addf %broadcast_in_dim3A_335, %mul3A_340 : vector<16xf32>
      %sub3A_342 = arith.subf %mul3A_304, %get3A_11 : vector<16xf32>
      %mul3A_343 = arith.mulf %sub3A_342, %sub3A_342 : vector<16xf32>
      %neg3A_344 = arith.constant 0.000000e+00 : f32
      %neg3A_345 = vector.broadcast %neg3A_344 : f32 to vector<16xf32>
      %neg3A_346 = arith.subf %neg3A_345, %mul3A_343 : vector<16xf32>
      %exp3A_347 = math.exp %neg3A_346 : vector<16xf32>
      %mul3A_348 = arith.mulf %get3A_107, %exp3A_347 : vector<16xf32>
      %add3A_349 = arith.addf %add3A_341, %mul3A_348 : vector<16xf32>
      %sub3A_350 = arith.subf %mul3A_304, %get3A_17 : vector<16xf32>
      %mul3A_351 = arith.mulf %sub3A_350, %sub3A_350 : vector<16xf32>
      %neg3A_352 = arith.constant 0.000000e+00 : f32
      %neg3A_353 = vector.broadcast %neg3A_352 : f32 to vector<16xf32>
      %neg3A_354 = arith.subf %neg3A_353, %mul3A_351 : vector<16xf32>
      %exp3A_355 = math.exp %neg3A_354 : vector<16xf32>
      %mul3A_356 = arith.mulf %get3A_113, %exp3A_355 : vector<16xf32>
      %add3A_357 = arith.addf %add3A_349, %mul3A_356 : vector<16xf32>
      %sub3A_358 = arith.subf %mul3A_304, %get3A_23 : vector<16xf32>
      %mul3A_359 = arith.mulf %sub3A_358, %sub3A_358 : vector<16xf32>
      %neg3A_360 = arith.constant 0.000000e+00 : f32
      %neg3A_361 = vector.broadcast %neg3A_360 : f32 to vector<16xf32>
      %neg3A_362 = arith.subf %neg3A_361, %mul3A_359 : vector<16xf32>
      %exp3A_363 = math.exp %neg3A_362 : vector<16xf32>
      %mul3A_364 = arith.mulf %get3A_119, %exp3A_363 : vector<16xf32>
      %add3A_365 = arith.addf %add3A_357, %mul3A_364 : vector<16xf32>
      %sub3A_366 = arith.subf %mul3A_304, %get3A_29 : vector<16xf32>
      %mul3A_367 = arith.mulf %sub3A_366, %sub3A_366 : vector<16xf32>
      %neg3A_368 = arith.constant 0.000000e+00 : f32
      %neg3A_369 = vector.broadcast %neg3A_368 : f32 to vector<16xf32>
      %neg3A_370 = arith.subf %neg3A_369, %mul3A_367 : vector<16xf32>
      %exp3A_371 = math.exp %neg3A_370 : vector<16xf32>
      %mul3A_372 = arith.mulf %get3A_125, %exp3A_371 : vector<16xf32>
      %add3A_373 = arith.addf %add3A_365, %mul3A_372 : vector<16xf32>
      %sub3A_374 = arith.subf %mul3A_304, %get3A_35 : vector<16xf32>
      %mul3A_375 = arith.mulf %sub3A_374, %sub3A_374 : vector<16xf32>
      %neg3A_376 = arith.constant 0.000000e+00 : f32
      %neg3A_377 = vector.broadcast %neg3A_376 : f32 to vector<16xf32>
      %neg3A_378 = arith.subf %neg3A_377, %mul3A_375 : vector<16xf32>
      %exp3A_379 = math.exp %neg3A_378 : vector<16xf32>
      %mul3A_380 = arith.mulf %get3A_131, %exp3A_379 : vector<16xf32>
      %add3A_381 = arith.addf %add3A_373, %mul3A_380 : vector<16xf32>
      %sub3A_382 = arith.subf %mul3A_304, %get3A_41 : vector<16xf32>
      %mul3A_383 = arith.mulf %sub3A_382, %sub3A_382 : vector<16xf32>
      %neg3A_384 = arith.constant 0.000000e+00 : f32
      %neg3A_385 = vector.broadcast %neg3A_384 : f32 to vector<16xf32>
      %neg3A_386 = arith.subf %neg3A_385, %mul3A_383 : vector<16xf32>
      %exp3A_387 = math.exp %neg3A_386 : vector<16xf32>
      %mul3A_388 = arith.mulf %get3A_137, %exp3A_387 : vector<16xf32>
      %add3A_389 = arith.addf %add3A_381, %mul3A_388 : vector<16xf32>
      %sub3A_390 = arith.subf %mul3A_304, %get3A_47 : vector<16xf32>
      %mul3A_391 = arith.mulf %sub3A_390, %sub3A_390 : vector<16xf32>
      %neg3A_392 = arith.constant 0.000000e+00 : f32
      %neg3A_393 = vector.broadcast %neg3A_392 : f32 to vector<16xf32>
      %neg3A_394 = arith.subf %neg3A_393, %mul3A_391 : vector<16xf32>
      %exp3A_395 = math.exp %neg3A_394 : vector<16xf32>
      %mul3A_396 = arith.mulf %get3A_143, %exp3A_395 : vector<16xf32>
      %add3A_397 = arith.addf %add3A_389, %mul3A_396 : vector<16xf32>
      %sub3A_398 = arith.subf %mul3A_304, %get3A_53 : vector<16xf32>
      %mul3A_399 = arith.mulf %sub3A_398, %sub3A_398 : vector<16xf32>
      %neg3A_400 = arith.constant 0.000000e+00 : f32
      %neg3A_401 = vector.broadcast %neg3A_400 : f32 to vector<16xf32>
      %neg3A_402 = arith.subf %neg3A_401, %mul3A_399 : vector<16xf32>
      %exp3A_403 = math.exp %neg3A_402 : vector<16xf32>
      %mul3A_404 = arith.mulf %get3A_149, %exp3A_403 : vector<16xf32>
      %add3A_405 = arith.addf %add3A_397, %mul3A_404 : vector<16xf32>
      %sub3A_406 = arith.subf %mul3A_304, %get3A_59 : vector<16xf32>
      %mul3A_407 = arith.mulf %sub3A_406, %sub3A_406 : vector<16xf32>
      %neg3A_408 = arith.constant 0.000000e+00 : f32
      %neg3A_409 = vector.broadcast %neg3A_408 : f32 to vector<16xf32>
      %neg3A_410 = arith.subf %neg3A_409, %mul3A_407 : vector<16xf32>
      %exp3A_411 = math.exp %neg3A_410 : vector<16xf32>
      %mul3A_412 = arith.mulf %get3A_155, %exp3A_411 : vector<16xf32>
      %add3A_413 = arith.addf %add3A_405, %mul3A_412 : vector<16xf32>
      %sub3A_414 = arith.subf %mul3A_304, %get3A_65 : vector<16xf32>
      %mul3A_415 = arith.mulf %sub3A_414, %sub3A_414 : vector<16xf32>
      %neg3A_416 = arith.constant 0.000000e+00 : f32
      %neg3A_417 = vector.broadcast %neg3A_416 : f32 to vector<16xf32>
      %neg3A_418 = arith.subf %neg3A_417, %mul3A_415 : vector<16xf32>
      %exp3A_419 = math.exp %neg3A_418 : vector<16xf32>
      %mul3A_420 = arith.mulf %get3A_161, %exp3A_419 : vector<16xf32>
      %add3A_421 = arith.addf %add3A_413, %mul3A_420 : vector<16xf32>
      %sub3A_422 = arith.subf %mul3A_304, %get3A_71 : vector<16xf32>
      %mul3A_423 = arith.mulf %sub3A_422, %sub3A_422 : vector<16xf32>
      %neg3A_424 = arith.constant 0.000000e+00 : f32
      %neg3A_425 = vector.broadcast %neg3A_424 : f32 to vector<16xf32>
      %neg3A_426 = arith.subf %neg3A_425, %mul3A_423 : vector<16xf32>
      %exp3A_427 = math.exp %neg3A_426 : vector<16xf32>
      %mul3A_428 = arith.mulf %get3A_167, %exp3A_427 : vector<16xf32>
      %add3A_429 = arith.addf %add3A_421, %mul3A_428 : vector<16xf32>
      %sub3A_430 = arith.subf %mul3A_304, %get3A_77 : vector<16xf32>
      %mul3A_431 = arith.mulf %sub3A_430, %sub3A_430 : vector<16xf32>
      %neg3A_432 = arith.constant 0.000000e+00 : f32
      %neg3A_433 = vector.broadcast %neg3A_432 : f32 to vector<16xf32>
      %neg3A_434 = arith.subf %neg3A_433, %mul3A_431 : vector<16xf32>
      %exp3A_435 = math.exp %neg3A_434 : vector<16xf32>
      %mul3A_436 = arith.mulf %get3A_173, %exp3A_435 : vector<16xf32>
      %add3A_437 = arith.addf %add3A_429, %mul3A_436 : vector<16xf32>
      %sub3A_438 = arith.subf %mul3A_304, %get3A_83 : vector<16xf32>
      %mul3A_439 = arith.mulf %sub3A_438, %sub3A_438 : vector<16xf32>
      %neg3A_440 = arith.constant 0.000000e+00 : f32
      %neg3A_441 = vector.broadcast %neg3A_440 : f32 to vector<16xf32>
      %neg3A_442 = arith.subf %neg3A_441, %mul3A_439 : vector<16xf32>
      %exp3A_443 = math.exp %neg3A_442 : vector<16xf32>
      %mul3A_444 = arith.mulf %get3A_179, %exp3A_443 : vector<16xf32>
      %add3A_445 = arith.addf %add3A_437, %mul3A_444 : vector<16xf32>
      %sub3A_446 = arith.subf %mul3A_304, %get3A_89 : vector<16xf32>
      %mul3A_447 = arith.mulf %sub3A_446, %sub3A_446 : vector<16xf32>
      %neg3A_448 = arith.constant 0.000000e+00 : f32
      %neg3A_449 = vector.broadcast %neg3A_448 : f32 to vector<16xf32>
      %neg3A_450 = arith.subf %neg3A_449, %mul3A_447 : vector<16xf32>
      %exp3A_451 = math.exp %neg3A_450 : vector<16xf32>
      %mul3A_452 = arith.mulf %get3A_185, %exp3A_451 : vector<16xf32>
      %add3A_453 = arith.addf %add3A_445, %mul3A_452 : vector<16xf32>
      %sub3A_454 = arith.subf %mul3A_304, %get3A_95 : vector<16xf32>
      %mul3A_455 = arith.mulf %sub3A_454, %sub3A_454 : vector<16xf32>
      %neg3A_456 = arith.constant 0.000000e+00 : f32
      %neg3A_457 = vector.broadcast %neg3A_456 : f32 to vector<16xf32>
      %neg3A_458 = arith.subf %neg3A_457, %mul3A_455 : vector<16xf32>
      %exp3A_459 = math.exp %neg3A_458 : vector<16xf32>
      %mul3A_460 = arith.mulf %get3A_191, %exp3A_459 : vector<16xf32>
      %add3A_461 = arith.addf %add3A_453, %mul3A_460 : vector<16xf32>
      %mul3A_462 = arith.mulf %add3A_461, %mul3A_333 : vector<16xf32>
      %mul3A_463 = arith.mulf %mul3A_462, %sub3A : vector<16xf32>
      %mul3A_464 = arith.mulf %mul3A_462, %sub3A_270 : vector<16xf32>
      %mul3A_465 = arith.mulf %mul3A_462, %sub3A_271 : vector<16xf32>
      %add3A_466 = arith.addf %scan3A_249, %mul3A_462 : vector<16xf32>
      %add3A_467 = arith.addf %scan3A_250, %mul3A_463 : vector<16xf32>
      %add3A_468 = arith.addf %scan3A_251, %mul3A_464 : vector<16xf32>
      %add3A_469 = arith.addf %scan3A_252, %mul3A_465 : vector<16xf32>
      %mul3A_470 = arith.mulf %mul3A_463, %sub3A : vector<16xf32>
      %add3A_471 = arith.addf %scan3A_253, %mul3A_470 : vector<16xf32>
      %mul3A_472 = arith.mulf %mul3A_463, %sub3A_270 : vector<16xf32>
      %add3A_473 = arith.addf %scan3A_254, %mul3A_472 : vector<16xf32>
      %mul3A_474 = arith.mulf %mul3A_463, %sub3A_271 : vector<16xf32>
      %add3A_475 = arith.addf %scan3A_255, %mul3A_474 : vector<16xf32>
      %mul3A_476 = arith.mulf %mul3A_464, %sub3A_270 : vector<16xf32>
      %add3A_477 = arith.addf %scan3A_256, %mul3A_476 : vector<16xf32>
      %mul3A_478 = arith.mulf %mul3A_464, %sub3A_271 : vector<16xf32>
      %add3A_479 = arith.addf %scan3A_257, %mul3A_478 : vector<16xf32>
      %mul3A_480 = arith.mulf %mul3A_465, %sub3A_271 : vector<16xf32>
      %add3A_481 = arith.addf %scan3A_258, %mul3A_480 : vector<16xf32>
      scf.yield %add3A_466, %add3A_467, %add3A_468, %add3A_469, %add3A_471, %add3A_473, %add3A_475, %add3A_477, %add3A_479, %add3A_481 : vector<16xf32>, vector<16xf32>, vector<16xf32>, vector<16xf32>, vector<16xf32>, vector<16xf32>, vector<16xf32>, vector<16xf32>, vector<16xf32>, vector<16xf32>
    }
    %scan3A_211 = arith.constant 32 : i32
    %scan3A_212 = arith.constant 0 : i32
    %scan3A_213 = arith.constant 0 : i32
    %scan3A_214 = arith.constant 32 : i32
    %scan3A_215 = arith.addi %scan3A_213, %scan3A_214 : i32
    %scan3A_216 = arith.constant 1 : i32
    %scan3A_217 = scf.for %scan3A_248 = %scan3A_213 to %scan3A_215 step %scan3A_216 iter_args(%scan3A_249 = %scan3A_212) -> (i32)  : i32 {
      %get3A_250 = arith.index_cast %scan3A_248 : i32 to index
      %get3A_251 = arith.constant 0 : index
      %get3A_252 = tpu.vector_load %arg10[%get3A_250, %get3A_251] {strides = array<i32>} : memref<416x32xf32, #tpu.memory_space<vmem>>, vector<16xf32>,
      %mul3A_253 = arith.constant 3 : i32
      %mul3A_254 = arith.muli %scan3A_248, %mul3A_253 : i32
      %add3A_255 = arith.constant 32 : i32
      %add3A_256 = arith.addi %add3A_255, %mul3A_254 : i32
      %add3A_257 = arith.constant 0 : i32
      %add3A_258 = arith.addi %add3A_256, %add3A_257 : i32
      %get3A_259 = arith.index_cast %add3A_258 : i32 to index
      %get3A_260 = arith.constant 0 : index
      %get3A_261 = tpu.vector_load %arg10[%get3A_259, %get3A_260] {strides = array<i32>} : memref<416x32xf32, #tpu.memory_space<vmem>>, vector<16xf32>,
      %mul3A_262 = arith.constant 3 : i32
      %mul3A_263 = arith.muli %scan3A_248, %mul3A_262 : i32
      %add3A_264 = arith.constant 32 : i32
      %add3A_265 = arith.addi %add3A_264, %mul3A_263 : i32
      %add3A_266 = arith.constant 1 : i32
      %add3A_267 = arith.addi %add3A_265, %add3A_266 : i32
      %get3A_268 = arith.index_cast %add3A_267 : i32 to index
      %get3A_269 = arith.constant 0 : index
      %get3A_270 = tpu.vector_load %arg10[%get3A_268, %get3A_269] {strides = array<i32>} : memref<416x32xf32, #tpu.memory_space<vmem>>, vector<16xf32>,
      %mul3A_271 = arith.constant 3 : i32
      %mul3A_272 = arith.muli %scan3A_248, %mul3A_271 : i32
      %add3A_273 = arith.constant 32 : i32
      %add3A_274 = arith.addi %add3A_273, %mul3A_272 : i32
      %add3A_275 = arith.constant 2 : i32
      %add3A_276 = arith.addi %add3A_274, %add3A_275 : i32
      %get3A_277 = arith.index_cast %add3A_276 : i32 to index
      %get3A_278 = arith.constant 0 : index
      %get3A_279 = tpu.vector_load %arg10[%get3A_277, %get3A_278] {strides = array<i32>} : memref<416x32xf32, #tpu.memory_space<vmem>>, vector<16xf32>,
      %mul3A_280 = arith.constant 9 : i32
      %mul3A_281 = arith.muli %scan3A_248, %mul3A_280 : i32
      %add3A_282 = arith.constant 128 : i32
      %add3A_283 = arith.addi %add3A_282, %mul3A_281 : i32
      %add3A_284 = arith.constant 0 : i32
      %add3A_285 = arith.addi %add3A_283, %add3A_284 : i32
      %add3A_286 = arith.constant 0 : i32
      %add3A_287 = arith.addi %add3A_285, %add3A_286 : i32
      %get3A_288 = arith.index_cast %add3A_287 : i32 to index
      %get3A_289 = arith.constant 0 : index
      %get3A_290 = tpu.vector_load %arg10[%get3A_288, %get3A_289] {strides = array<i32>} : memref<416x32xf32, #tpu.memory_space<vmem>>, vector<16xf32>,
      %mul3A_291 = arith.constant 9 : i32
      %mul3A_292 = arith.muli %scan3A_248, %mul3A_291 : i32
      %add3A_293 = arith.constant 128 : i32
      %add3A_294 = arith.addi %add3A_293, %mul3A_292 : i32
      %add3A_295 = arith.constant 0 : i32
      %add3A_296 = arith.addi %add3A_294, %add3A_295 : i32
      %add3A_297 = arith.constant 1 : i32
      %add3A_298 = arith.addi %add3A_296, %add3A_297 : i32
      %get3A_299 = arith.index_cast %add3A_298 : i32 to index
      %get3A_300 = arith.constant 0 : index
      %get3A_301 = tpu.vector_load %arg10[%get3A_299, %get3A_300] {strides = array<i32>} : memref<416x32xf32, #tpu.memory_space<vmem>>, vector<16xf32>,
      %mul3A_302 = arith.constant 9 : i32
      %mul3A_303 = arith.muli %scan3A_248, %mul3A_302 : i32
      %add3A_304 = arith.constant 128 : i32
      %add3A_305 = arith.addi %add3A_304, %mul3A_303 : i32
      %add3A_306 = arith.constant 0 : i32
      %add3A_307 = arith.addi %add3A_305, %add3A_306 : i32
      %add3A_308 = arith.constant 2 : i32
      %add3A_309 = arith.addi %add3A_307, %add3A_308 : i32
      %get3A_310 = arith.index_cast %add3A_309 : i32 to index
      %get3A_311 = arith.constant 0 : index
      %get3A_312 = tpu.vector_load %arg10[%get3A_310, %get3A_311] {strides = array<i32>} : memref<416x32xf32, #tpu.memory_space<vmem>>, vector<16xf32>,
      %mul3A_313 = arith.constant 9 : i32
      %mul3A_314 = arith.muli %scan3A_248, %mul3A_313 : i32
      %add3A_315 = arith.constant 128 : i32
      %add3A_316 = arith.addi %add3A_315, %mul3A_314 : i32
      %add3A_317 = arith.constant 3 : i32
      %add3A_318 = arith.addi %add3A_316, %add3A_317 : i32
      %add3A_319 = arith.constant 0 : i32
      %add3A_320 = arith.addi %add3A_318, %add3A_319 : i32
      %get3A_321 = arith.index_cast %add3A_320 : i32 to index
      %get3A_322 = arith.constant 0 : index
      %get3A_323 = tpu.vector_load %arg10[%get3A_321, %get3A_322] {strides = array<i32>} : memref<416x32xf32, #tpu.memory_space<vmem>>, vector<16xf32>,
      %mul3A_324 = arith.constant 9 : i32
      %mul3A_325 = arith.muli %scan3A_248, %mul3A_324 : i32
      %add3A_326 = arith.constant 128 : i32
      %add3A_327 = arith.addi %add3A_326, %mul3A_325 : i32
      %add3A_328 = arith.constant 3 : i32
      %add3A_329 = arith.addi %add3A_327, %add3A_328 : i32
      %add3A_330 = arith.constant 1 : i32
      %add3A_331 = arith.addi %add3A_329, %add3A_330 : i32
      %get3A_332 = arith.index_cast %add3A_331 : i32 to index
      %get3A_333 = arith.constant 0 : index
      %get3A_334 = tpu.vector_load %arg10[%get3A_332, %get3A_333] {strides = array<i32>} : memref<416x32xf32, #tpu.memory_space<vmem>>, vector<16xf32>,
      %mul3A_335 = arith.constant 9 : i32
      %mul3A_336 = arith.muli %scan3A_248, %mul3A_335 : i32
      %add3A_337 = arith.constant 128 : i32
      %add3A_338 = arith.addi %add3A_337, %mul3A_336 : i32
      %add3A_339 = arith.constant 3 : i32
      %add3A_340 = arith.addi %add3A_338, %add3A_339 : i32
      %add3A_341 = arith.constant 2 : i32
      %add3A_342 = arith.addi %add3A_340, %add3A_341 : i32
      %get3A_343 = arith.index_cast %add3A_342 : i32 to index
      %get3A_344 = arith.constant 0 : index
      %get3A_345 = tpu.vector_load %arg10[%get3A_343, %get3A_344] {strides = array<i32>} : memref<416x32xf32, #tpu.memory_space<vmem>>, vector<16xf32>,
      %mul3A_346 = arith.constant 9 : i32
      %mul3A_347 = arith.muli %scan3A_248, %mul3A_346 : i32
      %add3A_348 = arith.constant 128 : i32
      %add3A_349 = arith.addi %add3A_348, %mul3A_347 : i32
      %add3A_350 = arith.constant 6 : i32
      %add3A_351 = arith.addi %add3A_349, %add3A_350 : i32
      %add3A_352 = arith.constant 0 : i32
      %add3A_353 = arith.addi %add3A_351, %add3A_352 : i32
      %get3A_354 = arith.index_cast %add3A_353 : i32 to index
      %get3A_355 = arith.constant 0 : index
      %get3A_356 = tpu.vector_load %arg10[%get3A_354, %get3A_355] {strides = array<i32>} : memref<416x32xf32, #tpu.memory_space<vmem>>, vector<16xf32>,
      %mul3A_357 = arith.constant 9 : i32
      %mul3A_358 = arith.muli %scan3A_248, %mul3A_357 : i32
      %add3A_359 = arith.constant 128 : i32
      %add3A_360 = arith.addi %add3A_359, %mul3A_358 : i32
      %add3A_361 = arith.constant 6 : i32
      %add3A_362 = arith.addi %add3A_360, %add3A_361 : i32
      %add3A_363 = arith.constant 1 : i32
      %add3A_364 = arith.addi %add3A_362, %add3A_363 : i32
      %get3A_365 = arith.index_cast %add3A_364 : i32 to index
      %get3A_366 = arith.constant 0 : index
      %get3A_367 = tpu.vector_load %arg10[%get3A_365, %get3A_366] {strides = array<i32>} : memref<416x32xf32, #tpu.memory_space<vmem>>, vector<16xf32>,
      %mul3A_368 = arith.constant 9 : i32
      %mul3A_369 = arith.muli %scan3A_248, %mul3A_368 : i32
      %add3A_370 = arith.constant 128 : i32
      %add3A_371 = arith.addi %add3A_370, %mul3A_369 : i32
      %add3A_372 = arith.constant 6 : i32
      %add3A_373 = arith.addi %add3A_371, %add3A_372 : i32
      %add3A_374 = arith.constant 2 : i32
      %add3A_375 = arith.addi %add3A_373, %add3A_374 : i32
      %get3A_376 = arith.index_cast %add3A_375 : i32 to index
      %get3A_377 = arith.constant 0 : index
      %get3A_378 = tpu.vector_load %arg10[%get3A_376, %get3A_377] {strides = array<i32>} : memref<416x32xf32, #tpu.memory_space<vmem>>, vector<16xf32>,
      %mul3A_379 = arith.mulf %get3A_252, %scan3A_210#0 : vector<16xf32>
      %mul3A_380 = arith.mulf %get3A_261, %scan3A_210#1 : vector<16xf32>
      %add3A_381 = arith.addf %mul3A_379, %mul3A_380 : vector<16xf32>
      %mul3A_382 = arith.mulf %get3A_290, %scan3A_210#4 : vector<16xf32>
      %add3A_383 = arith.addf %add3A_381, %mul3A_382 : vector<16xf32>
      %mul3A_384 = arith.mulf %get3A_301, %scan3A_210#5 : vector<16xf32>
      %add3A_385 = arith.addf %add3A_383, %mul3A_384 : vector<16xf32>
      %mul3A_386 = arith.mulf %get3A_312, %scan3A_210#6 : vector<16xf32>
      %add3A_387 = arith.addf %add3A_385, %mul3A_386 : vector<16xf32>
      %mul3A_388 = arith.mulf %get3A_270, %scan3A_210#2 : vector<16xf32>
      %add3A_389 = arith.addf %add3A_387, %mul3A_388 : vector<16xf32>
      %mul3A_390 = arith.mulf %get3A_323, %scan3A_210#5 : vector<16xf32>
      %add3A_391 = arith.addf %add3A_389, %mul3A_390 : vector<16xf32>
      %mul3A_392 = arith.mulf %get3A_334, %scan3A_210#7 : vector<16xf32>
      %add3A_393 = arith.addf %add3A_391, %mul3A_392 : vector<16xf32>
      %mul3A_394 = arith.mulf %get3A_345, %scan3A_210#8 : vector<16xf32>
      %add3A_395 = arith.addf %add3A_393, %mul3A_394 : vector<16xf32>
      %mul3A_396 = arith.mulf %get3A_279, %scan3A_210#3 : vector<16xf32>
      %add3A_397 = arith.addf %add3A_395, %mul3A_396 : vector<16xf32>
      %mul3A_398 = arith.mulf %get3A_356, %scan3A_210#6 : vector<16xf32>
      %add3A_399 = arith.addf %add3A_397, %mul3A_398 : vector<16xf32>
      %mul3A_400 = arith.mulf %get3A_367, %scan3A_210#8 : vector<16xf32>
      %add3A_401 = arith.addf %add3A_399, %mul3A_400 : vector<16xf32>
      %mul3A_402 = arith.mulf %get3A_378, %scan3A_210#9 : vector<16xf32>
      %add3A_403 = arith.addf %add3A_401, %mul3A_402 : vector<16xf32>
      %swap3A = arith.index_cast %scan3A_248 : i32 to index
      %swap3A_404 = arith.constant 0 : index
      %swap3A_405 = tpu.vector_load %arg11[%swap3A, %swap3A_404] {strides = array<i32>} : memref<416x32xf32, #tpu.memory_space<vmem>>, vector<16xf32>,
      tpu.vector_store %arg11[%swap3A, %swap3A_404], %add3A_403 {strides = array<i32>} : memref<416x32xf32, #tpu.memory_space<vmem>>, vector<16xf32>,
      %mul3A_406 = arith.mulf %get3A_252, %scan3A_210#1 : vector<16xf32>
      %mul3A_407 = arith.mulf %get3A_261, %scan3A_210#0 : vector<16xf32>
      %add3A_408 = arith.addf %mul3A_406, %mul3A_407 : vector<16xf32>
      %mul3A_409 = arith.mulf %get3A_261, %scan3A_210#4 : vector<16xf32>
      %add3A_410 = arith.addf %add3A_408, %mul3A_409 : vector<16xf32>
      %mul3A_411 = arith.mulf %get3A_290, %scan3A_210#1 : vector<16xf32>
      %add3A_412 = arith.addf %add3A_410, %mul3A_411 : vector<16xf32>
      %mul3A_413 = arith.mulf %get3A_270, %scan3A_210#5 : vector<16xf32>
      %add3A_414 = arith.addf %add3A_412, %mul3A_413 : vector<16xf32>
      %mul3A_415 = arith.mulf %get3A_301, %scan3A_210#2 : vector<16xf32>
      %add3A_416 = arith.addf %add3A_414, %mul3A_415 : vector<16xf32>
      %mul3A_417 = arith.mulf %get3A_279, %scan3A_210#6 : vector<16xf32>
      %add3A_418 = arith.addf %add3A_416, %mul3A_417 : vector<16xf32>
      %mul3A_419 = arith.mulf %get3A_312, %scan3A_210#3 : vector<16xf32>
      %add3A_420 = arith.addf %add3A_418, %mul3A_419 : vector<16xf32>
      %mul3A_421 = arith.constant 3 : i32
      %mul3A_422 = arith.muli %scan3A_248, %mul3A_421 : i32
      %add3A_423 = arith.constant 32 : i32
      %add3A_424 = arith.addi %add3A_423, %mul3A_422 : i32
      %add3A_425 = arith.constant 0 : i32
      %add3A_426 = arith.addi %add3A_424, %add3A_425 : i32
      %swap3A_427 = arith.index_cast %add3A_426 : i32 to index
      %swap3A_428 = arith.constant 0 : index
      %swap3A_429 = tpu.vector_load %arg11[%swap3A_427, %swap3A_428] {strides = array<i32>} : memref<416x32xf32, #tpu.memory_space<vmem>>, vector<16xf32>,
      tpu.vector_store %arg11[%swap3A_427, %swap3A_428], %add3A_420 {strides = array<i32>} : memref<416x32xf32, #tpu.memory_space<vmem>>, vector<16xf32>,
      %mul3A_430 = arith.mulf %get3A_252, %scan3A_210#2 : vector<16xf32>
      %mul3A_431 = arith.mulf %get3A_270, %scan3A_210#0 : vector<16xf32>
      %add3A_432 = arith.addf %mul3A_430, %mul3A_431 : vector<16xf32>
      %mul3A_433 = arith.mulf %get3A_261, %scan3A_210#5 : vector<16xf32>
      %add3A_434 = arith.addf %add3A_432, %mul3A_433 : vector<16xf32>
      %mul3A_435 = arith.mulf %get3A_323, %scan3A_210#1 : vector<16xf32>
      %add3A_436 = arith.addf %add3A_434, %mul3A_435 : vector<16xf32>
      %mul3A_437 = arith.mulf %get3A_270, %scan3A_210#7 : vector<16xf32>
      %add3A_438 = arith.addf %add3A_436, %mul3A_437 : vector<16xf32>
      %mul3A_439 = arith.mulf %get3A_334, %scan3A_210#2 : vector<16xf32>
      %add3A_440 = arith.addf %add3A_438, %mul3A_439 : vector<16xf32>
      %mul3A_441 = arith.mulf %get3A_279, %scan3A_210#8 : vector<16xf32>
      %add3A_442 = arith.addf %add3A_440, %mul3A_441 : vector<16xf32>
      %mul3A_443 = arith.mulf %get3A_345, %scan3A_210#3 : vector<16xf32>
      %add3A_444 = arith.addf %add3A_442, %mul3A_443 : vector<16xf32>
      %mul3A_445 = arith.constant 3 : i32
      %mul3A_446 = arith.muli %scan3A_248, %mul3A_445 : i32
      %add3A_447 = arith.constant 32 : i32
      %add3A_448 = arith.addi %add3A_447, %mul3A_446 : i32
      %add3A_449 = arith.constant 1 : i32
      %add3A_450 = arith.addi %add3A_448, %add3A_449 : i32
      %swap3A_451 = arith.index_cast %add3A_450 : i32 to index
      %swap3A_452 = arith.constant 0 : index
      %swap3A_453 = tpu.vector_load %arg11[%swap3A_451, %swap3A_452] {strides = array<i32>} : memref<416x32xf32, #tpu.memory_space<vmem>>, vector<16xf32>,
      tpu.vector_store %arg11[%swap3A_451, %swap3A_452], %add3A_444 {strides = array<i32>} : memref<416x32xf32, #tpu.memory_space<vmem>>, vector<16xf32>,
      %mul3A_454 = arith.mulf %get3A_252, %scan3A_210#3 : vector<16xf32>
      %mul3A_455 = arith.mulf %get3A_279, %scan3A_210#0 : vector<16xf32>
      %add3A_456 = arith.addf %mul3A_454, %mul3A_455 : vector<16xf32>
      %mul3A_457 = arith.mulf %get3A_261, %scan3A_210#6 : vector<16xf32>
      %add3A_458 = arith.addf %add3A_456, %mul3A_457 : vector<16xf32>
      %mul3A_459 = arith.mulf %get3A_356, %scan3A_210#1 : vector<16xf32>
      %add3A_460 = arith.addf %add3A_458, %mul3A_459 : vector<16xf32>
      %mul3A_461 = arith.mulf %get3A_270, %scan3A_210#8 : vector<16xf32>
      %add3A_462 = arith.addf %add3A_460, %mul3A_461 : vector<16xf32>
      %mul3A_463 = arith.mulf %get3A_367, %scan3A_210#2 : vector<16xf32>
      %add3A_464 = arith.addf %add3A_462, %mul3A_463 : vector<16xf32>
      %mul3A_465 = arith.mulf %get3A_279, %scan3A_210#9 : vector<16xf32>
      %add3A_466 = arith.addf %add3A_464, %mul3A_465 : vector<16xf32>
      %mul3A_467 = arith.mulf %get3A_378, %scan3A_210#3 : vector<16xf32>
      %add3A_468 = arith.addf %add3A_466, %mul3A_467 : vector<16xf32>
      %mul3A_469 = arith.constant 3 : i32
      %mul3A_470 = arith.muli %scan3A_248, %mul3A_469 : i32
      %add3A_471 = arith.constant 32 : i32
      %add3A_472 = arith.addi %add3A_471, %mul3A_470 : i32
      %add3A_473 = arith.constant 2 : i32
      %add3A_474 = arith.addi %add3A_472, %add3A_473 : i32
      %swap3A_475 = arith.index_cast %add3A_474 : i32 to index
      %swap3A_476 = arith.constant 0 : index
      %swap3A_477 = tpu.vector_load %arg11[%swap3A_475, %swap3A_476] {strides = array<i32>} : memref<416x32xf32, #tpu.memory_space<vmem>>, vector<16xf32>,
      tpu.vector_store %arg11[%swap3A_475, %swap3A_476], %add3A_468 {strides = array<i32>} : memref<416x32xf32, #tpu.memory_space<vmem>>, vector<16xf32>,
      %mul3A_478 = arith.mulf %get3A_252, %scan3A_210#4 : vector<16xf32>
      %mul3A_479 = arith.mulf %get3A_261, %scan3A_210#1 : vector<16xf32>
      %add3A_480 = arith.addf %mul3A_478, %mul3A_479 : vector<16xf32>
      %mul3A_481 = arith.mulf %get3A_290, %scan3A_210#0 : vector<16xf32>
      %add3A_482 = arith.addf %add3A_480, %mul3A_481 : vector<16xf32>
      %mul3A_483 = arith.mulf %get3A_290, %scan3A_210#4 : vector<16xf32>
      %add3A_484 = arith.addf %add3A_482, %mul3A_483 : vector<16xf32>
      %mul3A_485 = arith.mulf %get3A_301, %scan3A_210#5 : vector<16xf32>
      %add3A_486 = arith.addf %add3A_484, %mul3A_485 : vector<16xf32>
      %mul3A_487 = arith.mulf %get3A_312, %scan3A_210#6 : vector<16xf32>
      %add3A_488 = arith.addf %add3A_486, %mul3A_487 : vector<16xf32>
      %mul3A_489 = arith.constant 9 : i32
      %mul3A_490 = arith.muli %scan3A_248, %mul3A_489 : i32
      %add3A_491 = arith.constant 128 : i32
      %add3A_492 = arith.addi %add3A_491, %mul3A_490 : i32
      %add3A_493 = arith.constant 0 : i32
      %add3A_494 = arith.addi %add3A_492, %add3A_493 : i32
      %add3A_495 = arith.constant 0 : i32
      %add3A_496 = arith.addi %add3A_494, %add3A_495 : i32
      %swap3A_497 = arith.index_cast %add3A_496 : i32 to index
      %swap3A_498 = arith.constant 0 : index
      %swap3A_499 = tpu.vector_load %arg11[%swap3A_497, %swap3A_498] {strides = array<i32>} : memref<416x32xf32, #tpu.memory_space<vmem>>, vector<16xf32>,
      tpu.vector_store %arg11[%swap3A_497, %swap3A_498], %add3A_488 {strides = array<i32>} : memref<416x32xf32, #tpu.memory_space<vmem>>, vector<16xf32>,
      %mul3A_500 = arith.mulf %get3A_252, %scan3A_210#5 : vector<16xf32>
      %mul3A_501 = arith.mulf %get3A_261, %scan3A_210#2 : vector<16xf32>
      %add3A_502 = arith.addf %mul3A_500, %mul3A_501 : vector<16xf32>
      %mul3A_503 = arith.mulf %get3A_301, %scan3A_210#0 : vector<16xf32>
      %add3A_504 = arith.addf %add3A_502, %mul3A_503 : vector<16xf32>
      %mul3A_505 = arith.mulf %get3A_290, %scan3A_210#5 : vector<16xf32>
      %add3A_506 = arith.addf %add3A_504, %mul3A_505 : vector<16xf32>
      %mul3A_507 = arith.mulf %get3A_301, %scan3A_210#7 : vector<16xf32>
      %add3A_508 = arith.addf %add3A_506, %mul3A_507 : vector<16xf32>
      %mul3A_509 = arith.mulf %get3A_312, %scan3A_210#8 : vector<16xf32>
      %add3A_510 = arith.addf %add3A_508, %mul3A_509 : vector<16xf32>
      %mul3A_511 = arith.constant 9 : i32
      %mul3A_512 = arith.muli %scan3A_248, %mul3A_511 : i32
      %add3A_513 = arith.constant 128 : i32
      %add3A_514 = arith.addi %add3A_513, %mul3A_512 : i32
      %add3A_515 = arith.constant 0 : i32
      %add3A_516 = arith.addi %add3A_514, %add3A_515 : i32
      %add3A_517 = arith.constant 1 : i32
      %add3A_518 = arith.addi %add3A_516, %add3A_517 : i32
      %swap3A_519 = arith.index_cast %add3A_518 : i32 to index
      %swap3A_520 = arith.constant 0 : index
      %swap3A_521 = tpu.vector_load %arg11[%swap3A_519, %swap3A_520] {strides = array<i32>} : memref<416x32xf32, #tpu.memory_space<vmem>>, vector<16xf32>,
      tpu.vector_store %arg11[%swap3A_519, %swap3A_520], %add3A_510 {strides = array<i32>} : memref<416x32xf32, #tpu.memory_space<vmem>>, vector<16xf32>,
      %mul3A_522 = arith.mulf %get3A_252, %scan3A_210#6 : vector<16xf32>
      %mul3A_523 = arith.mulf %get3A_261, %scan3A_210#3 : vector<16xf32>
      %add3A_524 = arith.addf %mul3A_522, %mul3A_523 : vector<16xf32>
      %mul3A_525 = arith.mulf %get3A_312, %scan3A_210#0 : vector<16xf32>
      %add3A_526 = arith.addf %add3A_524, %mul3A_525 : vector<16xf32>
      %mul3A_527 = arith.mulf %get3A_290, %scan3A_210#6 : vector<16xf32>
      %add3A_528 = arith.addf %add3A_526, %mul3A_527 : vector<16xf32>
      %mul3A_529 = arith.mulf %get3A_301, %scan3A_210#8 : vector<16xf32>
      %add3A_530 = arith.addf %add3A_528, %mul3A_529 : vector<16xf32>
      %mul3A_531 = arith.mulf %get3A_312, %scan3A_210#9 : vector<16xf32>
      %add3A_532 = arith.addf %add3A_530, %mul3A_531 : vector<16xf32>
      %mul3A_533 = arith.constant 9 : i32
      %mul3A_534 = arith.muli %scan3A_248, %mul3A_533 : i32
      %add3A_535 = arith.constant 128 : i32
      %add3A_536 = arith.addi %add3A_535, %mul3A_534 : i32
      %add3A_537 = arith.constant 0 : i32
      %add3A_538 = arith.addi %add3A_536, %add3A_537 : i32
      %add3A_539 = arith.constant 2 : i32
      %add3A_540 = arith.addi %add3A_538, %add3A_539 : i32
      %swap3A_541 = arith.index_cast %add3A_540 : i32 to index
      %swap3A_542 = arith.constant 0 : index
      %swap3A_543 = tpu.vector_load %arg11[%swap3A_541, %swap3A_542] {strides = array<i32>} : memref<416x32xf32, #tpu.memory_space<vmem>>, vector<16xf32>,
      tpu.vector_store %arg11[%swap3A_541, %swap3A_542], %add3A_532 {strides = array<i32>} : memref<416x32xf32, #tpu.memory_space<vmem>>, vector<16xf32>,
      %mul3A_544 = arith.mulf %get3A_252, %scan3A_210#5 : vector<16xf32>
      %mul3A_545 = arith.mulf %get3A_270, %scan3A_210#1 : vector<16xf32>
      %add3A_546 = arith.addf %mul3A_544, %mul3A_545 : vector<16xf32>
      %mul3A_547 = arith.mulf %get3A_323, %scan3A_210#0 : vector<16xf32>
      %add3A_548 = arith.addf %add3A_546, %mul3A_547 : vector<16xf32>
      %mul3A_549 = arith.mulf %get3A_323, %scan3A_210#4 : vector<16xf32>
      %add3A_550 = arith.addf %add3A_548, %mul3A_549 : vector<16xf32>
      %mul3A_551 = arith.mulf %get3A_334, %scan3A_210#5 : vector<16xf32>
      %add3A_552 = arith.addf %add3A_550, %mul3A_551 : vector<16xf32>
      %mul3A_553 = arith.mulf %get3A_345, %scan3A_210#6 : vector<16xf32>
      %add3A_554 = arith.addf %add3A_552, %mul3A_553 : vector<16xf32>
      %mul3A_555 = arith.constant 9 : i32
      %mul3A_556 = arith.muli %scan3A_248, %mul3A_555 : i32
      %add3A_557 = arith.constant 128 : i32
      %add3A_558 = arith.addi %add3A_557, %mul3A_556 : i32
      %add3A_559 = arith.constant 3 : i32
      %add3A_560 = arith.addi %add3A_558, %add3A_559 : i32
      %add3A_561 = arith.constant 0 : i32
      %add3A_562 = arith.addi %add3A_560, %add3A_561 : i32
      %swap3A_563 = arith.index_cast %add3A_562 : i32 to index
      %swap3A_564 = arith.constant 0 : index
      %swap3A_565 = tpu.vector_load %arg11[%swap3A_563, %swap3A_564] {strides = array<i32>} : memref<416x32xf32, #tpu.memory_space<vmem>>, vector<16xf32>,
      tpu.vector_store %arg11[%swap3A_563, %swap3A_564], %add3A_554 {strides = array<i32>} : memref<416x32xf32, #tpu.memory_space<vmem>>, vector<16xf32>,
      %mul3A_566 = arith.mulf %get3A_252, %scan3A_210#7 : vector<16xf32>
      %mul3A_567 = arith.mulf %get3A_270, %scan3A_210#2 : vector<16xf32>
      %add3A_568 = arith.addf %mul3A_566, %mul3A_567 : vector<16xf32>
      %mul3A_569 = arith.mulf %get3A_334, %scan3A_210#0 : vector<16xf32>
      %add3A_570 = arith.addf %add3A_568, %mul3A_569 : vector<16xf32>
      %mul3A_571 = arith.mulf %get3A_323, %scan3A_210#5 : vector<16xf32>
      %add3A_572 = arith.addf %add3A_570, %mul3A_571 : vector<16xf32>
      %mul3A_573 = arith.mulf %get3A_334, %scan3A_210#7 : vector<16xf32>
      %add3A_574 = arith.addf %add3A_572, %mul3A_573 : vector<16xf32>
      %mul3A_575 = arith.mulf %get3A_345, %scan3A_210#8 : vector<16xf32>
      %add3A_576 = arith.addf %add3A_574, %mul3A_575 : vector<16xf32>
      %mul3A_577 = arith.constant 9 : i32
      %mul3A_578 = arith.muli %scan3A_248, %mul3A_577 : i32
      %add3A_579 = arith.constant 128 : i32
      %add3A_580 = arith.addi %add3A_579, %mul3A_578 : i32
      %add3A_581 = arith.constant 3 : i32
      %add3A_582 = arith.addi %add3A_580, %add3A_581 : i32
      %add3A_583 = arith.constant 1 : i32
      %add3A_584 = arith.addi %add3A_582, %add3A_583 : i32
      %swap3A_585 = arith.index_cast %add3A_584 : i32 to index
      %swap3A_586 = arith.constant 0 : index
      %swap3A_587 = tpu.vector_load %arg11[%swap3A_585, %swap3A_586] {strides = array<i32>} : memref<416x32xf32, #tpu.memory_space<vmem>>, vector<16xf32>,
      tpu.vector_store %arg11[%swap3A_585, %swap3A_586], %add3A_576 {strides = array<i32>} : memref<416x32xf32, #tpu.memory_space<vmem>>, vector<16xf32>,
      %mul3A_588 = arith.mulf %get3A_252, %scan3A_210#8 : vector<16xf32>
      %mul3A_589 = arith.mulf %get3A_270, %scan3A_210#3 : vector<16xf32>
      %add3A_590 = arith.addf %mul3A_588, %mul3A_589 : vector<16xf32>
      %mul3A_591 = arith.mulf %get3A_345, %scan3A_210#0 : vector<16xf32>
      %add3A_592 = arith.addf %add3A_590, %mul3A_591 : vector<16xf32>
      %mul3A_593 = arith.mulf %get3A_323, %scan3A_210#6 : vector<16xf32>
      %add3A_594 = arith.addf %add3A_592, %mul3A_593 : vector<16xf32>
      %mul3A_595 = arith.mulf %get3A_334, %scan3A_210#8 : vector<16xf32>
      %add3A_596 = arith.addf %add3A_594, %mul3A_595 : vector<16xf32>
      %mul3A_597 = arith.mulf %get3A_345, %scan3A_210#9 : vector<16xf32>
      %add3A_598 = arith.addf %add3A_596, %mul3A_597 : vector<16xf32>
      %mul3A_599 = arith.constant 9 : i32
      %mul3A_600 = arith.muli %scan3A_248, %mul3A_599 : i32
      %add3A_601 = arith.constant 128 : i32
      %add3A_602 = arith.addi %add3A_601, %mul3A_600 : i32
      %add3A_603 = arith.constant 3 : i32
      %add3A_604 = arith.addi %add3A_602, %add3A_603 : i32
      %add3A_605 = arith.constant 2 : i32
      %add3A_606 = arith.addi %add3A_604, %add3A_605 : i32
      %swap3A_607 = arith.index_cast %add3A_606 : i32 to index
      %swap3A_608 = arith.constant 0 : index
      %swap3A_609 = tpu.vector_load %arg11[%swap3A_607, %swap3A_608] {strides = array<i32>} : memref<416x32xf32, #tpu.memory_space<vmem>>, vector<16xf32>,
      tpu.vector_store %arg11[%swap3A_607, %swap3A_608], %add3A_598 {strides = array<i32>} : memref<416x32xf32, #tpu.memory_space<vmem>>, vector<16xf32>,
      %mul3A_610 = arith.mulf %get3A_252, %scan3A_210#6 : vector<16xf32>
      %mul3A_611 = arith.mulf %get3A_279, %scan3A_210#1 : vector<16xf32>
      %add3A_612 = arith.addf %mul3A_610, %mul3A_611 : vector<16xf32>
      %mul3A_613 = arith.mulf %get3A_356, %scan3A_210#0 : vector<16xf32>
      %add3A_614 = arith.addf %add3A_612, %mul3A_613 : vector<16xf32>
      %mul3A_615 = arith.mulf %get3A_356, %scan3A_210#4 : vector<16xf32>
      %add3A_616 = arith.addf %add3A_614, %mul3A_615 : vector<16xf32>
      %mul3A_617 = arith.mulf %get3A_367, %scan3A_210#5 : vector<16xf32>
      %add3A_618 = arith.addf %add3A_616, %mul3A_617 : vector<16xf32>
      %mul3A_619 = arith.mulf %get3A_378, %scan3A_210#6 : vector<16xf32>
      %add3A_620 = arith.addf %add3A_618, %mul3A_619 : vector<16xf32>
      %mul3A_621 = arith.constant 9 : i32
      %mul3A_622 = arith.muli %scan3A_248, %mul3A_621 : i32
      %add3A_623 = arith.constant 128 : i32
      %add3A_624 = arith.addi %add3A_623, %mul3A_622 : i32
      %add3A_625 = arith.constant 6 : i32
      %add3A_626 = arith.addi %add3A_624, %add3A_625 : i32
      %add3A_627 = arith.constant 0 : i32
      %add3A_628 = arith.addi %add3A_626, %add3A_627 : i32
      %swap3A_629 = arith.index_cast %add3A_628 : i32 to index
      %swap3A_630 = arith.constant 0 : index
      %swap3A_631 = tpu.vector_load %arg11[%swap3A_629, %swap3A_630] {strides = array<i32>} : memref<416x32xf32, #tpu.memory_space<vmem>>, vector<16xf32>,
      tpu.vector_store %arg11[%swap3A_629, %swap3A_630], %add3A_620 {strides = array<i32>} : memref<416x32xf32, #tpu.memory_space<vmem>>, vector<16xf32>,
      %mul3A_632 = arith.mulf %get3A_252, %scan3A_210#8 : vector<16xf32>
      %mul3A_633 = arith.mulf %get3A_279, %scan3A_210#2 : vector<16xf32>
      %add3A_634 = arith.addf %mul3A_632, %mul3A_633 : vector<16xf32>
      %mul3A_635 = arith.mulf %get3A_367, %scan3A_210#0 : vector<16xf32>
      %add3A_636 = arith.addf %add3A_634, %mul3A_635 : vector<16xf32>
      %mul3A_637 = arith.mulf %get3A_356, %scan3A_210#5 : vector<16xf32>
      %add3A_638 = arith.addf %add3A_636, %mul3A_637 : vector<16xf32>
      %mul3A_639 = arith.mulf %get3A_367, %scan3A_210#7 : vector<16xf32>
      %add3A_640 = arith.addf %add3A_638, %mul3A_639 : vector<16xf32>
      %mul3A_641 = arith.mulf %get3A_378, %scan3A_210#8 : vector<16xf32>
      %add3A_642 = arith.addf %add3A_640, %mul3A_641 : vector<16xf32>
      %mul3A_643 = arith.constant 9 : i32
      %mul3A_644 = arith.muli %scan3A_248, %mul3A_643 : i32
      %add3A_645 = arith.constant 128 : i32
      %add3A_646 = arith.addi %add3A_645, %mul3A_644 : i32
      %add3A_647 = arith.constant 6 : i32
      %add3A_648 = arith.addi %add3A_646, %add3A_647 : i32
      %add3A_649 = arith.constant 1 : i32
      %add3A_650 = arith.addi %add3A_648, %add3A_649 : i32
      %swap3A_651 = arith.index_cast %add3A_650 : i32 to index
      %swap3A_652 = arith.constant 0 : index
      %swap3A_653 = tpu.vector_load %arg11[%swap3A_651, %swap3A_652] {strides = array<i32>} : memref<416x32xf32, #tpu.memory_space<vmem>>, vector<16xf32>,
      tpu.vector_store %arg11[%swap3A_651, %swap3A_652], %add3A_642 {strides = array<i32>} : memref<416x32xf32, #tpu.memory_space<vmem>>, vector<16xf32>,
      %mul3A_654 = arith.mulf %get3A_252, %scan3A_210#9 : vector<16xf32>
      %mul3A_655 = arith.mulf %get3A_279, %scan3A_210#3 : vector<16xf32>
      %add3A_656 = arith.addf %mul3A_654, %mul3A_655 : vector<16xf32>
      %mul3A_657 = arith.mulf %get3A_378, %scan3A_210#0 : vector<16xf32>
      %add3A_658 = arith.addf %add3A_656, %mul3A_657 : vector<16xf32>
      %mul3A_659 = arith.mulf %get3A_356, %scan3A_210#6 : vector<16xf32>
      %add3A_660 = arith.addf %add3A_658, %mul3A_659 : vector<16xf32>
      %mul3A_661 = arith.mulf %get3A_367, %scan3A_210#8 : vector<16xf32>
      %add3A_662 = arith.addf %add3A_660, %mul3A_661 : vector<16xf32>
      %mul3A_663 = arith.mulf %get3A_378, %scan3A_210#9 : vector<16xf32>
      %add3A_664 = arith.addf %add3A_662, %mul3A_663 : vector<16xf32>
      %mul3A_665 = arith.constant 9 : i32
      %mul3A_666 = arith.muli %scan3A_248, %mul3A_665 : i32
      %add3A_667 = arith.constant 128 : i32
      %add3A_668 = arith.addi %add3A_667, %mul3A_666 : i32
      %add3A_669 = arith.constant 6 : i32
      %add3A_670 = arith.addi %add3A_668, %add3A_669 : i32
      %add3A_671 = arith.constant 2 : i32
      %add3A_672 = arith.addi %add3A_670, %add3A_671 : i32
      %swap3A_673 = arith.index_cast %add3A_672 : i32 to index
      %swap3A_674 = arith.constant 0 : index
      %swap3A_675 = tpu.vector_load %arg11[%swap3A_673, %swap3A_674] {strides = array<i32>} : memref<416x32xf32, #tpu.memory_space<vmem>>, vector<16xf32>,
      tpu.vector_store %arg11[%swap3A_673, %swap3A_674], %add3A_664 {strides = array<i32>} : memref<416x32xf32, #tpu.memory_space<vmem>>, vector<16xf32>,
      %scan3A_676 = arith.constant 0 : i32
      scf.yield %scan3A_676 : i32
    }
    %scan3A_218 = arith.constant 32 : i32
    %mul3A_219 = arith.constant 32 : i32
    %mul3A_220 = arith.muli %add3A, %mul3A_219 : i32
    %add3A_221 = arith.constant 16 : i32
    %add3A_222 = arith.addi %mul3A_220, %add3A_221 : i32
    %get3A_223 = arith.index_cast %add3A_222 : i32 to index
    %get3A_224 = tpu.vector_load %arg7[%get3A_223] {strides = array<i32>} : memref<3072xf32, #tpu.memory_space<vmem>>, vector<16xf32>,
    %add3A_225 = arith.constant 1024 : i32
    %add3A_226 = arith.addi %add3A_225, %add3A_222 : i32
    %get3A_227 = arith.index_cast %add3A_226 : i32 to index
    %get3A_228 = tpu.vector_load %arg7[%get3A_227] {strides = array<i32>} : memref<3072xf32, #tpu.memory_space<vmem>>, vector<16xf32>,
    %add3A_229 = arith.constant 2048 : i32
    %add3A_230 = arith.addi %add3A_229, %add3A_222 : i32
    %get3A_231 = arith.index_cast %add3A_230 : i32 to index
    %get3A_232 = tpu.vector_load %arg7[%get3A_231] {strides = array<i32>} : memref<3072xf32, #tpu.memory_space<vmem>>, vector<16xf32>,
    %broadcast_in_dim3A_233 = arith.constant 0.000000e+00 : f32
    %broadcast_in_dim3A_234 = vector.broadcast %broadcast_in_dim3A_233 : f32 to vector<16xf32>
    %scan3A_235 = arith.constant 0 : i32
    %scan3A_236 = arith.constant 32 : i32
    %scan3A_237 = arith.addi %scan3A_235, %scan3A_236 : i32
    %scan3A_238 = arith.constant 1 : i32
    %scan3A_239:10 = scf.for %scan3A_248 = %scan3A_235 to %scan3A_237 step %scan3A_238 iter_args(%scan3A_249 = %broadcast_in_dim3A_234, %scan3A_250 = %broadcast_in_dim3A_234, %scan3A_251 = %broadcast_in_dim3A_234, %scan3A_252 = %broadcast_in_dim3A_234, %scan3A_253 = %broadcast_in_dim3A_234, %scan3A_254 = %broadcast_in_dim3A_234, %scan3A_255 = %broadcast_in_dim3A_234, %scan3A_256 = %broadcast_in_dim3A_234, %scan3A_257 = %broadcast_in_dim3A_234, %scan3A_258 = %broadcast_in_dim3A_234) -> (vector<16xf32>, vector<16xf32>, vector<16xf32>, vector<16xf32>, vector<16xf32>, vector<16xf32>, vector<16xf32>, vector<16xf32>, vector<16xf32>, vector<16xf32>)  : i32 {
      %get3A_259 = arith.index_cast %scan3A_248 : i32 to index
      %get3A_260 = arith.constant 16 : index
      %get3A_261 = tpu.vector_load %arg8[%get3A_259, %get3A_260] {strides = array<i32>} : memref<32x32xi32, #tpu.memory_space<vmem>>, vector<16xi32>,
      %gather3A = tpu.vector_load_idx %arg7[%get3A_261] : memref<3072xf32, #tpu.memory_space<vmem>>[vector<16xi32>], vector<16xf32>,
      %add3A_262 = arith.constant 1024 : i32
      %add3A_263 = vector.broadcast %add3A_262 : i32 to vector<16xi32>
      %add3A_264 = arith.addi %get3A_261, %add3A_263 : vector<16xi32>
      %gather3A_265 = tpu.vector_load_idx %arg7[%add3A_264] : memref<3072xf32, #tpu.memory_space<vmem>>[vector<16xi32>], vector<16xf32>,
      %add3A_266 = arith.constant 2048 : i32
      %add3A_267 = vector.broadcast %add3A_266 : i32 to vector<16xi32>
      %add3A_268 = arith.addi %get3A_261, %add3A_267 : vector<16xi32>
      %gather3A_269 = tpu.vector_load_idx %arg7[%add3A_268] : memref<3072xf32, #tpu.memory_space<vmem>>[vector<16xi32>], vector<16xf32>,
      %sub3A = arith.subf %gather3A, %get3A_224 : vector<16xf32>
      %sub3A_270 = arith.subf %gather3A_265, %get3A_228 : vector<16xf32>
      %sub3A_271 = arith.subf %gather3A_269, %get3A_232 : vector<16xf32>
      %mul3A_272 = arith.mulf %sub3A, %sub3A : vector<16xf32>
      %mul3A_273 = arith.mulf %sub3A_270, %sub3A_270 : vector<16xf32>
      %add3A_274 = arith.addf %mul3A_272, %mul3A_273 : vector<16xf32>
      %mul3A_275 = arith.mulf %sub3A_271, %sub3A_271 : vector<16xf32>
      %add3A_276 = arith.addf %add3A_274, %mul3A_275 : vector<16xf32>
      %add3A_277 = arith.constant 1.000000e-10 : f32
      %add3A_278 = vector.broadcast %add3A_277 : f32 to vector<16xf32>
      %add3A_279 = arith.addf %add3A_276, %add3A_278 : vector<16xf32>
      %bitcast_convert_type3A = tpu.bitcast %add3A_279 : vector<16xf32> -> vector<16xi32>
      %shift_right_arithmetic3A = arith.constant 1 : i32
      %shift_right_arithmetic3A_280 = vector.broadcast %shift_right_arithmetic3A : i32 to vector<16xi32>
      %shift_right_arithmetic3A_281 = arith.shrsi %bitcast_convert_type3A, %shift_right_arithmetic3A_280 : vector<16xi32>
      %sub3A_282 = arith.constant 1597463007 : i32
      %sub3A_283 = vector.broadcast %sub3A_282 : i32 to vector<16xi32>
      %sub3A_284 = arith.subi %sub3A_283, %shift_right_arithmetic3A_281 : vector<16xi32>
      %bitcast_convert_type3A_285 = tpu.bitcast %sub3A_284 : vector<16xi32> -> vector<16xf32>
      %mul3A_286 = arith.constant 5.000000e-01 : f32
      %mul3A_287 = vector.broadcast %mul3A_286 : f32 to vector<16xf32>
      %mul3A_288 = arith.mulf %mul3A_287, %add3A_279 : vector<16xf32>
      %mul3A_289 = arith.mulf %mul3A_288, %bitcast_convert_type3A_285 : vector<16xf32>
      %mul3A_290 = arith.mulf %mul3A_289, %bitcast_convert_type3A_285 : vector<16xf32>
      %sub3A_291 = arith.constant 1.500000e+00 : f32
      %sub3A_292 = vector.broadcast %sub3A_291 : f32 to vector<16xf32>
      %sub3A_293 = arith.subf %sub3A_292, %mul3A_290 : vector<16xf32>
      %mul3A_294 = arith.mulf %bitcast_convert_type3A_285, %sub3A_293 : vector<16xf32>
      %mul3A_295 = arith.constant 5.000000e-01 : f32
      %mul3A_296 = vector.broadcast %mul3A_295 : f32 to vector<16xf32>
      %mul3A_297 = arith.mulf %mul3A_296, %add3A_279 : vector<16xf32>
      %mul3A_298 = arith.mulf %mul3A_297, %mul3A_294 : vector<16xf32>
      %mul3A_299 = arith.mulf %mul3A_298, %mul3A_294 : vector<16xf32>
      %sub3A_300 = arith.constant 1.500000e+00 : f32
      %sub3A_301 = vector.broadcast %sub3A_300 : f32 to vector<16xf32>
      %sub3A_302 = arith.subf %sub3A_301, %mul3A_299 : vector<16xf32>
      %mul3A_303 = arith.mulf %mul3A_294, %sub3A_302 : vector<16xf32>
      %mul3A_304 = arith.mulf %add3A_279, %mul3A_303 : vector<16xf32>
      %min3A = arith.constant 5.000000e+00 : f32
      %min3A_305 = vector.broadcast %min3A : f32 to vector<16xf32>
      %min3A_306 = arith.minimumf %mul3A_304, %min3A_305 : vector<16xf32>
      %mul3A_307 = arith.constant 0.314159274 : f32
      %mul3A_308 = vector.broadcast %mul3A_307 : f32 to vector<16xf32>
      %mul3A_309 = arith.mulf %min3A_306, %mul3A_308 : vector<16xf32>
      %mul3A_310 = arith.mulf %mul3A_309, %mul3A_309 : vector<16xf32>
      %mul3A_311 = arith.constant 2.755732E-7 : f32
      %mul3A_312 = vector.broadcast %mul3A_311 : f32 to vector<16xf32>
      %mul3A_313 = arith.mulf %mul3A_310, %mul3A_312 : vector<16xf32>
      %sub3A_314 = arith.constant 2.48015876E-5 : f32
      %sub3A_315 = vector.broadcast %sub3A_314 : f32 to vector<16xf32>
      %sub3A_316 = arith.subf %sub3A_315, %mul3A_313 : vector<16xf32>
      %mul3A_317 = arith.mulf %mul3A_310, %sub3A_316 : vector<16xf32>
      %add3A_318 = arith.constant -0.00138888892 : f32
      %add3A_319 = vector.broadcast %add3A_318 : f32 to vector<16xf32>
      %add3A_320 = arith.addf %add3A_319, %mul3A_317 : vector<16xf32>
      %mul3A_321 = arith.mulf %mul3A_310, %add3A_320 : vector<16xf32>
      %add3A_322 = arith.constant 0.0416666679 : f32
      %add3A_323 = vector.broadcast %add3A_322 : f32 to vector<16xf32>
      %add3A_324 = arith.addf %add3A_323, %mul3A_321 : vector<16xf32>
      %mul3A_325 = arith.mulf %mul3A_310, %add3A_324 : vector<16xf32>
      %add3A_326 = arith.constant -5.000000e-01 : f32
      %add3A_327 = vector.broadcast %add3A_326 : f32 to vector<16xf32>
      %add3A_328 = arith.addf %add3A_327, %mul3A_325 : vector<16xf32>
      %mul3A_329 = arith.mulf %mul3A_310, %add3A_328 : vector<16xf32>
      %add3A_330 = arith.constant 1.000000e+00 : f32
      %add3A_331 = vector.broadcast %add3A_330 : f32 to vector<16xf32>
      %add3A_332 = arith.addf %add3A_331, %mul3A_329 : vector<16xf32>
      %mul3A_333 = arith.mulf %add3A_332, %add3A_332 : vector<16xf32>
      %broadcast_in_dim3A_334 = arith.constant 0.000000e+00 : f32
      %broadcast_in_dim3A_335 = vector.broadcast %broadcast_in_dim3A_334 : f32 to vector<16xf32>
      %sub3A_336 = arith.subf %mul3A_304, %get3A_5 : vector<16xf32>
      %mul3A_337 = arith.mulf %sub3A_336, %sub3A_336 : vector<16xf32>
      %neg3A = arith.constant 0.000000e+00 : f32
      %neg3A_338 = vector.broadcast %neg3A : f32 to vector<16xf32>
      %neg3A_339 = arith.subf %neg3A_338, %mul3A_337 : vector<16xf32>
      %exp3A = math.exp %neg3A_339 : vector<16xf32>
      %mul3A_340 = arith.mulf %get3A_101, %exp3A : vector<16xf32>
      %add3A_341 = arith.addf %broadcast_in_dim3A_335, %mul3A_340 : vector<16xf32>
      %sub3A_342 = arith.subf %mul3A_304, %get3A_11 : vector<16xf32>
      %mul3A_343 = arith.mulf %sub3A_342, %sub3A_342 : vector<16xf32>
      %neg3A_344 = arith.constant 0.000000e+00 : f32
      %neg3A_345 = vector.broadcast %neg3A_344 : f32 to vector<16xf32>
      %neg3A_346 = arith.subf %neg3A_345, %mul3A_343 : vector<16xf32>
      %exp3A_347 = math.exp %neg3A_346 : vector<16xf32>
      %mul3A_348 = arith.mulf %get3A_107, %exp3A_347 : vector<16xf32>
      %add3A_349 = arith.addf %add3A_341, %mul3A_348 : vector<16xf32>
      %sub3A_350 = arith.subf %mul3A_304, %get3A_17 : vector<16xf32>
      %mul3A_351 = arith.mulf %sub3A_350, %sub3A_350 : vector<16xf32>
      %neg3A_352 = arith.constant 0.000000e+00 : f32
      %neg3A_353 = vector.broadcast %neg3A_352 : f32 to vector<16xf32>
      %neg3A_354 = arith.subf %neg3A_353, %mul3A_351 : vector<16xf32>
      %exp3A_355 = math.exp %neg3A_354 : vector<16xf32>
      %mul3A_356 = arith.mulf %get3A_113, %exp3A_355 : vector<16xf32>
      %add3A_357 = arith.addf %add3A_349, %mul3A_356 : vector<16xf32>
      %sub3A_358 = arith.subf %mul3A_304, %get3A_23 : vector<16xf32>
      %mul3A_359 = arith.mulf %sub3A_358, %sub3A_358 : vector<16xf32>
      %neg3A_360 = arith.constant 0.000000e+00 : f32
      %neg3A_361 = vector.broadcast %neg3A_360 : f32 to vector<16xf32>
      %neg3A_362 = arith.subf %neg3A_361, %mul3A_359 : vector<16xf32>
      %exp3A_363 = math.exp %neg3A_362 : vector<16xf32>
      %mul3A_364 = arith.mulf %get3A_119, %exp3A_363 : vector<16xf32>
      %add3A_365 = arith.addf %add3A_357, %mul3A_364 : vector<16xf32>
      %sub3A_366 = arith.subf %mul3A_304, %get3A_29 : vector<16xf32>
      %mul3A_367 = arith.mulf %sub3A_366, %sub3A_366 : vector<16xf32>
      %neg3A_368 = arith.constant 0.000000e+00 : f32
      %neg3A_369 = vector.broadcast %neg3A_368 : f32 to vector<16xf32>
      %neg3A_370 = arith.subf %neg3A_369, %mul3A_367 : vector<16xf32>
      %exp3A_371 = math.exp %neg3A_370 : vector<16xf32>
      %mul3A_372 = arith.mulf %get3A_125, %exp3A_371 : vector<16xf32>
      %add3A_373 = arith.addf %add3A_365, %mul3A_372 : vector<16xf32>
      %sub3A_374 = arith.subf %mul3A_304, %get3A_35 : vector<16xf32>
      %mul3A_375 = arith.mulf %sub3A_374, %sub3A_374 : vector<16xf32>
      %neg3A_376 = arith.constant 0.000000e+00 : f32
      %neg3A_377 = vector.broadcast %neg3A_376 : f32 to vector<16xf32>
      %neg3A_378 = arith.subf %neg3A_377, %mul3A_375 : vector<16xf32>
      %exp3A_379 = math.exp %neg3A_378 : vector<16xf32>
      %mul3A_380 = arith.mulf %get3A_131, %exp3A_379 : vector<16xf32>
      %add3A_381 = arith.addf %add3A_373, %mul3A_380 : vector<16xf32>
      %sub3A_382 = arith.subf %mul3A_304, %get3A_41 : vector<16xf32>
      %mul3A_383 = arith.mulf %sub3A_382, %sub3A_382 : vector<16xf32>
      %neg3A_384 = arith.constant 0.000000e+00 : f32
      %neg3A_385 = vector.broadcast %neg3A_384 : f32 to vector<16xf32>
      %neg3A_386 = arith.subf %neg3A_385, %mul3A_383 : vector<16xf32>
      %exp3A_387 = math.exp %neg3A_386 : vector<16xf32>
      %mul3A_388 = arith.mulf %get3A_137, %exp3A_387 : vector<16xf32>
      %add3A_389 = arith.addf %add3A_381, %mul3A_388 : vector<16xf32>
      %sub3A_390 = arith.subf %mul3A_304, %get3A_47 : vector<16xf32>
      %mul3A_391 = arith.mulf %sub3A_390, %sub3A_390 : vector<16xf32>
      %neg3A_392 = arith.constant 0.000000e+00 : f32
      %neg3A_393 = vector.broadcast %neg3A_392 : f32 to vector<16xf32>
      %neg3A_394 = arith.subf %neg3A_393, %mul3A_391 : vector<16xf32>
      %exp3A_395 = math.exp %neg3A_394 : vector<16xf32>
      %mul3A_396 = arith.mulf %get3A_143, %exp3A_395 : vector<16xf32>
      %add3A_397 = arith.addf %add3A_389, %mul3A_396 : vector<16xf32>
      %sub3A_398 = arith.subf %mul3A_304, %get3A_53 : vector<16xf32>
      %mul3A_399 = arith.mulf %sub3A_398, %sub3A_398 : vector<16xf32>
      %neg3A_400 = arith.constant 0.000000e+00 : f32
      %neg3A_401 = vector.broadcast %neg3A_400 : f32 to vector<16xf32>
      %neg3A_402 = arith.subf %neg3A_401, %mul3A_399 : vector<16xf32>
      %exp3A_403 = math.exp %neg3A_402 : vector<16xf32>
      %mul3A_404 = arith.mulf %get3A_149, %exp3A_403 : vector<16xf32>
      %add3A_405 = arith.addf %add3A_397, %mul3A_404 : vector<16xf32>
      %sub3A_406 = arith.subf %mul3A_304, %get3A_59 : vector<16xf32>
      %mul3A_407 = arith.mulf %sub3A_406, %sub3A_406 : vector<16xf32>
      %neg3A_408 = arith.constant 0.000000e+00 : f32
      %neg3A_409 = vector.broadcast %neg3A_408 : f32 to vector<16xf32>
      %neg3A_410 = arith.subf %neg3A_409, %mul3A_407 : vector<16xf32>
      %exp3A_411 = math.exp %neg3A_410 : vector<16xf32>
      %mul3A_412 = arith.mulf %get3A_155, %exp3A_411 : vector<16xf32>
      %add3A_413 = arith.addf %add3A_405, %mul3A_412 : vector<16xf32>
      %sub3A_414 = arith.subf %mul3A_304, %get3A_65 : vector<16xf32>
      %mul3A_415 = arith.mulf %sub3A_414, %sub3A_414 : vector<16xf32>
      %neg3A_416 = arith.constant 0.000000e+00 : f32
      %neg3A_417 = vector.broadcast %neg3A_416 : f32 to vector<16xf32>
      %neg3A_418 = arith.subf %neg3A_417, %mul3A_415 : vector<16xf32>
      %exp3A_419 = math.exp %neg3A_418 : vector<16xf32>
      %mul3A_420 = arith.mulf %get3A_161, %exp3A_419 : vector<16xf32>
      %add3A_421 = arith.addf %add3A_413, %mul3A_420 : vector<16xf32>
      %sub3A_422 = arith.subf %mul3A_304, %get3A_71 : vector<16xf32>
      %mul3A_423 = arith.mulf %sub3A_422, %sub3A_422 : vector<16xf32>
      %neg3A_424 = arith.constant 0.000000e+00 : f32
      %neg3A_425 = vector.broadcast %neg3A_424 : f32 to vector<16xf32>
      %neg3A_426 = arith.subf %neg3A_425, %mul3A_423 : vector<16xf32>
      %exp3A_427 = math.exp %neg3A_426 : vector<16xf32>
      %mul3A_428 = arith.mulf %get3A_167, %exp3A_427 : vector<16xf32>
      %add3A_429 = arith.addf %add3A_421, %mul3A_428 : vector<16xf32>
      %sub3A_430 = arith.subf %mul3A_304, %get3A_77 : vector<16xf32>
      %mul3A_431 = arith.mulf %sub3A_430, %sub3A_430 : vector<16xf32>
      %neg3A_432 = arith.constant 0.000000e+00 : f32
      %neg3A_433 = vector.broadcast %neg3A_432 : f32 to vector<16xf32>
      %neg3A_434 = arith.subf %neg3A_433, %mul3A_431 : vector<16xf32>
      %exp3A_435 = math.exp %neg3A_434 : vector<16xf32>
      %mul3A_436 = arith.mulf %get3A_173, %exp3A_435 : vector<16xf32>
      %add3A_437 = arith.addf %add3A_429, %mul3A_436 : vector<16xf32>
      %sub3A_438 = arith.subf %mul3A_304, %get3A_83 : vector<16xf32>
      %mul3A_439 = arith.mulf %sub3A_438, %sub3A_438 : vector<16xf32>
      %neg3A_440 = arith.constant 0.000000e+00 : f32
      %neg3A_441 = vector.broadcast %neg3A_440 : f32 to vector<16xf32>
      %neg3A_442 = arith.subf %neg3A_441, %mul3A_439 : vector<16xf32>
      %exp3A_443 = math.exp %neg3A_442 : vector<16xf32>
      %mul3A_444 = arith.mulf %get3A_179, %exp3A_443 : vector<16xf32>
      %add3A_445 = arith.addf %add3A_437, %mul3A_444 : vector<16xf32>
      %sub3A_446 = arith.subf %mul3A_304, %get3A_89 : vector<16xf32>
      %mul3A_447 = arith.mulf %sub3A_446, %sub3A_446 : vector<16xf32>
      %neg3A_448 = arith.constant 0.000000e+00 : f32
      %neg3A_449 = vector.broadcast %neg3A_448 : f32 to vector<16xf32>
      %neg3A_450 = arith.subf %neg3A_449, %mul3A_447 : vector<16xf32>
      %exp3A_451 = math.exp %neg3A_450 : vector<16xf32>
      %mul3A_452 = arith.mulf %get3A_185, %exp3A_451 : vector<16xf32>
      %add3A_453 = arith.addf %add3A_445, %mul3A_452 : vector<16xf32>
      %sub3A_454 = arith.subf %mul3A_304, %get3A_95 : vector<16xf32>
      %mul3A_455 = arith.mulf %sub3A_454, %sub3A_454 : vector<16xf32>
      %neg3A_456 = arith.constant 0.000000e+00 : f32
      %neg3A_457 = vector.broadcast %neg3A_456 : f32 to vector<16xf32>
      %neg3A_458 = arith.subf %neg3A_457, %mul3A_455 : vector<16xf32>
      %exp3A_459 = math.exp %neg3A_458 : vector<16xf32>
      %mul3A_460 = arith.mulf %get3A_191, %exp3A_459 : vector<16xf32>
      %add3A_461 = arith.addf %add3A_453, %mul3A_460 : vector<16xf32>
      %mul3A_462 = arith.mulf %add3A_461, %mul3A_333 : vector<16xf32>
      %mul3A_463 = arith.mulf %mul3A_462, %sub3A : vector<16xf32>
      %mul3A_464 = arith.mulf %mul3A_462, %sub3A_270 : vector<16xf32>
      %mul3A_465 = arith.mulf %mul3A_462, %sub3A_271 : vector<16xf32>
      %add3A_466 = arith.addf %scan3A_249, %mul3A_462 : vector<16xf32>
      %add3A_467 = arith.addf %scan3A_250, %mul3A_463 : vector<16xf32>
      %add3A_468 = arith.addf %scan3A_251, %mul3A_464 : vector<16xf32>
      %add3A_469 = arith.addf %scan3A_252, %mul3A_465 : vector<16xf32>
      %mul3A_470 = arith.mulf %mul3A_463, %sub3A : vector<16xf32>
      %add3A_471 = arith.addf %scan3A_253, %mul3A_470 : vector<16xf32>
      %mul3A_472 = arith.mulf %mul3A_463, %sub3A_270 : vector<16xf32>
      %add3A_473 = arith.addf %scan3A_254, %mul3A_472 : vector<16xf32>
      %mul3A_474 = arith.mulf %mul3A_463, %sub3A_271 : vector<16xf32>
      %add3A_475 = arith.addf %scan3A_255, %mul3A_474 : vector<16xf32>
      %mul3A_476 = arith.mulf %mul3A_464, %sub3A_270 : vector<16xf32>
      %add3A_477 = arith.addf %scan3A_256, %mul3A_476 : vector<16xf32>
      %mul3A_478 = arith.mulf %mul3A_464, %sub3A_271 : vector<16xf32>
      %add3A_479 = arith.addf %scan3A_257, %mul3A_478 : vector<16xf32>
      %mul3A_480 = arith.mulf %mul3A_465, %sub3A_271 : vector<16xf32>
      %add3A_481 = arith.addf %scan3A_258, %mul3A_480 : vector<16xf32>
      scf.yield %add3A_466, %add3A_467, %add3A_468, %add3A_469, %add3A_471, %add3A_473, %add3A_475, %add3A_477, %add3A_479, %add3A_481 : vector<16xf32>, vector<16xf32>, vector<16xf32>, vector<16xf32>, vector<16xf32>, vector<16xf32>, vector<16xf32>, vector<16xf32>, vector<16xf32>, vector<16xf32>
    }
    %scan3A_240 = arith.constant 32 : i32
    %scan3A_241 = arith.constant 0 : i32
    %scan3A_242 = arith.constant 0 : i32
    %scan3A_243 = arith.constant 32 : i32
    %scan3A_244 = arith.addi %scan3A_242, %scan3A_243 : i32
    %scan3A_245 = arith.constant 1 : i32
    %scan3A_246 = scf.for %scan3A_248 = %scan3A_242 to %scan3A_244 step %scan3A_245 iter_args(%scan3A_249 = %scan3A_241) -> (i32)  : i32 {
      %get3A_250 = arith.index_cast %scan3A_248 : i32 to index
      %get3A_251 = arith.constant 16 : index
      %get3A_252 = tpu.vector_load %arg10[%get3A_250, %get3A_251] {strides = array<i32>} : memref<416x32xf32, #tpu.memory_space<vmem>>, vector<16xf32>,
      %mul3A_253 = arith.constant 3 : i32
      %mul3A_254 = arith.muli %scan3A_248, %mul3A_253 : i32
      %add3A_255 = arith.constant 32 : i32
      %add3A_256 = arith.addi %add3A_255, %mul3A_254 : i32
      %add3A_257 = arith.constant 0 : i32
      %add3A_258 = arith.addi %add3A_256, %add3A_257 : i32
      %get3A_259 = arith.index_cast %add3A_258 : i32 to index
      %get3A_260 = arith.constant 16 : index
      %get3A_261 = tpu.vector_load %arg10[%get3A_259, %get3A_260] {strides = array<i32>} : memref<416x32xf32, #tpu.memory_space<vmem>>, vector<16xf32>,
      %mul3A_262 = arith.constant 3 : i32
      %mul3A_263 = arith.muli %scan3A_248, %mul3A_262 : i32
      %add3A_264 = arith.constant 32 : i32
      %add3A_265 = arith.addi %add3A_264, %mul3A_263 : i32
      %add3A_266 = arith.constant 1 : i32
      %add3A_267 = arith.addi %add3A_265, %add3A_266 : i32
      %get3A_268 = arith.index_cast %add3A_267 : i32 to index
      %get3A_269 = arith.constant 16 : index
      %get3A_270 = tpu.vector_load %arg10[%get3A_268, %get3A_269] {strides = array<i32>} : memref<416x32xf32, #tpu.memory_space<vmem>>, vector<16xf32>,
      %mul3A_271 = arith.constant 3 : i32
      %mul3A_272 = arith.muli %scan3A_248, %mul3A_271 : i32
      %add3A_273 = arith.constant 32 : i32
      %add3A_274 = arith.addi %add3A_273, %mul3A_272 : i32
      %add3A_275 = arith.constant 2 : i32
      %add3A_276 = arith.addi %add3A_274, %add3A_275 : i32
      %get3A_277 = arith.index_cast %add3A_276 : i32 to index
      %get3A_278 = arith.constant 16 : index
      %get3A_279 = tpu.vector_load %arg10[%get3A_277, %get3A_278] {strides = array<i32>} : memref<416x32xf32, #tpu.memory_space<vmem>>, vector<16xf32>,
      %mul3A_280 = arith.constant 9 : i32
      %mul3A_281 = arith.muli %scan3A_248, %mul3A_280 : i32
      %add3A_282 = arith.constant 128 : i32
      %add3A_283 = arith.addi %add3A_282, %mul3A_281 : i32
      %add3A_284 = arith.constant 0 : i32
      %add3A_285 = arith.addi %add3A_283, %add3A_284 : i32
      %add3A_286 = arith.constant 0 : i32
      %add3A_287 = arith.addi %add3A_285, %add3A_286 : i32
      %get3A_288 = arith.index_cast %add3A_287 : i32 to index
      %get3A_289 = arith.constant 16 : index
      %get3A_290 = tpu.vector_load %arg10[%get3A_288, %get3A_289] {strides = array<i32>} : memref<416x32xf32, #tpu.memory_space<vmem>>, vector<16xf32>,
      %mul3A_291 = arith.constant 9 : i32
      %mul3A_292 = arith.muli %scan3A_248, %mul3A_291 : i32
      %add3A_293 = arith.constant 128 : i32
      %add3A_294 = arith.addi %add3A_293, %mul3A_292 : i32
      %add3A_295 = arith.constant 0 : i32
      %add3A_296 = arith.addi %add3A_294, %add3A_295 : i32
      %add3A_297 = arith.constant 1 : i32
      %add3A_298 = arith.addi %add3A_296, %add3A_297 : i32
      %get3A_299 = arith.index_cast %add3A_298 : i32 to index
      %get3A_300 = arith.constant 16 : index
      %get3A_301 = tpu.vector_load %arg10[%get3A_299, %get3A_300] {strides = array<i32>} : memref<416x32xf32, #tpu.memory_space<vmem>>, vector<16xf32>,
      %mul3A_302 = arith.constant 9 : i32
      %mul3A_303 = arith.muli %scan3A_248, %mul3A_302 : i32
      %add3A_304 = arith.constant 128 : i32
      %add3A_305 = arith.addi %add3A_304, %mul3A_303 : i32
      %add3A_306 = arith.constant 0 : i32
      %add3A_307 = arith.addi %add3A_305, %add3A_306 : i32
      %add3A_308 = arith.constant 2 : i32
      %add3A_309 = arith.addi %add3A_307, %add3A_308 : i32
      %get3A_310 = arith.index_cast %add3A_309 : i32 to index
      %get3A_311 = arith.constant 16 : index
      %get3A_312 = tpu.vector_load %arg10[%get3A_310, %get3A_311] {strides = array<i32>} : memref<416x32xf32, #tpu.memory_space<vmem>>, vector<16xf32>,
      %mul3A_313 = arith.constant 9 : i32
      %mul3A_314 = arith.muli %scan3A_248, %mul3A_313 : i32
      %add3A_315 = arith.constant 128 : i32
      %add3A_316 = arith.addi %add3A_315, %mul3A_314 : i32
      %add3A_317 = arith.constant 3 : i32
      %add3A_318 = arith.addi %add3A_316, %add3A_317 : i32
      %add3A_319 = arith.constant 0 : i32
      %add3A_320 = arith.addi %add3A_318, %add3A_319 : i32
      %get3A_321 = arith.index_cast %add3A_320 : i32 to index
      %get3A_322 = arith.constant 16 : index
      %get3A_323 = tpu.vector_load %arg10[%get3A_321, %get3A_322] {strides = array<i32>} : memref<416x32xf32, #tpu.memory_space<vmem>>, vector<16xf32>,
      %mul3A_324 = arith.constant 9 : i32
      %mul3A_325 = arith.muli %scan3A_248, %mul3A_324 : i32
      %add3A_326 = arith.constant 128 : i32
      %add3A_327 = arith.addi %add3A_326, %mul3A_325 : i32
      %add3A_328 = arith.constant 3 : i32
      %add3A_329 = arith.addi %add3A_327, %add3A_328 : i32
      %add3A_330 = arith.constant 1 : i32
      %add3A_331 = arith.addi %add3A_329, %add3A_330 : i32
      %get3A_332 = arith.index_cast %add3A_331 : i32 to index
      %get3A_333 = arith.constant 16 : index
      %get3A_334 = tpu.vector_load %arg10[%get3A_332, %get3A_333] {strides = array<i32>} : memref<416x32xf32, #tpu.memory_space<vmem>>, vector<16xf32>,
      %mul3A_335 = arith.constant 9 : i32
      %mul3A_336 = arith.muli %scan3A_248, %mul3A_335 : i32
      %add3A_337 = arith.constant 128 : i32
      %add3A_338 = arith.addi %add3A_337, %mul3A_336 : i32
      %add3A_339 = arith.constant 3 : i32
      %add3A_340 = arith.addi %add3A_338, %add3A_339 : i32
      %add3A_341 = arith.constant 2 : i32
      %add3A_342 = arith.addi %add3A_340, %add3A_341 : i32
      %get3A_343 = arith.index_cast %add3A_342 : i32 to index
      %get3A_344 = arith.constant 16 : index
      %get3A_345 = tpu.vector_load %arg10[%get3A_343, %get3A_344] {strides = array<i32>} : memref<416x32xf32, #tpu.memory_space<vmem>>, vector<16xf32>,
      %mul3A_346 = arith.constant 9 : i32
      %mul3A_347 = arith.muli %scan3A_248, %mul3A_346 : i32
      %add3A_348 = arith.constant 128 : i32
      %add3A_349 = arith.addi %add3A_348, %mul3A_347 : i32
      %add3A_350 = arith.constant 6 : i32
      %add3A_351 = arith.addi %add3A_349, %add3A_350 : i32
      %add3A_352 = arith.constant 0 : i32
      %add3A_353 = arith.addi %add3A_351, %add3A_352 : i32
      %get3A_354 = arith.index_cast %add3A_353 : i32 to index
      %get3A_355 = arith.constant 16 : index
      %get3A_356 = tpu.vector_load %arg10[%get3A_354, %get3A_355] {strides = array<i32>} : memref<416x32xf32, #tpu.memory_space<vmem>>, vector<16xf32>,
      %mul3A_357 = arith.constant 9 : i32
      %mul3A_358 = arith.muli %scan3A_248, %mul3A_357 : i32
      %add3A_359 = arith.constant 128 : i32
      %add3A_360 = arith.addi %add3A_359, %mul3A_358 : i32
      %add3A_361 = arith.constant 6 : i32
      %add3A_362 = arith.addi %add3A_360, %add3A_361 : i32
      %add3A_363 = arith.constant 1 : i32
      %add3A_364 = arith.addi %add3A_362, %add3A_363 : i32
      %get3A_365 = arith.index_cast %add3A_364 : i32 to index
      %get3A_366 = arith.constant 16 : index
      %get3A_367 = tpu.vector_load %arg10[%get3A_365, %get3A_366] {strides = array<i32>} : memref<416x32xf32, #tpu.memory_space<vmem>>, vector<16xf32>,
      %mul3A_368 = arith.constant 9 : i32
      %mul3A_369 = arith.muli %scan3A_248, %mul3A_368 : i32
      %add3A_370 = arith.constant 128 : i32
      %add3A_371 = arith.addi %add3A_370, %mul3A_369 : i32
      %add3A_372 = arith.constant 6 : i32
      %add3A_373 = arith.addi %add3A_371, %add3A_372 : i32
      %add3A_374 = arith.constant 2 : i32
      %add3A_375 = arith.addi %add3A_373, %add3A_374 : i32
      %get3A_376 = arith.index_cast %add3A_375 : i32 to index
      %get3A_377 = arith.constant 16 : index
      %get3A_378 = tpu.vector_load %arg10[%get3A_376, %get3A_377] {strides = array<i32>} : memref<416x32xf32, #tpu.memory_space<vmem>>, vector<16xf32>,
      %mul3A_379 = arith.mulf %get3A_252, %scan3A_239#0 : vector<16xf32>
      %mul3A_380 = arith.mulf %get3A_261, %scan3A_239#1 : vector<16xf32>
      %add3A_381 = arith.addf %mul3A_379, %mul3A_380 : vector<16xf32>
      %mul3A_382 = arith.mulf %get3A_290, %scan3A_239#4 : vector<16xf32>
      %add3A_383 = arith.addf %add3A_381, %mul3A_382 : vector<16xf32>
      %mul3A_384 = arith.mulf %get3A_301, %scan3A_239#5 : vector<16xf32>
      %add3A_385 = arith.addf %add3A_383, %mul3A_384 : vector<16xf32>
      %mul3A_386 = arith.mulf %get3A_312, %scan3A_239#6 : vector<16xf32>
      %add3A_387 = arith.addf %add3A_385, %mul3A_386 : vector<16xf32>
      %mul3A_388 = arith.mulf %get3A_270, %scan3A_239#2 : vector<16xf32>
      %add3A_389 = arith.addf %add3A_387, %mul3A_388 : vector<16xf32>
      %mul3A_390 = arith.mulf %get3A_323, %scan3A_239#5 : vector<16xf32>
      %add3A_391 = arith.addf %add3A_389, %mul3A_390 : vector<16xf32>
      %mul3A_392 = arith.mulf %get3A_334, %scan3A_239#7 : vector<16xf32>
      %add3A_393 = arith.addf %add3A_391, %mul3A_392 : vector<16xf32>
      %mul3A_394 = arith.mulf %get3A_345, %scan3A_239#8 : vector<16xf32>
      %add3A_395 = arith.addf %add3A_393, %mul3A_394 : vector<16xf32>
      %mul3A_396 = arith.mulf %get3A_279, %scan3A_239#3 : vector<16xf32>
      %add3A_397 = arith.addf %add3A_395, %mul3A_396 : vector<16xf32>
      %mul3A_398 = arith.mulf %get3A_356, %scan3A_239#6 : vector<16xf32>
      %add3A_399 = arith.addf %add3A_397, %mul3A_398 : vector<16xf32>
      %mul3A_400 = arith.mulf %get3A_367, %scan3A_239#8 : vector<16xf32>
      %add3A_401 = arith.addf %add3A_399, %mul3A_400 : vector<16xf32>
      %mul3A_402 = arith.mulf %get3A_378, %scan3A_239#9 : vector<16xf32>
      %add3A_403 = arith.addf %add3A_401, %mul3A_402 : vector<16xf32>
      %swap3A = arith.index_cast %scan3A_248 : i32 to index
      %swap3A_404 = arith.constant 16 : index
      %swap3A_405 = tpu.vector_load %arg11[%swap3A, %swap3A_404] {strides = array<i32>} : memref<416x32xf32, #tpu.memory_space<vmem>>, vector<16xf32>,
      tpu.vector_store %arg11[%swap3A, %swap3A_404], %add3A_403 {strides = array<i32>} : memref<416x32xf32, #tpu.memory_space<vmem>>, vector<16xf32>,
      %mul3A_406 = arith.mulf %get3A_252, %scan3A_239#1 : vector<16xf32>
      %mul3A_407 = arith.mulf %get3A_261, %scan3A_239#0 : vector<16xf32>
      %add3A_408 = arith.addf %mul3A_406, %mul3A_407 : vector<16xf32>
      %mul3A_409 = arith.mulf %get3A_261, %scan3A_239#4 : vector<16xf32>
      %add3A_410 = arith.addf %add3A_408, %mul3A_409 : vector<16xf32>
      %mul3A_411 = arith.mulf %get3A_290, %scan3A_239#1 : vector<16xf32>
      %add3A_412 = arith.addf %add3A_410, %mul3A_411 : vector<16xf32>
      %mul3A_413 = arith.mulf %get3A_270, %scan3A_239#5 : vector<16xf32>
      %add3A_414 = arith.addf %add3A_412, %mul3A_413 : vector<16xf32>
      %mul3A_415 = arith.mulf %get3A_301, %scan3A_239#2 : vector<16xf32>
      %add3A_416 = arith.addf %add3A_414, %mul3A_415 : vector<16xf32>
      %mul3A_417 = arith.mulf %get3A_279, %scan3A_239#6 : vector<16xf32>
      %add3A_418 = arith.addf %add3A_416, %mul3A_417 : vector<16xf32>
      %mul3A_419 = arith.mulf %get3A_312, %scan3A_239#3 : vector<16xf32>
      %add3A_420 = arith.addf %add3A_418, %mul3A_419 : vector<16xf32>
      %mul3A_421 = arith.constant 3 : i32
      %mul3A_422 = arith.muli %scan3A_248, %mul3A_421 : i32
      %add3A_423 = arith.constant 32 : i32
      %add3A_424 = arith.addi %add3A_423, %mul3A_422 : i32
      %add3A_425 = arith.constant 0 : i32
      %add3A_426 = arith.addi %add3A_424, %add3A_425 : i32
      %swap3A_427 = arith.index_cast %add3A_426 : i32 to index
      %swap3A_428 = arith.constant 16 : index
      %swap3A_429 = tpu.vector_load %arg11[%swap3A_427, %swap3A_428] {strides = array<i32>} : memref<416x32xf32, #tpu.memory_space<vmem>>, vector<16xf32>,
      tpu.vector_store %arg11[%swap3A_427, %swap3A_428], %add3A_420 {strides = array<i32>} : memref<416x32xf32, #tpu.memory_space<vmem>>, vector<16xf32>,
      %mul3A_430 = arith.mulf %get3A_252, %scan3A_239#2 : vector<16xf32>
      %mul3A_431 = arith.mulf %get3A_270, %scan3A_239#0 : vector<16xf32>
      %add3A_432 = arith.addf %mul3A_430, %mul3A_431 : vector<16xf32>
      %mul3A_433 = arith.mulf %get3A_261, %scan3A_239#5 : vector<16xf32>
      %add3A_434 = arith.addf %add3A_432, %mul3A_433 : vector<16xf32>
      %mul3A_435 = arith.mulf %get3A_323, %scan3A_239#1 : vector<16xf32>
      %add3A_436 = arith.addf %add3A_434, %mul3A_435 : vector<16xf32>
      %mul3A_437 = arith.mulf %get3A_270, %scan3A_239#7 : vector<16xf32>
      %add3A_438 = arith.addf %add3A_436, %mul3A_437 : vector<16xf32>
      %mul3A_439 = arith.mulf %get3A_334, %scan3A_239#2 : vector<16xf32>
      %add3A_440 = arith.addf %add3A_438, %mul3A_439 : vector<16xf32>
      %mul3A_441 = arith.mulf %get3A_279, %scan3A_239#8 : vector<16xf32>
      %add3A_442 = arith.addf %add3A_440, %mul3A_441 : vector<16xf32>
      %mul3A_443 = arith.mulf %get3A_345, %scan3A_239#3 : vector<16xf32>
      %add3A_444 = arith.addf %add3A_442, %mul3A_443 : vector<16xf32>
      %mul3A_445 = arith.constant 3 : i32
      %mul3A_446 = arith.muli %scan3A_248, %mul3A_445 : i32
      %add3A_447 = arith.constant 32 : i32
      %add3A_448 = arith.addi %add3A_447, %mul3A_446 : i32
      %add3A_449 = arith.constant 1 : i32
      %add3A_450 = arith.addi %add3A_448, %add3A_449 : i32
      %swap3A_451 = arith.index_cast %add3A_450 : i32 to index
      %swap3A_452 = arith.constant 16 : index
      %swap3A_453 = tpu.vector_load %arg11[%swap3A_451, %swap3A_452] {strides = array<i32>} : memref<416x32xf32, #tpu.memory_space<vmem>>, vector<16xf32>,
      tpu.vector_store %arg11[%swap3A_451, %swap3A_452], %add3A_444 {strides = array<i32>} : memref<416x32xf32, #tpu.memory_space<vmem>>, vector<16xf32>,
      %mul3A_454 = arith.mulf %get3A_252, %scan3A_239#3 : vector<16xf32>
      %mul3A_455 = arith.mulf %get3A_279, %scan3A_239#0 : vector<16xf32>
      %add3A_456 = arith.addf %mul3A_454, %mul3A_455 : vector<16xf32>
      %mul3A_457 = arith.mulf %get3A_261, %scan3A_239#6 : vector<16xf32>
      %add3A_458 = arith.addf %add3A_456, %mul3A_457 : vector<16xf32>
      %mul3A_459 = arith.mulf %get3A_356, %scan3A_239#1 : vector<16xf32>
      %add3A_460 = arith.addf %add3A_458, %mul3A_459 : vector<16xf32>
      %mul3A_461 = arith.mulf %get3A_270, %scan3A_239#8 : vector<16xf32>
      %add3A_462 = arith.addf %add3A_460, %mul3A_461 : vector<16xf32>
      %mul3A_463 = arith.mulf %get3A_367, %scan3A_239#2 : vector<16xf32>
      %add3A_464 = arith.addf %add3A_462, %mul3A_463 : vector<16xf32>
      %mul3A_465 = arith.mulf %get3A_279, %scan3A_239#9 : vector<16xf32>
      %add3A_466 = arith.addf %add3A_464, %mul3A_465 : vector<16xf32>
      %mul3A_467 = arith.mulf %get3A_378, %scan3A_239#3 : vector<16xf32>
      %add3A_468 = arith.addf %add3A_466, %mul3A_467 : vector<16xf32>
      %mul3A_469 = arith.constant 3 : i32
      %mul3A_470 = arith.muli %scan3A_248, %mul3A_469 : i32
      %add3A_471 = arith.constant 32 : i32
      %add3A_472 = arith.addi %add3A_471, %mul3A_470 : i32
      %add3A_473 = arith.constant 2 : i32
      %add3A_474 = arith.addi %add3A_472, %add3A_473 : i32
      %swap3A_475 = arith.index_cast %add3A_474 : i32 to index
      %swap3A_476 = arith.constant 16 : index
      %swap3A_477 = tpu.vector_load %arg11[%swap3A_475, %swap3A_476] {strides = array<i32>} : memref<416x32xf32, #tpu.memory_space<vmem>>, vector<16xf32>,
      tpu.vector_store %arg11[%swap3A_475, %swap3A_476], %add3A_468 {strides = array<i32>} : memref<416x32xf32, #tpu.memory_space<vmem>>, vector<16xf32>,
      %mul3A_478 = arith.mulf %get3A_252, %scan3A_239#4 : vector<16xf32>
      %mul3A_479 = arith.mulf %get3A_261, %scan3A_239#1 : vector<16xf32>
      %add3A_480 = arith.addf %mul3A_478, %mul3A_479 : vector<16xf32>
      %mul3A_481 = arith.mulf %get3A_290, %scan3A_239#0 : vector<16xf32>
      %add3A_482 = arith.addf %add3A_480, %mul3A_481 : vector<16xf32>
      %mul3A_483 = arith.mulf %get3A_290, %scan3A_239#4 : vector<16xf32>
      %add3A_484 = arith.addf %add3A_482, %mul3A_483 : vector<16xf32>
      %mul3A_485 = arith.mulf %get3A_301, %scan3A_239#5 : vector<16xf32>
      %add3A_486 = arith.addf %add3A_484, %mul3A_485 : vector<16xf32>
      %mul3A_487 = arith.mulf %get3A_312, %scan3A_239#6 : vector<16xf32>
      %add3A_488 = arith.addf %add3A_486, %mul3A_487 : vector<16xf32>
      %mul3A_489 = arith.constant 9 : i32
      %mul3A_490 = arith.muli %scan3A_248, %mul3A_489 : i32
      %add3A_491 = arith.constant 128 : i32
      %add3A_492 = arith.addi %add3A_491, %mul3A_490 : i32
      %add3A_493 = arith.constant 0 : i32
      %add3A_494 = arith.addi %add3A_492, %add3A_493 : i32
      %add3A_495 = arith.constant 0 : i32
      %add3A_496 = arith.addi %add3A_494, %add3A_495 : i32
      %swap3A_497 = arith.index_cast %add3A_496 : i32 to index
      %swap3A_498 = arith.constant 16 : index
      %swap3A_499 = tpu.vector_load %arg11[%swap3A_497, %swap3A_498] {strides = array<i32>} : memref<416x32xf32, #tpu.memory_space<vmem>>, vector<16xf32>,
      tpu.vector_store %arg11[%swap3A_497, %swap3A_498], %add3A_488 {strides = array<i32>} : memref<416x32xf32, #tpu.memory_space<vmem>>, vector<16xf32>,
      %mul3A_500 = arith.mulf %get3A_252, %scan3A_239#5 : vector<16xf32>
      %mul3A_501 = arith.mulf %get3A_261, %scan3A_239#2 : vector<16xf32>
      %add3A_502 = arith.addf %mul3A_500, %mul3A_501 : vector<16xf32>
      %mul3A_503 = arith.mulf %get3A_301, %scan3A_239#0 : vector<16xf32>
      %add3A_504 = arith.addf %add3A_502, %mul3A_503 : vector<16xf32>
      %mul3A_505 = arith.mulf %get3A_290, %scan3A_239#5 : vector<16xf32>
      %add3A_506 = arith.addf %add3A_504, %mul3A_505 : vector<16xf32>
      %mul3A_507 = arith.mulf %get3A_301, %scan3A_239#7 : vector<16xf32>
      %add3A_508 = arith.addf %add3A_506, %mul3A_507 : vector<16xf32>
      %mul3A_509 = arith.mulf %get3A_312, %scan3A_239#8 : vector<16xf32>
      %add3A_510 = arith.addf %add3A_508, %mul3A_509 : vector<16xf32>
      %mul3A_511 = arith.constant 9 : i32
      %mul3A_512 = arith.muli %scan3A_248, %mul3A_511 : i32
      %add3A_513 = arith.constant 128 : i32
      %add3A_514 = arith.addi %add3A_513, %mul3A_512 : i32
      %add3A_515 = arith.constant 0 : i32
      %add3A_516 = arith.addi %add3A_514, %add3A_515 : i32
      %add3A_517 = arith.constant 1 : i32
      %add3A_518 = arith.addi %add3A_516, %add3A_517 : i32
      %swap3A_519 = arith.index_cast %add3A_518 : i32 to index
      %swap3A_520 = arith.constant 16 : index
      %swap3A_521 = tpu.vector_load %arg11[%swap3A_519, %swap3A_520] {strides = array<i32>} : memref<416x32xf32, #tpu.memory_space<vmem>>, vector<16xf32>,
      tpu.vector_store %arg11[%swap3A_519, %swap3A_520], %add3A_510 {strides = array<i32>} : memref<416x32xf32, #tpu.memory_space<vmem>>, vector<16xf32>,
      %mul3A_522 = arith.mulf %get3A_252, %scan3A_239#6 : vector<16xf32>
      %mul3A_523 = arith.mulf %get3A_261, %scan3A_239#3 : vector<16xf32>
      %add3A_524 = arith.addf %mul3A_522, %mul3A_523 : vector<16xf32>
      %mul3A_525 = arith.mulf %get3A_312, %scan3A_239#0 : vector<16xf32>
      %add3A_526 = arith.addf %add3A_524, %mul3A_525 : vector<16xf32>
      %mul3A_527 = arith.mulf %get3A_290, %scan3A_239#6 : vector<16xf32>
      %add3A_528 = arith.addf %add3A_526, %mul3A_527 : vector<16xf32>
      %mul3A_529 = arith.mulf %get3A_301, %scan3A_239#8 : vector<16xf32>
      %add3A_530 = arith.addf %add3A_528, %mul3A_529 : vector<16xf32>
      %mul3A_531 = arith.mulf %get3A_312, %scan3A_239#9 : vector<16xf32>
      %add3A_532 = arith.addf %add3A_530, %mul3A_531 : vector<16xf32>
      %mul3A_533 = arith.constant 9 : i32
      %mul3A_534 = arith.muli %scan3A_248, %mul3A_533 : i32
      %add3A_535 = arith.constant 128 : i32
      %add3A_536 = arith.addi %add3A_535, %mul3A_534 : i32
      %add3A_537 = arith.constant 0 : i32
      %add3A_538 = arith.addi %add3A_536, %add3A_537 : i32
      %add3A_539 = arith.constant 2 : i32
      %add3A_540 = arith.addi %add3A_538, %add3A_539 : i32
      %swap3A_541 = arith.index_cast %add3A_540 : i32 to index
      %swap3A_542 = arith.constant 16 : index
      %swap3A_543 = tpu.vector_load %arg11[%swap3A_541, %swap3A_542] {strides = array<i32>} : memref<416x32xf32, #tpu.memory_space<vmem>>, vector<16xf32>,
      tpu.vector_store %arg11[%swap3A_541, %swap3A_542], %add3A_532 {strides = array<i32>} : memref<416x32xf32, #tpu.memory_space<vmem>>, vector<16xf32>,
      %mul3A_544 = arith.mulf %get3A_252, %scan3A_239#5 : vector<16xf32>
      %mul3A_545 = arith.mulf %get3A_270, %scan3A_239#1 : vector<16xf32>
      %add3A_546 = arith.addf %mul3A_544, %mul3A_545 : vector<16xf32>
      %mul3A_547 = arith.mulf %get3A_323, %scan3A_239#0 : vector<16xf32>
      %add3A_548 = arith.addf %add3A_546, %mul3A_547 : vector<16xf32>
      %mul3A_549 = arith.mulf %get3A_323, %scan3A_239#4 : vector<16xf32>
      %add3A_550 = arith.addf %add3A_548, %mul3A_549 : vector<16xf32>
      %mul3A_551 = arith.mulf %get3A_334, %scan3A_239#5 : vector<16xf32>
      %add3A_552 = arith.addf %add3A_550, %mul3A_551 : vector<16xf32>
      %mul3A_553 = arith.mulf %get3A_345, %scan3A_239#6 : vector<16xf32>
      %add3A_554 = arith.addf %add3A_552, %mul3A_553 : vector<16xf32>
      %mul3A_555 = arith.constant 9 : i32
      %mul3A_556 = arith.muli %scan3A_248, %mul3A_555 : i32
      %add3A_557 = arith.constant 128 : i32
      %add3A_558 = arith.addi %add3A_557, %mul3A_556 : i32
      %add3A_559 = arith.constant 3 : i32
      %add3A_560 = arith.addi %add3A_558, %add3A_559 : i32
      %add3A_561 = arith.constant 0 : i32
      %add3A_562 = arith.addi %add3A_560, %add3A_561 : i32
      %swap3A_563 = arith.index_cast %add3A_562 : i32 to index
      %swap3A_564 = arith.constant 16 : index
      %swap3A_565 = tpu.vector_load %arg11[%swap3A_563, %swap3A_564] {strides = array<i32>} : memref<416x32xf32, #tpu.memory_space<vmem>>, vector<16xf32>,
      tpu.vector_store %arg11[%swap3A_563, %swap3A_564], %add3A_554 {strides = array<i32>} : memref<416x32xf32, #tpu.memory_space<vmem>>, vector<16xf32>,
      %mul3A_566 = arith.mulf %get3A_252, %scan3A_239#7 : vector<16xf32>
      %mul3A_567 = arith.mulf %get3A_270, %scan3A_239#2 : vector<16xf32>
      %add3A_568 = arith.addf %mul3A_566, %mul3A_567 : vector<16xf32>
      %mul3A_569 = arith.mulf %get3A_334, %scan3A_239#0 : vector<16xf32>
      %add3A_570 = arith.addf %add3A_568, %mul3A_569 : vector<16xf32>
      %mul3A_571 = arith.mulf %get3A_323, %scan3A_239#5 : vector<16xf32>
      %add3A_572 = arith.addf %add3A_570, %mul3A_571 : vector<16xf32>
      %mul3A_573 = arith.mulf %get3A_334, %scan3A_239#7 : vector<16xf32>
      %add3A_574 = arith.addf %add3A_572, %mul3A_573 : vector<16xf32>
      %mul3A_575 = arith.mulf %get3A_345, %scan3A_239#8 : vector<16xf32>
      %add3A_576 = arith.addf %add3A_574, %mul3A_575 : vector<16xf32>
      %mul3A_577 = arith.constant 9 : i32
      %mul3A_578 = arith.muli %scan3A_248, %mul3A_577 : i32
      %add3A_579 = arith.constant 128 : i32
      %add3A_580 = arith.addi %add3A_579, %mul3A_578 : i32
      %add3A_581 = arith.constant 3 : i32
      %add3A_582 = arith.addi %add3A_580, %add3A_581 : i32
      %add3A_583 = arith.constant 1 : i32
      %add3A_584 = arith.addi %add3A_582, %add3A_583 : i32
      %swap3A_585 = arith.index_cast %add3A_584 : i32 to index
      %swap3A_586 = arith.constant 16 : index
      %swap3A_587 = tpu.vector_load %arg11[%swap3A_585, %swap3A_586] {strides = array<i32>} : memref<416x32xf32, #tpu.memory_space<vmem>>, vector<16xf32>,
      tpu.vector_store %arg11[%swap3A_585, %swap3A_586], %add3A_576 {strides = array<i32>} : memref<416x32xf32, #tpu.memory_space<vmem>>, vector<16xf32>,
      %mul3A_588 = arith.mulf %get3A_252, %scan3A_239#8 : vector<16xf32>
      %mul3A_589 = arith.mulf %get3A_270, %scan3A_239#3 : vector<16xf32>
      %add3A_590 = arith.addf %mul3A_588, %mul3A_589 : vector<16xf32>
      %mul3A_591 = arith.mulf %get3A_345, %scan3A_239#0 : vector<16xf32>
      %add3A_592 = arith.addf %add3A_590, %mul3A_591 : vector<16xf32>
      %mul3A_593 = arith.mulf %get3A_323, %scan3A_239#6 : vector<16xf32>
      %add3A_594 = arith.addf %add3A_592, %mul3A_593 : vector<16xf32>
      %mul3A_595 = arith.mulf %get3A_334, %scan3A_239#8 : vector<16xf32>
      %add3A_596 = arith.addf %add3A_594, %mul3A_595 : vector<16xf32>
      %mul3A_597 = arith.mulf %get3A_345, %scan3A_239#9 : vector<16xf32>
      %add3A_598 = arith.addf %add3A_596, %mul3A_597 : vector<16xf32>
      %mul3A_599 = arith.constant 9 : i32
      %mul3A_600 = arith.muli %scan3A_248, %mul3A_599 : i32
      %add3A_601 = arith.constant 128 : i32
      %add3A_602 = arith.addi %add3A_601, %mul3A_600 : i32
      %add3A_603 = arith.constant 3 : i32
      %add3A_604 = arith.addi %add3A_602, %add3A_603 : i32
      %add3A_605 = arith.constant 2 : i32
      %add3A_606 = arith.addi %add3A_604, %add3A_605 : i32
      %swap3A_607 = arith.index_cast %add3A_606 : i32 to index
      %swap3A_608 = arith.constant 16 : index
      %swap3A_609 = tpu.vector_load %arg11[%swap3A_607, %swap3A_608] {strides = array<i32>} : memref<416x32xf32, #tpu.memory_space<vmem>>, vector<16xf32>,
      tpu.vector_store %arg11[%swap3A_607, %swap3A_608], %add3A_598 {strides = array<i32>} : memref<416x32xf32, #tpu.memory_space<vmem>>, vector<16xf32>,
      %mul3A_610 = arith.mulf %get3A_252, %scan3A_239#6 : vector<16xf32>
      %mul3A_611 = arith.mulf %get3A_279, %scan3A_239#1 : vector<16xf32>
      %add3A_612 = arith.addf %mul3A_610, %mul3A_611 : vector<16xf32>
      %mul3A_613 = arith.mulf %get3A_356, %scan3A_239#0 : vector<16xf32>
      %add3A_614 = arith.addf %add3A_612, %mul3A_613 : vector<16xf32>
      %mul3A_615 = arith.mulf %get3A_356, %scan3A_239#4 : vector<16xf32>
      %add3A_616 = arith.addf %add3A_614, %mul3A_615 : vector<16xf32>
      %mul3A_617 = arith.mulf %get3A_367, %scan3A_239#5 : vector<16xf32>
      %add3A_618 = arith.addf %add3A_616, %mul3A_617 : vector<16xf32>
      %mul3A_619 = arith.mulf %get3A_378, %scan3A_239#6 : vector<16xf32>
      %add3A_620 = arith.addf %add3A_618, %mul3A_619 : vector<16xf32>
      %mul3A_621 = arith.constant 9 : i32
      %mul3A_622 = arith.muli %scan3A_248, %mul3A_621 : i32
      %add3A_623 = arith.constant 128 : i32
      %add3A_624 = arith.addi %add3A_623, %mul3A_622 : i32
      %add3A_625 = arith.constant 6 : i32
      %add3A_626 = arith.addi %add3A_624, %add3A_625 : i32
      %add3A_627 = arith.constant 0 : i32
      %add3A_628 = arith.addi %add3A_626, %add3A_627 : i32
      %swap3A_629 = arith.index_cast %add3A_628 : i32 to index
      %swap3A_630 = arith.constant 16 : index
      %swap3A_631 = tpu.vector_load %arg11[%swap3A_629, %swap3A_630] {strides = array<i32>} : memref<416x32xf32, #tpu.memory_space<vmem>>, vector<16xf32>,
      tpu.vector_store %arg11[%swap3A_629, %swap3A_630], %add3A_620 {strides = array<i32>} : memref<416x32xf32, #tpu.memory_space<vmem>>, vector<16xf32>,
      %mul3A_632 = arith.mulf %get3A_252, %scan3A_239#8 : vector<16xf32>
      %mul3A_633 = arith.mulf %get3A_279, %scan3A_239#2 : vector<16xf32>
      %add3A_634 = arith.addf %mul3A_632, %mul3A_633 : vector<16xf32>
      %mul3A_635 = arith.mulf %get3A_367, %scan3A_239#0 : vector<16xf32>
      %add3A_636 = arith.addf %add3A_634, %mul3A_635 : vector<16xf32>
      %mul3A_637 = arith.mulf %get3A_356, %scan3A_239#5 : vector<16xf32>
      %add3A_638 = arith.addf %add3A_636, %mul3A_637 : vector<16xf32>
      %mul3A_639 = arith.mulf %get3A_367, %scan3A_239#7 : vector<16xf32>
      %add3A_640 = arith.addf %add3A_638, %mul3A_639 : vector<16xf32>
      %mul3A_641 = arith.mulf %get3A_378, %scan3A_239#8 : vector<16xf32>
      %add3A_642 = arith.addf %add3A_640, %mul3A_641 : vector<16xf32>
      %mul3A_643 = arith.constant 9 : i32
      %mul3A_644 = arith.muli %scan3A_248, %mul3A_643 : i32
      %add3A_645 = arith.constant 128 : i32
      %add3A_646 = arith.addi %add3A_645, %mul3A_644 : i32
      %add3A_647 = arith.constant 6 : i32
      %add3A_648 = arith.addi %add3A_646, %add3A_647 : i32
      %add3A_649 = arith.constant 1 : i32
      %add3A_650 = arith.addi %add3A_648, %add3A_649 : i32
      %swap3A_651 = arith.index_cast %add3A_650 : i32 to index
      %swap3A_652 = arith.constant 16 : index
      %swap3A_653 = tpu.vector_load %arg11[%swap3A_651, %swap3A_652] {strides = array<i32>} : memref<416x32xf32, #tpu.memory_space<vmem>>, vector<16xf32>,
      tpu.vector_store %arg11[%swap3A_651, %swap3A_652], %add3A_642 {strides = array<i32>} : memref<416x32xf32, #tpu.memory_space<vmem>>, vector<16xf32>,
      %mul3A_654 = arith.mulf %get3A_252, %scan3A_239#9 : vector<16xf32>
      %mul3A_655 = arith.mulf %get3A_279, %scan3A_239#3 : vector<16xf32>
      %add3A_656 = arith.addf %mul3A_654, %mul3A_655 : vector<16xf32>
      %mul3A_657 = arith.mulf %get3A_378, %scan3A_239#0 : vector<16xf32>
      %add3A_658 = arith.addf %add3A_656, %mul3A_657 : vector<16xf32>
      %mul3A_659 = arith.mulf %get3A_356, %scan3A_239#6 : vector<16xf32>
      %add3A_660 = arith.addf %add3A_658, %mul3A_659 : vector<16xf32>
      %mul3A_661 = arith.mulf %get3A_367, %scan3A_239#8 : vector<16xf32>
      %add3A_662 = arith.addf %add3A_660, %mul3A_661 : vector<16xf32>
      %mul3A_663 = arith.mulf %get3A_378, %scan3A_239#9 : vector<16xf32>
      %add3A_664 = arith.addf %add3A_662, %mul3A_663 : vector<16xf32>
      %mul3A_665 = arith.constant 9 : i32
      %mul3A_666 = arith.muli %scan3A_248, %mul3A_665 : i32
      %add3A_667 = arith.constant 128 : i32
      %add3A_668 = arith.addi %add3A_667, %mul3A_666 : i32
      %add3A_669 = arith.constant 6 : i32
      %add3A_670 = arith.addi %add3A_668, %add3A_669 : i32
      %add3A_671 = arith.constant 2 : i32
      %add3A_672 = arith.addi %add3A_670, %add3A_671 : i32
      %swap3A_673 = arith.index_cast %add3A_672 : i32 to index
      %swap3A_674 = arith.constant 16 : index
      %swap3A_675 = tpu.vector_load %arg11[%swap3A_673, %swap3A_674] {strides = array<i32>} : memref<416x32xf32, #tpu.memory_space<vmem>>, vector<16xf32>,
      tpu.vector_store %arg11[%swap3A_673, %swap3A_674], %add3A_664 {strides = array<i32>} : memref<416x32xf32, #tpu.memory_space<vmem>>, vector<16xf32>,
      %scan3A_676 = arith.constant 0 : i32
      scf.yield %scan3A_676 : i32
    }
    %scan3A_247 = arith.constant 32 : i32
    "tpu.region"() ({
      %run_scoped3A = tpu.sem_alloc : memref<!tpu.dma_semaphore, #tpu.memory_space<semaphore_mem>>
      %dma_start3A = arith.constant 0 : i32
      %dma_start3A_248 = arith.constant 0 : i32
      %dma_start3A_249 = tpu.memref_slice %arg6[%add3A, %dma_start3A, %dma_start3A_248] : memref<32x416x32xf32, #tpu.memory_space<hbm>> -> memref<1x416x32xf32, #tpu.memory_space<hbm>>
      %dma_start3A_250 = tpu.memref_squeeze %dma_start3A_249 : memref<1x416x32xf32, #tpu.memory_space<hbm>> -> memref<416x32xf32, #tpu.memory_space<hbm>>
      %dma_start3A_251 = arith.constant 0 : i32
      %dma_start3A_252 = arith.constant 0 : i32
      %dma_start3A_253 = tpu.memref_slice %arg6[%add3A, %dma_start3A_251, %dma_start3A_252] : memref<32x416x32xf32, #tpu.memory_space<hbm>> -> memref<1x416x32xf32, #tpu.memory_space<hbm>>
      %dma_start3A_254 = tpu.memref_squeeze %dma_start3A_253 : memref<1x416x32xf32, #tpu.memory_space<hbm>> -> memref<416x32xf32, #tpu.memory_space<hbm>>
      tpu.enqueue_dma source(%arg11 : memref<416x32xf32, #tpu.memory_space<vmem>>) target(%dma_start3A_254 : memref<416x32xf32, #tpu.memory_space<hbm>>) target_semaphore(%run_scoped3A : memref<!tpu.dma_semaphore, #tpu.memory_space<semaphore_mem>>)
      %dma_wait3A = arith.constant 0 : i32
      %dma_wait3A_255 = arith.constant 0 : i32
      %dma_wait3A_256 = tpu.memref_slice %arg6[%add3A, %dma_wait3A, %dma_wait3A_255] : memref<32x416x32xf32, #tpu.memory_space<hbm>> -> memref<1x416x32xf32, #tpu.memory_space<hbm>>
      %dma_wait3A_257 = tpu.memref_squeeze %dma_wait3A_256 : memref<1x416x32xf32, #tpu.memory_space<hbm>> -> memref<416x32xf32, #tpu.memory_space<hbm>>
      %dma_wait3A_258 = arith.constant 0 : i32
      %dma_wait3A_259 = arith.constant 0 : i32
      %dma_wait3A_260 = tpu.memref_slice %arg6[%add3A, %dma_wait3A_258, %dma_wait3A_259] : memref<32x416x32xf32, #tpu.memory_space<hbm>> -> memref<1x416x32xf32, #tpu.memory_space<hbm>>
      %dma_wait3A_261 = tpu.memref_squeeze %dma_wait3A_260 : memref<1x416x32xf32, #tpu.memory_space<hbm>> -> memref<416x32xf32, #tpu.memory_space<hbm>>
      tpu.wait_dma2 semaphore(%run_scoped3A : memref<!tpu.dma_semaphore, #tpu.memory_space<semaphore_mem>>) src(%arg11 : memref<416x32xf32, #tpu.memory_space<vmem>>) dst(%dma_wait3A_261 : memref<416x32xf32, #tpu.memory_space<hbm>>)
      tpu.yield
    }) : () -> ()
    return
  }
}

</mosaic_0001>

<sc_bundles>
// kernel: kernel.3.cloned.1.call-start
scs
__scs_entry_jumppad:
0x0: {  	(pc) =	sbr.rel $0x88, $3  }
0x1: {  	(tag) =	ssettag $0x0;
	lr =	simm.s32 $0x1  }
0x2: {  	[smem:$0x3F9A] =	sst lr;
	_ =	strace $0xD0000000  }
0x3: {  	_ = 	snop  }
0x4: {  	_ = 	snop  }
0x5: {  	_ = 	snop  }
0x6: {  	_ = 	snop  }
0x7: {  	_ = 	snop  }
__scs_overlays_trampoline_lowered:
0x8: {  	[smem:$0x3FA9] =	sst s0  }
0x9: {  	[smem:$0x3FAA] =	sst s1  }
0xa: {  	[smem:$0x3FAB] =	sst s2  }
0xb: {  	[smem:$0x3FAC] =	sst s3  }
0xc: {  	[smem:$0x3FAD] =	sst s4  }
0xd: {  	[smem:$0x3FAE] =	sst s5  }
0xe: {  	[smem:$0x3FAF] =	sst s6  }
0xf: {  	[smem:$0x3FB0] =	sst s7  }
0x10: {  	[smem:$0x3FB1] =	sst s8  }
0x11: {  	[smem:$0x3FB2] =	sst s9;
	s0 =	simm.s32 @!p0 $0x0  }
0x12: {  	s1 =	sld [smem:$0x3F98];
	s0 =	simm.s32 @p0 $0x1  }
0x13: {  	[smem:$0x3FB3] =	sst s0;
	s0 =	simm.s32 @!p1 $0x0  }
0x14: {  	s2 =	sld [smem:$0x3F97];
	s0 =	simm.s32 @p1 $0x1  }
0x15: {  	[smem:$0x3FB4] =	sst s0;
	s0 =	simm.s32 @!p2 $0x0  }
0x16: {  	s3 =	sld [smem:$0x3FDB];
	s0 =	simm.s32 @p2 $0x1  }
0x17: {  	s4 =	simm.s32 $0x1BF5;
	[smem:$0x3FB6] =	sst s0  }
0x18: {  	s0 =	sld [smem:$0x3F99];
	_ =	swait.ge [sflag:s4], $0x0  }
0x19: {  	s7 =	sld [smem:$0x3F9A]  }
0x1a: {  	s8 =	sadd.s32 $0xFFFFE003, lr  }
0x1b: {  	s9 =	sadd.s32 $0xFFFFFEF7, lr;
	s5 =	simm.s32 $0xFFFFFFFF;
	p2 =	slt.u32 s8, $0xFFFFF086  }
0x1c: {  	p1 =	slt.u32 s9, $0xF7A;
	s5 =	simm.s32 @!p2 $0x0  }
0x1d: {  	s5 =	simm.s32 @p1 $0x1;
	p0 =	seq.s32 s7, s2  }
0x1e: {  	s7 =	smul.u32 @!p0 $0xF7A, s2;
	p2 =	seq.s32 @!p0 s5, $0x0  }
0x1f: {  	s9 =	smul.u32 $0xF7A, s1;
	s8 =	simm.s32 @!p0 $0x1BF5;
	p2 =	por !p2, p0  }
0x20: {  	[sflag:s8] =	ssyncset.s32 @!p0 $0xFFFFF086;
	s6 =	sadd.s32 @!p0 s3, s7;
	s7 =	simm.s32 @!p0 $0x108  }
0x21: {  	s3 =	sadd.s32 s3, s9;
	s6 =	sadd.s32 @!p0 $0x88, s6;
	s7 =	simm.s32 @p2 $0x1082  }
0x22: {  	[simem:s7], [sflag:s8] =	dma.local @!p0 [hbm:s6], $0xF7A  }
0x23: {  	s9 =	sor.u32 $0xD0000000, s2;
	s6 =	simm.s32 $0x108;
	_ =	swait.ge @!p0 [sflag:s8], $0x0  }
0x24: {  	s3 =	sadd.s32 $0x88, s3;
	s6 =	simm.s32 @!p1 $0x1082;
	[sflag:s4] =	ssyncset.s32 $0xFFFFF086  }
0x25: {  	[simem:s6], [sflag:s4] =	dma.local [hbm:s3], $0xF7A  }
0x26: {  	[smem:$0x3F9A] =	sst s1;
	(tag) =	ssettag s2;
	_ =	strace s9  }
0x27: {  	s1 =	sld [smem:$0x3FAA]  }
0x28: {  	s2 =	sld [smem:$0x3FAB]  }
0x29: {  	s4 =	sld [smem:$0x3FAD]  }
0x2a: {  	p0 =	seq.s32 s5, $0x0;
	s5 =	sld [smem:$0x3FAE]  }
0x2b: {  	s6 =	sld [smem:$0x3FAF]  }
0x2c: {  	s7 =	sld [smem:$0x3FB0]  }
0x2d: {  	s3 =	simm.s32 $0x108;
	s8 =	sld [smem:$0x3FB1]  }
0x2e: {  	s3 =	simm.s32 @!p0 $0x1082;
	s9 =	sld [smem:$0x3FB2]  }
0x2f: {  	lr =	sadd.s32 s0, s3;
	s0 =	sld [smem:$0x3FA9]  }
0x30: {  	s3 =	sld [smem:$0x3FAC]  }
0x31: {  	[smem:$0x3FB5] =	sst s10  }
0x32: {  	s10 =	sld [smem:$0x3FB3];
	_ =	sdelay $0x3  }
0x33: {  	p0 =	seq.s32 s10, $0x1;
	s10 =	sld [smem:$0x3FB5];
	_ =	sdelay $0x3  }
0x34: {  	[smem:$0x3FB5] =	sst s10  }
0x35: {  	s10 =	sld [smem:$0x3FB4];
	_ =	sdelay $0x3  }
0x36: {  	p1 =	seq.s32 s10, $0x1;
	s10 =	sld [smem:$0x3FB5];
	_ =	sdelay $0x3  }
0x37: {  	[smem:$0x3FB5] =	sst s10  }
0x38: {  	s10 =	sld [smem:$0x3FB6]  }
0x39: {  	_ = 	snop;
	(pc) =	sbr.ind lr, $3  }
0x3a: {  	_ = 	snop  }
0x3b: {  	_ = 	snop  }
0x3c: {  	p2 =	seq.s32 s10, $0x1;
	s10 =	sld [smem:$0x3FB5]  }
0x3d: {  	_ =	shalt  }
0x3e: {  	_ =	shalt  }
0x3f: {  	_ =	shalt  }
0x40: {  	_ =	shalt  }
0x41: {  	_ =	shalt  }
0x42: {  	_ =	shalt  }
0x43: {  	_ =	shalt  }
0x44: {  	_ =	shalt  }
0x45: {  	_ =	shalt  }
0x46: {  	_ =	shalt  }
0x47: {  	_ =	shalt  }
0x48: {  	_ =	shalt  }
0x49: {  	_ =	shalt  }
0x4a: {  	_ =	shalt  }
0x4b: {  	_ =	shalt  }
0x4c: {  	_ =	shalt  }
0x4d: {  	_ =	shalt  }
0x4e: {  	_ =	shalt  }
0x4f: {  	_ =	shalt  }
0x50: {  	_ =	shalt  }
0x51: {  	_ =	shalt  }
0x52: {  	_ =	shalt  }
0x53: {  	_ =	shalt  }
0x54: {  	_ =	shalt  }
0x55: {  	_ =	shalt  }
0x56: {  	_ =	shalt  }
0x57: {  	_ =	shalt  }
0x58: {  	_ =	shalt  }
0x59: {  	_ =	shalt  }
0x5a: {  	_ =	shalt  }
0x5b: {  	_ =	shalt  }
0x5c: {  	_ =	shalt  }
0x5d: {  	_ =	shalt  }
0x5e: {  	_ =	shalt  }
0x5f: {  	_ =	shalt  }
0x60: {  	_ =	shalt  }
0x61: {  	_ =	shalt  }
0x62: {  	_ =	shalt  }
0x63: {  	_ =	shalt  }
0x64: {  	_ =	shalt  }
0x65: {  	_ =	shalt  }
0x66: {  	_ =	shalt  }
0x67: {  	_ =	shalt  }
0x68: {  	_ =	shalt  }
0x69: {  	_ =	shalt  }
0x6a: {  	_ =	shalt  }
0x6b: {  	_ =	shalt  }
0x6c: {  	_ =	shalt  }
0x6d: {  	_ =	shalt  }
0x6e: {  	_ =	shalt  }
0x6f: {  	_ =	shalt  }
0x70: {  	_ =	shalt  }
0x71: {  	_ =	shalt  }
0x72: {  	_ =	shalt  }
0x73: {  	_ =	shalt  }
0x74: {  	_ =	shalt  }
0x75: {  	_ =	shalt  }
0x76: {  	_ =	shalt  }
0x77: {  	_ =	shalt  }
0x78: {  	_ =	shalt  }
0x79: {  	_ =	shalt  }
0x7a: {  	_ =	shalt  }
0x7b: {  	_ =	shalt  }
0x7c: {  	_ =	shalt  }
0x7d: {  	_ =	shalt  }
0x7e: {  	_ =	shalt  }
0x7f: {  	_ =	shalt  }
0x80: {  	_ =	shalt  }
0x81: {  	_ =	shalt  }
0x82: {  	_ =	shalt  }
0x83: {  	_ =	shalt  }
0x84: {  	_ =	shalt  }
0x85: {  	_ =	shalt  }
0x86: {  	_ =	shalt  }
0x87: {  	_ =	shalt  }
.Lfunc_end0:
.L_simem_size_0:
called_computation_lowered:
.L_overlay_start_0:
0x88: {  	s2 =	sld [smem:$0x3FD9]  }
0x89: {  	s3 =	sld [smem:$0x3FFE];
	_ =	sdelay $0x1  }
0x8a: {  	s1 =	srdreg.scid  }
0x8b: {  	s0 =	sand.u32 $0x1, s1  }
0x8c: {  	s14 =	sshll.u32 s0, $0xA;
	s2 =	sadd.s32 s3, s2  }
0x8d: {  	s2 =	sadd.s32 s2, s14  }
0x8e: {  	[smem:$0x3FC1] =	sst s2  }
0x8f: {  	_ = 	snop  }
0x90: {  	s2 =	sld [smem:$0x3FD0];
	_ =	sdelay $0x2  }
0x91: {  	s15 =	simm.s32 $0xA;
	s4 =	simm.s32 $0x10  }
0x92: {  	[smem:s4], [sflag:s15] =	dma.local [hbm:s2], $0x1  }
0x93: {  	_ =	swait.eq [sflag:s15], $0x1  }
0x94: {  	s16 =	sld [smem:$0x10];
	[sflag:s15] =	ssyncset.done $0x0  }
0x95: {  	s17 =	sld [smem:$0x11];
	[sflag:s15] =	ssyncadd.s32 $0xFFFFFFFF  }
0x96: {  	s18 =	sld [smem:$0x12];
	(tm) =	ssettm $0x1  }
0x97: {  	s5 =	sld [smem:$0x3FFB];
	_ =	sdelay $0x3  }
0x98: {  	_ =	strace s5  }
0x99: {  	s5 =	sld [smem:$0x3FFC];
	_ =	sdelay $0x3  }
0x9a: {  	_ =	strace s5  }
0x9b: {  	s5 =	sld [smem:$0x3FFD];
	_ =	sdelay $0x3  }
0x9c: {  	_ =	strace s5  }
0x9d: {  	_ =	strace $0x8FFFFFFF  }
0x9e: {  	s19 =	sld [smem:$0x3FDB];
	_ =	sdelay $0x1  }
0x9f: {  	s6 =	simm.s32 $_scs_section_size  }
0xa0: {  	s7 =	simm.s32 $_size__tile_overlayer_lowered;
	s8 =	simm.s32 $_tile_overlayer_lowered  }
0xa1: {  	s22 =	simm.s32 $0x1BFF;
	s21 =	sshll.u32 s8, $0x1;
	s5 =	sadd.s32 s6, s19  }
0xa2: {  	s9 =	simm.s32 $0x0;
	s20 =	sshll.u32 s7, $0x1;
	s7 =	sadd.s32 s21, s5  }
0xa3: {  	[timem:s9], [sflag:s22] =	dma.local [hbm:s7], s20  }
0xa4: {  	_ =	swait.ge [sflag:s22], s20  }
0xa5: {  	s6 =	ssub.s32 $0x0, s20;
	[sflag:s22] =	ssyncset.done $0x0  }
0xa6: {  	[sflag:s22] =	ssyncadd.s32 s6;
	_ =	sdelay $0x1  }
0xa7: {  	s23 =	simm.s32 $0x1B8B  }
0xa8: {  	_ =	swait.ge [sflag:s23], $0x1  }
0xa9: {  	[sflag:s23] =	ssyncset.done $0x0  }
0xaa: {  	s25 =	simm.s32 $0x1B8E;
	s24 =	sld [smem:$0x3FFE];
	[sflag:s23] =	ssyncadd.s32 $0xFFFFFFFF  }
0xab: {  	s26 =	simm.s32 $execute0_lowered;
	[smem:$0x3FD2] =	sst s25  }
0xac: {  	s7 =	sshll.u32 s26, $0x1;
	_ =	strace $0x80000046;
	[dreg:$0x1] =	wrdreg $0xFFFFFFFF  }
0xad: {  	s28 =	simm.s32 $_size_execute0_lowered;
	s5 =	sadd.s32 s5, s7;
	[dreg:$0x0] =	wrdreg $0x0  }
0xae: {  	s7 =	sshll.u32 s28, $0x1;
	[dreg:$0x2] =	wrdreg s5  }
0xaf: {  	[dreg:$0x3] =	wrdreg s7  }
0xb0: {  	[dreg:$0x4] =	wrdreg $0xC0  }
0xb1: {  	_ =	task [dreg:s9], $0x5FFFF  }
0xb2: {  	[dreg:$0x1] =	wrdreg $0xFFFFFFFF  }
0xb3: {  	[dreg:$0x0] =	wrdreg $0x60  }
0xb4: {  	[dreg:$0x2] =	wrdreg s17  }
0xb5: {  	[dreg:$0x3] =	wrdreg s18  }
0xb6: {  	[dreg:$0x4] =	wrdreg s16  }
0xb7: {  	[dreg:$0x5] =	wrdreg s24  }
0xb8: {  	[dreg:$0x6] =	wrdreg $0x9  }
0xb9: {  	_ =	task.clear_ibuf [dreg:s9], $0x7FFFF;
	_ =	strace $0x90000046  }
0xba: {  	s29 =	simm.s32 $0x9;
	_ =	strace $0x80000048  }
0xbb: {  	_ =	swait.ge [sflag:s29], $0x1  }
0xbc: {  	[sflag:s29] =	ssyncadd.s32 $0xFFFFFFFF  }
0xbd: {  	_ =	strace $0x90000048  }
0xbe: {  	_ =	sfence  }
0xbf: {  	s30 =	sld [smem:$0x0];
	_ =	sdelay $0x2  }
0xc0: {  	s31 =	sshll.u32 s1, $0xD;
	s1 =	sshrl.u32 s1, $0x2  }
0xc1: {  	s3 =	sand.u32 $0x4000, s31;
	s1 =	sadd.s32 s1, s30  }
0xc2: {  	s0 =	sor.u32 s3, s0;
	s1 =	sshll.u32 s1, $0x11  }
0xc3: {  	s0 =	sor.u32 s1, s0  }
0xc4: {  	s0 =	sadd.s32 $0x8F2B, s0  }
0xc5: {  	[sflag:s0] =	ssyncadd.remote.s32 $0x1  }
0xc6: {  	_ =	sfence.sel $0xFFFF  }
0xc7: {  	[dreg:$0x0] =	wrdreg $0xFFFFFFFF;
	(pc) =	sbr.abs _section_cstart, $3  }
0xc8: {  	[dreg:$0x1] =	wrdreg $0xFFFFFFFF  }
0xc9: {  	_ =	task.clear_ibuf [dreg:s9], $0x2FFFF;
	_ =	strace $0x9FFFFFFF  }
0xca: {  	(tm) =	ssettm $0x7FFFFFFF  }
0xcb: {  	_ =	shalt  }
tec
execute0_lowered:
.L_overlay_start_1:
0x0: {  	(tag) =	ssettag $0x1  }
0x1: {  	s1 =	rddreg [dreg:$0x0]  }
0x2: {  	s6 =	rddreg [dreg:$0x1];
	s2 =	srdreg.scid  }
0x3: {  	s0 =	stileid.u32;
	s3 =	rddreg [dreg:$0x2]  }
0x4: {  	s7 =	rddreg [dreg:$0x3];
	s4 =	simm.s32 $0x0;
	s12 =	simm.s32 $0x1  }
0x5: {  	s13 =	simm.s32 $0xC00;
	s14 =	simm.s32 $0x1C00;
	s15 =	simm.s32 $0x2C00  }
0x6: {  	s16 =	simm.s32 $0xFC00;
	s5 =	sand.u32 $0x1, s2;
	s2 =	rddreg [dreg:$0x4]  }
0x7: {  	s17 =	simm.s32 $0x0;
	s29 =	sshll.u32 s0, $0x1;
	[smem:$0x7FF] =	sst s4  }
0x8: {  	s8 =	sor.u32 s5, s29;
	s5 =	ssub.s32 $0x2, s5;
	_ =	strace $0x80000047  }
0x9: {  	s9 =	smul.u32 $0x1A00, s8;
	s30 =	sshrl.u32 s5, $0x1;
	s31 =	sshll.u32 s8, $0x9  }
0xa: {  	s11 =	ssub.s32 s5, s30;
	s5 =	sshll.u32 s8, $0x5;
	s6 =	sadd.s32 s6, s31  }
0xb: {  	s10 =	sadd.s32 s9, s7;
	s8 =	sor.u32 $0x400, s5;
	s9 =	sor.u32 $0x800, s5  }
0xc: {  	s11 =	smax.u32 s11, $0x1;
	s7 =	sadd.s32 $0xE00, s10;
	s10 =	sadd.s32 $0x34E00, s10  }
.LBB2_1:
0xd: {  	[tilespmem:s4], [sflag:$0x1] =	stream.linear.gather [hbm4b:s1+s4], $0xC00, $0x38;
	[tilespmem:$0x1CC00] =	vst v63  }
0xe: {  	_ =	swait.ge [sflag:s12], $0xC00  }
0xf: {  	[sflag:s12] =	ssyncset.done $0x0  }
0x10: {  	[sflag:s12] =	ssyncadd.s32 $0xFFFFF400  }
0x11: {  	[tilespmem:s13], [sflag:$0x1] =	stream.linear.gather [hbm4b:s6+s4], $0x1000, $0x38;
	[tilespmem:$0x1CC00] =	vst v63  }
0x12: {  	_ =	swait.ge [sflag:s12], $0x1000  }
0x13: {  	[sflag:s12] =	ssyncset.done $0x0  }
0x14: {  	[sflag:s12] =	ssyncadd.s32 $0xFFFFF000  }
0x15: {  	[tilespmem:s14], [sflag:$0x1] =	stream.linear.gather [hbm4b:s3+s4], $0x1000, $0x38;
	[tilespmem:$0x1CC00] =	vst v63  }
0x16: {  	_ =	swait.ge [sflag:s12], $0x1000  }
0x17: {  	[sflag:s12] =	ssyncset.done $0x0  }
0x18: {  	[sflag:s12] =	ssyncadd.s32 $0xFFFFF000  }
0x19: {  	[tilespmem:s15], [sflag:$0x1] =	stream.linear.gather [hbm4b:s7+s4], $0xD000, $0x38;
	[tilespmem:$0x1CC00] =	vst v63  }
0x1a: {  	_ =	swait.ge [sflag:s12], $0xD000  }
0x1b: {  	[sflag:s12] =	ssyncset.done $0x0  }
0x1c: {  	s18 =	simm.s32 $0x0;
	[sflag:s12] =	ssyncadd.s32 $0xFFFF3000  }
0x1d: {  	v0 =	vld [tilespmem:s18+$0xC00];
	_ =	sdelay $0x4  }
0x1e: {  	v1 =	vadd.s32 $0x400, v0;
	_ =	sdelay $0x1  }
0x1f: {  	v16 =	vld [tilespmem:s5+$0x0];
	v2 =	vadd.s32 $0x800, v0  }
0x20: {  	v17 =	vld [tilespmem:s8+$0x0]  }
0x21: {  	v0 =	vld.idx.msk [tilespmem:v0+s4+$0x0], $0xffff  }
0x22: {  	v1 =	vld.idx.msk [tilespmem:v1+s4+$0x0], $0xffff  }
0x23: {  	v18 =	vld [tilespmem:s9+$0x0]  }
0x24: {  	v2 =	vld.idx.msk [tilespmem:v2+s4+$0x0], $0xffff;
	_ =	sdelay $0x2  }
0x25: {  	v34 =	vsub.f32 v0, v16;
	v33 =	vsub.f32 v1, v17;
	_ =	sdelay $0x1  }
0x26: {  	v0 =	vmul.f32 v34, v34;
	v32 =	vsub.f32 v2, v18;
	v1 =	vmul.f32 v33, v33;
	_ =	sdelay $0x1  }
0x27: {  	v0 =	vadd.f32 v1, v0;
	v1 =	vmul.f32 v32, v32;
	_ =	sdelay $0x1  }
0x28: {  	v0 =	vadd.f32 v1, v0;
	_ =	sdelay $0x1  }
0x29: {  	v0 =	vadd.f32 $1.000000010e-10, v0;
	_ =	sdelay $0x1  }
0x2a: {  	v1 =	vshra.s32 v0, $0x1;
	v2 =	vmul.f32 $5.000000000e-01, v0  }
0x2b: {  	v1 =	vsub.s32 $0x5F3759DF, v1  }
0x2c: {  	v3 =	vmul.f32 v1, v2;
	_ =	sdelay $0x1  }
0x2d: {  	v3 =	vmul.f32 v1, v3;
	_ =	sdelay $0x1  }
0x2e: {  	v3 =	vsub.f32 $1.500000000e+00, v3;
	_ =	sdelay $0x1  }
0x2f: {  	v1 =	vmul.f32 v1, v3;
	_ =	sdelay $0x1  }
0x30: {  	v2 =	vmul.f32 v1, v2  }
0x31: {  	v19 =	vld [tilespmem:$0x1C00]  }
0x32: {  	v24 =	vld [tilespmem:$0x1C80];
	v2 =	vmul.f32 v2, v1  }
0x33: {  	v26 =	vld [tilespmem:$0x1E00]  }
0x34: {  	s31 =	simm.s32 $0x80;
	v27 =	vld [tilespmem:$0x1D80];
	v2 =	vsub.f32 $1.500000000e+00, v2  }
0x35: {  	v3 =	vld [tilespmem:s31+$0xC00]  }
0x36: {  	v28 =	vld [tilespmem:$0x1E80];
	v1 =	vmul.f32 v2, v1  }
0x37: {  	v30 =	vld [tilespmem:$0x2000]  }
0x38: {  	v42 =	vld [tilespmem:$0x1F80];
	v1 =	vmul.f32 v1, v0  }
0x39: {  	v49 =	vimm.f32 $0.0e+00;
	v11 =	vld [tilespmem:$0x1D00]  }
0x3a: {  	v50 =	vimm.f32 $0.0e+00;
	v13 =	vld [tilespmem:$0x2100];
	v7 =	vadd.s32 $0x400, v3;
	v0 =	vsub.f32 v1, v19  }
0x3b: {  	v9 =	vadd.s32 $0x800, v3;
	v2 =	vsub.f32 v1, v24;
	v4 =	vsub.f32 v1, v26  }
0x3c: {  	v14 =	vld [tilespmem:$0x2080];
	v5 =	vsub.f32 v1, v28;
	v6 =	vsub.f32 v1, v27;
	v0 =	vmul.f32 v0, v0  }
0x3d: {  	v15 =	vld [tilespmem:$0x2280];
	v8 =	vsub.f32 v1, v30;
	v10 =	vsub.f32 v1, v42;
	v2 =	vmul.f32 v2, v2  }
0x3e: {  	[tilespmem:$0x1FF30] =	vst v11;
	v3 =	vld.idx.msk [tilespmem:v3+s4+$0x0], $0xffff;
	v11 =	vsub.f32 v1, v11;
	v4 =	vmul.f32 v4, v4;
	v0 =	vsub.f32 $0.0e+00, v0  }
0x3f: {  	[tilespmem:$0x1FF50] =	vst v13;
	v13 =	vsub.f32 v1, v13;
	v5 =	vmul.f32 v5, v5;
	v2 =	vsub.f32 $0.0e+00, v2  }
0x40: {  	v8 =	vmul.f32 v8, v8;
	v4 =	vsub.f32 $0.0e+00, v4;
	v0 =	vmul.f32 $1.442695020e+00, v0  }
0x41: {  	[tilespmem:$0x1FF60] =	vst v14;
	v9 =	vld.idx.msk [tilespmem:v9+s4+$0x0], $0xffff;
	v14 =	vsub.f32 v1, v14;
	v6 =	vmul.f32 v6, v6;
	v2 =	vmul.f32 $1.442695020e+00, v2  }
0x42: {  	v31 =	vld [tilespmem:$0x2200];
	[tilespmem:$0x1FF80] =	vst v15;
	v15 =	vsub.f32 v1, v15;
	v4 =	vmul.f32 $1.442695020e+00, v4;
	(erf) = vpow2.f32 v0  }
0x43: {  	v12 =	vld [tilespmem:$0x1F00];
	v37 =	vsub.f32 v3, v16;
	v10 =	vmul.f32 v10, v10;
	(erf) = vpow2.f32 v2  }
0x44: {  	v6 =	vsub.f32 $0.0e+00, v6;
	(erf) = vpow2.f32 v4;
	v4 =	vsub.f32 $0.0e+00, v5;
	v5 =	vld.idx.msk [tilespmem:v7+s4+$0x0], $0xffff  }
0x45: {  	v11 =	vmul.f32 v11, v11;
	v62 =	vmul.f32 v14, v14;
	v8 =	vsub.f32 $0.0e+00, v8  }
0x46: {  	v15 =	vmul.f32 v15, v15;
	v36 =	vsub.f32 v9, v18;
	v6 =	vmul.f32 $1.442695020e+00, v6  }
0x47: {  	v8 =	vmul.f32 $1.442695020e+00, v8;
	v0 =	vmin.f32 v1, $5.000000000e+00;
	v4 =	vmul.f32 $1.442695020e+00, v4  }
0x48: {  	v0 =	vmul.f32 $3.141592740e-01, v0;
	v2 =	vsub.f32 v1, v31;
	v7 =	vsub.f32 v1, v12  }
0x49: {  	(erf) = vpow2.f32 v4;
	v4 =	vmul.f32 v13, v13;
	v35 =	vsub.f32 v5, v17  }
0x4a: {  	v2 =	vmul.f32 v2, v2;
	v0 =	vmul.f32 v0, v0;
	v5 =	vsub.f32 $0.0e+00, v11  }
0x4b: {  	v11 =	vmul.f32 v37, v37;
	v4 =	vsub.f32 $0.0e+00, v4;
	v9 =	vmul.f32 v35, v35  }
0x4c: {  	v48 =	vimm.f32 $0.0e+00;
	v57 =	vmovc v16;
	v7 =	vmul.f32 v7, v7;
	v5 =	vmul.f32 $1.442695020e+00, v5  }
0x4d: {  	v16 =	vld [tilespmem:$0x2180];
	v60 =	vpop (erf);
	v4 =	vmul.f32 $1.442695020e+00, v4;
	v9 =	vadd.f32 v9, v11;
	v11 =	vmul.f32 v36, v36  }
0x4e: {  	v20 =	vld [tilespmem:$0x2400];
	v10 =	vsub.f32 $0.0e+00, v10;
	v41 =	vmul.f32 $-2.755732000e-07, v0;
	v61 =	vpop (erf);
	(erf) = vpow2.f32 v5  }
0x4f: {  	v63 =	vld [tilespmem:$0x2300];
	v2 =	vsub.f32 $0.0e+00, v2;
	(erf) = vpow2.f32 v4;
	v4 =	vadd.f32 v11, v9  }
0x50: {  	v21 =	vld [tilespmem:$0x2480];
	v7 =	vsub.f32 $0.0e+00, v7;
	v14 =	vadd.f32 $2.480158760e-05, v41;
	(erf) = vpow2.f32 v6  }
0x51: {  	[tilespmem:$0x1FF40] =	vst v12;
	v10 =	vmul.f32 $1.442695020e+00, v10;
	v9 =	vsub.f32 $0.0e+00, v62;
	v4 =	vadd.f32 $1.000000010e-10, v4  }
0x52: {  	[tilespmem:$0x1FFA0] =	vst v16;
	v2 =	vmul.f32 $1.442695020e+00, v2;
	v7 =	vmul.f32 $1.442695020e+00, v7;
	v5 =	vsub.f32 v1, v16;
	v16 =	vld [tilespmem:$0x2380]  }
0x53: {  	v56 =	vld [tilespmem:$0x2500];
	[tilespmem:$0x1FF70] =	vst v20;
	v14 =	vmul.f32 v14, v0;
	v9 =	vmul.f32 $1.442695020e+00, v9;
	v11 =	vshra.s32 v4, $0x1  }
0x54: {  	v23 =	vmovc v17;
	v40 =	vsub.f32 v1, v63;
	v17 =	vld [tilespmem:$0x2600];
	v12 =	vmul.f32 v60, v20;
	v20 =	vmovc v18;
	v39 =	vmul.f32 $5.000000000e-01, v4  }
0x55: {  	v18 =	vld [tilespmem:$0x2580];
	v3 =	vmul.f32 v61, v21;
	v6 =	vpop (erf);
	(erf) = vpow2.f32 v9;
	v9 =	vsub.s32 $0x5F3759DF, v11  }
0x56: {  	v38 =	vld [tilespmem:$0x2680];
	v12 =	vadd.f32 $0.0e+00, v12;
	(erf) = vpow2.f32 v10;
	v10 =	vmul.f32 v9, v39;
	v11 =	vpop (erf)  }
0x57: {  	v5 =	vmul.f32 v5, v5;
	v1 =	vsub.f32 v1, v16;
	(erf) = vpow2.f32 v7;
	v7 =	vpop (erf)  }
0x58: {  	v3 =	vadd.f32 v12, v3;
	[tilespmem:$0x1FFE0] =	vst v16;
	v10 =	vmul.f32 v9, v10;
	v7 =	vmul.f32 v7, v56;
	v16 =	vpop (erf)  }
0x59: {  	[tilespmem:$0x1FFB0] =	vst v17;
	v6 =	vmul.f32 v6, v17;
	v5 =	vsub.f32 $0.0e+00, v5;
	v1 =	vmul.f32 v1, v1;
	v17 =	vpop (erf)  }
0x5a: {  	v10 =	vsub.f32 $1.500000000e+00, v10;
	v3 =	vadd.f32 v3, v7;
	v7 =	vmul.f32 v17, v18  }
0x5b: {  	v5 =	vmul.f32 $1.442695020e+00, v5;
	v1 =	vsub.f32 $0.0e+00, v1;
	v11 =	vmul.f32 v11, v38  }
0x5c: {  	[tilespmem:$0x1FF90] =	vst v21;
	v41 =	vimm.f32 $0.0e+00;
	v21 =	vmovc v18;
	(erf) = vpow2.f32 v8;
	v18 =	vld [tilespmem:$0x2880];
	v9 =	vmul.f32 v9, v10  }
0x5d: {  	v29 =	vld [tilespmem:$0x2700];
	v8 =	vsub.f32 $0.0e+00, v15;
	v1 =	vmul.f32 $1.442695020e+00, v1;
	v3 =	vadd.f32 v3, v7  }
0x5e: {  	v43 =	vadd.f32 $-1.388888920e-03, v14;
	v17 =	vld [tilespmem:$0x2780];
	v10 =	vmul.f32 v40, v40;
	v12 =	vmul.f32 v9, v39;
	v7 =	vpop (erf)  }
0x5f: {  	v8 =	vmul.f32 $1.442695020e+00, v8;
	v3 =	vadd.f32 v3, v6;
	v44 =	vpop (erf);
	(erf) = vpow2.f32 v5  }
0x60: {  	v5 =	vsub.f32 $0.0e+00, v10;
	v10 =	vmul.f32 v43, v0;
	v12 =	vmul.f32 v12, v9  }
0x61: {  	[tilespmem:$0x1FFC0] =	vst v38;
	v38 =	vld [tilespmem:$0x2800];
	v7 =	vmul.f32 v7, v18;
	v43 =	vimm.f32 $0.0e+00;
	v6 =	vpop (erf);
	v3 =	vadd.f32 v3, v11  }
0x62: {  	v15 =	vld [tilespmem:$0x2900];
	(erf) = vpow2.f32 v2;
	v6 =	vmul.f32 v6, v29;
	v11 =	vsub.f32 $1.500000000e+00, v12  }
0x63: {  	v2 =	vmul.f32 v44, v17;
	v5 =	vmul.f32 $1.442695020e+00, v5;
	v10 =	vadd.f32 $4.166666790e-02, v10  }
0x64: {  	(erf) = vpow2.f32 v8;
	v3 =	vadd.f32 v3, v6;
	v9 =	vmul.f32 v11, v9  }
0x65: {  	v44 =	vimm.f32 $0.0e+00;
	v45 =	vpop (erf);
	(erf) = vpow2.f32 v1;
	v10 =	vmul.f32 v10, v0  }
0x66: {  	v46 =	vld [tilespmem:$0x2980];
	v11 =	vmul.f32 v45, v38;
	v2 =	vadd.f32 v3, v2;
	v51 =	vmul.f32 v9, v4  }
0x67: {  	v6 =	vmul.f32 v16, v15;
	v45 =	vimm.f32 $0.0e+00;
	v3 =	vadd.f32 $-5.000000000e-01, v10  }
0x68: {  	v22 =	vmovc v29;
	v59 =	vmovc v19;
	v4 =	vadd.f32 v2, v11;
	v1 =	vmin.f32 v51, $5.000000000e+00;
	v8 =	vsub.f32 v51, v19  }
0x69: {  	v47 =	vld [tilespmem:$0x2A00];
	[tilespmem:$0x1FFD0] =	vst v63;
	v2 =	vsub.f32 v51, v27;
	v0 =	vmul.f32 v3, v0;
	v9 =	vpop (erf);
	(erf) = vpow2.f32 v5  }
0x6a: {  	v58 =	vmovc v26;
	v3 =	vadd.f32 v4, v7;
	v4 =	vmul.f32 v8, v8;
	v7 =	vsub.f32 v51, v26  }
0x6b: {  	v25 =	vmovc v46;
	v63 =	vmovc v24;
	v5 =	vsub.f32 v51, v24;
	v54 =	vmul.f32 v9, v46;
	v0 =	vadd.f32 $1.000000000e+00, v0  }
0x6c: {  	v61 =	vmovc v27;
	v62 =	vmovc v30;
	v16 =	vld [tilespmem:$0x2A80];
	v46 =	vimm.f32 $0.0e+00;
	v4 =	vsub.f32 $0.0e+00, v4;
	v7 =	vmul.f32 v7, v7  }
0x6d: {  	v8 =	vpop (erf);
	v55 =	vadd.f32 v3, v6;
	v3 =	vmul.f32 v5, v5;
	v5 =	vsub.f32 v51, v28  }
0x6e: {  	v40 =	vmovc v47;
	v52 =	vmul.f32 v0, v0;
	v6 =	vsub.f32 v51, v30;
	v53 =	vmul.f32 v8, v47  }
0x6f: {  	v39 =	vmovc v38;
	v29 =	vmovc v42;
	v47 =	vimm.f32 $0.0e+00;
	v9 =	vmul.f32 $1.442695020e+00, v4;
	v8 =	vsub.f32 $0.0e+00, v7  }
0x70: {  	v4 =	vsub.f32 v51, v42;
	v10 =	vsub.f32 $0.0e+00, v3;
	v7 =	vmul.f32 v5, v5;
	v0 =	vpop (erf)  }
0x71: {  	v60 =	vld [tilespmem:$0x2B00];
	v38 =	vmovc v28;
	v30 =	vmovc v31;
	v3 =	vmul.f32 $3.141592740e-01, v1;
	v5 =	vsub.f32 v51, v31;
	v0 =	vmul.f32 v0, v16  }
0x72: {  	s19 =	simm.s32 $0x400;
	[tilespmem:$0x1FFF0] =	vst v15;
	v19 =	vld [tilespmem:$0x2B80];
	v42 =	vimm.f32 $0.0e+00;
	v1 =	vpop (erf);
	(erf) = vpow2.f32 v9;
	v9 =	vmul.f32 $1.442695020e+00, v10  }
.LBB2_2:
0x73: {  	s18 =	sshra.s32 s19, $0x2  }
0x74: {  	v11 =	vld [tilespmem:s18+$0xC00];
	_ =	sdelay $0x1  }
0x75: {  	v10 =	vadd.f32 v55, v54  }
0x76: {  	v1 =	vmul.f32 v1, v19;
	v12 =	vld [tilespmem:$0x1FF30];
	v8 =	vmul.f32 $1.442695020e+00, v8  }
0x77: {  	v13 =	vld [tilespmem:$0x1FF60];
	v6 =	vmul.f32 v6, v6;
	(erf) = vpow2.f32 v9;
	v10 =	vadd.f32 v10, v53;
	v9 =	vpop (erf)  }
0x78: {  	v54 =	vld [tilespmem:$0x1FF80];
	(erf) = vpow2.f32 v8;
	v8 =	vmul.f32 v9, v60;
	v9 =	vadd.s32 $0x400, v11  }
0x79: {  	v55 =	vld [tilespmem:$0x1FF50];
	v2 =	vmul.f32 v2, v2;
	v7 =	vsub.f32 $0.0e+00, v7;
	v0 =	vadd.f32 v10, v0  }
0x7a: {  	v4 =	vmul.f32 v4, v4;
	v53 =	vmul.f32 v3, v3;
	v3 =	vld [tilespmem:$0x1FF40];
	v10 =	vadd.s32 $0x800, v11  }
0x7b: {  	v5 =	vmul.f32 v5, v5;
	s18 =	simm.s32 $0x0;
	v2 =	vsub.f32 $0.0e+00, v2;
	v0 =	vadd.f32 v0, v8;
	v8 =	vld [tilespmem:$0x1FF70]  }
0x7c: {  	v6 =	vsub.f32 $0.0e+00, v6;
	v7 =	vmul.f32 $1.442695020e+00, v7;
	v4 =	vsub.f32 $0.0e+00, v4;
	v11 =	vld.idx.msk [tilespmem:v11+s18+$0x0], $0xffff  }
0x7d: {  	v12 =	vsub.f32 v51, v12;
	v2 =	vmul.f32 $1.442695020e+00, v2;
	v0 =	vadd.f32 v0, v1;
	v1 =	vld.idx.msk [tilespmem:v9+s18+$0x0], $0xffff  }
0x7e: {  	v6 =	vmul.f32 $1.442695020e+00, v6;
	v4 =	vmul.f32 $1.442695020e+00, v4;
	v9 =	vld [tilespmem:$0x1FF90]  }
0x7f: {  	v3 =	vsub.f32 v51, v3;
	v12 =	vmul.f32 v12, v12;
	v14 =	vpop (erf);
	(erf) = vpow2.f32 v7;
	v10 =	vld.idx.msk [tilespmem:v10+s18+$0x0], $0xffff  }
0x80: {  	v27 =	vmovc v16;
	v13 =	vsub.f32 v51, v13;
	v0 =	vmul.f32 v0, v52;
	v15 =	vmul.f32 v14, v8  }
0x81: {  	v24 =	vmovc v17;
	v3 =	vmul.f32 v3, v3;
	v11 =	vsub.f32 v11, v57;
	v14 =	vsub.f32 v51, v54  }
0x82: {  	v31 =	vld [tilespmem:$0x1FFB0];
	v8 =	vpop (erf);
	v16 =	vmul.f32 v0, v34;
	v17 =	vmul.f32 v0, v32;
	v7 =	vadd.f32 $0.0e+00, v15  }
0x83: {  	v52 =	vld [tilespmem:$0x1FFA0];
	v8 =	vmul.f32 v8, v9;
	v9 =	vsub.f32 $0.0e+00, v12;
	v12 =	vsub.f32 v51, v55  }
0x84: {  	v28 =	vmovc v18;
	v18 =	vmul.f32 v11, v11;
	v10 =	vsub.f32 v10, v20;
	v43 =	vadd.f32 v0, v43  }
0x85: {  	v26 =	vmovc v19;
	v7 =	vadd.f32 v7, v8;
	v8 =	vmul.f32 $1.442695020e+00, v9;
	v12 =	vmul.f32 v12, v12  }
0x86: {  	v1 =	vsub.f32 v1, v23;
	v19 =	vmul.f32 v16, v34;
	v34 =	vmovc v37;
	v55 =	vmul.f32 v17, v32  }
0x87: {  	v49 =	vadd.f32 v16, v49;
	v15 =	vpop (erf);
	(erf) = vpow2.f32 v8;
	v12 =	vsub.f32 $0.0e+00, v12  }
0x88: {  	v37 =	vmovc v11;
	v11 =	vld [tilespmem:$0x1FFC0];
	v9 =	vmul.f32 v13, v13;
	v13 =	vsub.f32 v51, v52;
	v15 =	vmul.f32 v15, v31  }
0x89: {  	v46 =	vadd.f32 v17, v46;
	v54 =	vmul.f32 v1, v1;
	v12 =	vmul.f32 $1.442695020e+00, v12  }
0x8a: {  	v41 =	vadd.f32 v55, v41;
	v44 =	vadd.f32 v19, v44;
	v13 =	vmul.f32 v13, v13  }
0x8b: {  	v52 =	vpop (erf);
	v9 =	vsub.f32 $0.0e+00, v9;
	v18 =	vadd.f32 v54, v18;
	(erf) = vpow2.f32 v12;
	v12 =	vld [tilespmem:$0x1FFD0]  }
0x8c: {  	v54 =	vmul.f32 v10, v10;
	(erf) = vpow2.f32 v2;
	v2 =	vsub.f32 $0.0e+00, v3;
	v3 =	vld [tilespmem:$0x1FFE0]  }
0x8d: {  	v8 =	vmul.f32 v0, v33;
	v11 =	vmul.f32 v52, v11;
	v13 =	vsub.f32 $0.0e+00, v13  }
0x8e: {  	v52 =	vmul.f32 v16, v33;
	v9 =	vmul.f32 $1.442695020e+00, v9;
	v18 =	vadd.f32 v54, v18  }
0x8f: {  	v50 =	vadd.f32 v8, v50;
	v13 =	vmul.f32 $1.442695020e+00, v13;
	v2 =	vmul.f32 $1.442695020e+00, v2  }
0x90: {  	v12 =	vsub.f32 v51, v12;
	v54 =	vpop (erf);
	(erf) = vpow2.f32 v9;
	v9 =	vadd.f32 $1.000000010e-10, v18  }
0x91: {  	v3 =	vsub.f32 v51, v3;
	v18 =	vmul.f32 v54, v56;
	(erf) = vpow2.f32 v4  }
0x92: {  	v4 =	vsub.f32 $0.0e+00, v5;
	v55 =	vshra.s32 v9, $0x1;
	v51 =	vmul.f32 $5.000000000e-01, v9  }
0x93: {  	v5 =	vmul.f32 v14, v14;
	v54 =	vmul.f32 $-2.755732000e-07, v53;
	v14 =	vsub.s32 $0x5F3759DF, v55  }
0x94: {  	v45 =	vadd.f32 v52, v45;
	(erf) = vpow2.f32 v2;
	v2 =	vmul.f32 v14, v51  }
0x95: {  	v31 =	vmovc v56;
	v56 =	vmul.f32 v16, v32;
	v12 =	vmul.f32 v12, v12;
	v54 =	vadd.f32 $2.480158760e-05, v54  }
0x96: {  	v3 =	vmul.f32 v3, v3;
	v5 =	vsub.f32 $0.0e+00, v5;
	v55 =	vpop (erf);
	v2 =	vmul.f32 v14, v2  }
0x97: {  	v7 =	vadd.f32 v7, v18;
	v16 =	vpop (erf);
	(erf) = vpow2.f32 v6;
	v6 =	vmul.f32 v54, v53  }
0x98: {  	v4 =	vmul.f32 $1.442695020e+00, v4;
	v12 =	vsub.f32 $0.0e+00, v12;
	v2 =	vsub.f32 $1.500000000e+00, v2  }
0x99: {  	v5 =	vmul.f32 $1.442695020e+00, v5;
	v16 =	vmul.f32 v16, v21;
	v6 =	vadd.f32 $-1.388888920e-03, v6  }
0x9a: {  	v48 =	vadd.f32 v56, v48;
	v12 =	vmul.f32 $1.442695020e+00, v12;
	v18 =	vpop (erf);
	v2 =	vmul.f32 v14, v2  }
0x9b: {  	v7 =	vadd.f32 v7, v16;
	v54 =	vpop (erf);
	(erf) = vpow2.f32 v13;
	v6 =	vmul.f32 v6, v53  }
0x9c: {  	v14 =	vmul.f32 v8, v33;
	v33 =	vmovc v35;
	v35 =	vmov v1;
	v1 =	vmul.f32 v2, v51  }
0x9d: {  	v7 =	vadd.f32 v7, v15;
	v51 =	vpop (erf);
	(erf) = vpow2.f32 v4;
	v4 =	vld [tilespmem:$0x1FFF0];
	v6 =	vadd.f32 $4.166666790e-02, v6  }
0x9e: {  	v3 =	vsub.f32 $0.0e+00, v3;
	v16 =	vmul.f32 v54, v24;
	v1 =	vmul.f32 v1, v2  }
0x9f: {  	v7 =	vadd.f32 v7, v11;
	v11 =	vmul.f32 v51, v22;
	v0 =	vmul.f32 v6, v53  }
0xa0: {  	v15 =	vmul.f32 v18, v28;
	v6 =	vmul.f32 v8, v32;
	v54 =	vpop (erf);
	v1 =	vsub.f32 $1.500000000e+00, v1  }
0xa1: {  	v7 =	vadd.f32 v7, v11;
	v11 =	vmul.f32 v54, v39;
	v0 =	vadd.f32 $-5.000000000e-01, v0  }
0xa2: {  	v47 =	vadd.f32 v14, v47;
	v4 =	vmul.f32 v55, v4;
	v55 =	vmul.f32 v1, v2  }
0xa3: {  	v2 =	vmul.f32 $1.442695020e+00, v3;
	v3 =	vadd.f32 v7, v16;
	v0 =	vmul.f32 v0, v53  }
0xa4: {  	v42 =	vadd.f32 v6, v42;
	v51 =	vmul.f32 v55, v9;
	v1 =	vpop (erf);
	(erf) = vpow2.f32 v5  }
0xa5: {  	v32 =	vmovc v36;
	v36 =	vmovc v10;
	v3 =	vadd.f32 v3, v11;
	v10 =	vadd.f32 $1.000000000e+00, v0;
	(erf) = vpow2.f32 v2  }
0xa6: {  	v54 =	vmul.f32 v1, v25;
	v5 =	vmin.f32 v51, $5.000000000e+00;
	v7 =	vsub.f32 v51, v59  }
0xa7: {  	v8 =	vpop (erf);
	v3 =	vadd.f32 v3, v15;
	(erf) = vpow2.f32 v12;
	v9 =	vsub.f32 v51, v63  }
0xa8: {  	v2 =	vsub.f32 v51, v61;
	v53 =	vmul.f32 v8, v40;
	v6 =	vmul.f32 v7, v7  }
0xa9: {  	p0 =	sne.s32 s19, $0x3E00;
	v7 =	vsub.f32 v51, v58;
	v55 =	vadd.f32 v3, v4;
	v3 =	vmul.f32 v9, v9  }
.Ltmp0:
0xaa: {  	v17 =	vmovc v24;
	v52 =	vmul.f32 v10, v10;
	v4 =	vsub.f32 v51, v29;
	v1 =	vsub.f32 $0.0e+00, v6;
	(pc) =	sbr.rel @p0 .LBB2_2-.Ltmp0, $4  }
0xab: {  	v19 =	vmovc v26;
	v56 =	vmovc v31;
	v6 =	vmul.f32 v7, v7;
	v7 =	vsub.f32 v51, v38;
	v9 =	vsub.f32 $0.0e+00, v3  }
0xac: {  	v18 =	vmovc v28;
	v16 =	vmovc v27;
	v3 =	vmul.f32 $3.141592740e-01, v5;
	v5 =	vsub.f32 v51, v30;
	v11 =	vmul.f32 $1.442695020e+00, v1  }
0xad: {  	v8 =	vsub.f32 $0.0e+00, v6;
	v7 =	vmul.f32 v7, v7;
	v9 =	vmul.f32 $1.442695020e+00, v9;
	v0 =	vpop (erf)  }
0xae: {  	s19 =	sadd.s32 $0x200, s19;
	v6 =	vsub.f32 v51, v62;
	(erf) = vpow2.f32 v11;
	v1 =	vpop (erf);
	v0 =	vmul.f32 v0, v27  }
0xaf: {  	[tilespmem:$0x1FEA0] =	vst v63;
	v63 =	vld [tilespmem:$0x1FF30]  }
0xb0: {  	v11 =	vld [tilespmem:$0x1FF50];
	_ =	sdelay $0x3  }
0xb1: {  	v23 =	vld [tilespmem:$0x1FF60];
	v10 =	vsub.f32 v51, v63  }
0xb2: {  	v11 =	vsub.f32 v51, v11  }
0xb3: {  	v8 =	vmul.f32 $1.442695020e+00, v8;
	v7 =	vsub.f32 $0.0e+00, v7;
	v10 =	vmul.f32 v10, v10  }
0xb4: {  	v2 =	vmul.f32 v2, v2;
	v11 =	vmul.f32 v11, v11  }
0xb5: {  	[tilespmem:$0x1FE60] =	vst v38;
	(erf) = vpow2.f32 v9;
	v38 =	vld [tilespmem:$0x1FF40];
	v7 =	vmul.f32 $1.442695020e+00, v7;
	v9 =	vsub.f32 $0.0e+00, v10  }
0xb6: {  	(erf) = vpow2.f32 v8;
	v8 =	vsub.f32 $0.0e+00, v11;
	v10 =	vsub.f32 v51, v23  }
0xb7: {  	v2 =	vsub.f32 $0.0e+00, v2;
	(erf) = vpow2.f32 v7;
	v7 =	vmul.f32 $1.442695020e+00, v9  }
0xb8: {  	v8 =	vmul.f32 $1.442695020e+00, v8;
	v10 =	vmul.f32 v10, v10  }
0xb9: {  	v2 =	vmul.f32 $1.442695020e+00, v2;
	(erf) = vpow2.f32 v7  }
0xba: {  	v9 =	vsub.f32 v51, v38;
	(erf) = vpow2.f32 v8;
	v8 =	vsub.f32 $0.0e+00, v10;
	v10 =	vld [tilespmem:$0x1FF70]  }
0xbb: {  	v4 =	vmul.f32 v4, v4;
	_ =	sdelay $0x1  }
0xbc: {  	v4 =	vsub.f32 $0.0e+00, v4;
	(erf) = vpow2.f32 v2;
	v2 =	vpop (erf)  }
0xbd: {  	v7 =	vmul.f32 v9, v9;
	v9 =	vpop (erf);
	v8 =	vmul.f32 $1.442695020e+00, v8  }
0xbe: {  	v4 =	vmul.f32 $1.442695020e+00, v4;
	v9 =	vmul.f32 v9, v10  }
0xbf: {  	v12 =	vld [tilespmem:$0x1FFA0];
	(erf) = vpow2.f32 v8  }
0xc0: {  	v7 =	vsub.f32 $0.0e+00, v7;
	v10 =	vpop (erf);
	(erf) = vpow2.f32 v4;
	v4 =	vadd.f32 $0.0e+00, v9;
	v9 =	vld [tilespmem:$0x1FF90];
	_ =	sdelay $0x1  }
0xc1: {  	v7 =	vmul.f32 $1.442695020e+00, v7  }
0xc2: {  	v13 =	vld [tilespmem:$0x1FFB0]  }
0xc3: {  	v8 =	vpop (erf)  }
0xc4: {  	v12 =	vsub.f32 v51, v12;
	v9 =	vmul.f32 v10, v9;
	v10 =	vpop (erf)  }
0xc5: {  	v6 =	vmul.f32 v6, v6;
	v11 =	vld [tilespmem:$0x1FF80];
	(erf) = vpow2.f32 v7;
	v7 =	vpop (erf)  }
0xc6: {  	v20 =	vld [tilespmem:$0x1FFD0];
	v12 =	vmul.f32 v12, v12;
	v4 =	vadd.f32 v4, v9;
	v7 =	vmul.f32 v7, v56  }
0xc7: {  	v6 =	vsub.f32 $0.0e+00, v6;
	v8 =	vmul.f32 v8, v13;
	v13 =	vld [tilespmem:$0x1FFE0]  }
0xc8: {  	v4 =	vadd.f32 v4, v7;
	v7 =	vsub.f32 $0.0e+00, v12;
	v12 =	vld [tilespmem:$0x1FFC0]  }
0xc9: {  	v6 =	vmul.f32 $1.442695020e+00, v6;
	v9 =	vpop (erf)  }
0xca: {  	v5 =	vmul.f32 v5, v5;
	v3 =	vmul.f32 v3, v3;
	v11 =	vsub.f32 v51, v11;
	v14 =	vpop (erf)  }
0xcb: {  	(erf) = vpow2.f32 v6;
	v6 =	vmul.f32 v14, v21  }
0xcc: {  	v5 =	vsub.f32 $0.0e+00, v5;
	v11 =	vmul.f32 v11, v11;
	v13 =	vsub.f32 v51, v13  }
0xcd: {  	v4 =	vadd.f32 v4, v6;
	v10 =	vmul.f32 v10, v12;
	v12 =	vsub.f32 v51, v20  }
0xce: {  	v13 =	vmul.f32 v13, v13;
	v7 =	vmul.f32 $1.442695020e+00, v7  }
0xcf: {  	v5 =	vmul.f32 $1.442695020e+00, v5;
	v14 =	vpop (erf);
	v4 =	vadd.f32 v4, v8;
	v8 =	vmul.f32 v12, v12  }
0xd0: {  	v11 =	vsub.f32 $0.0e+00, v11;
	v13 =	vsub.f32 $0.0e+00, v13;
	v15 =	vpop (erf);
	(erf) = vpow2.f32 v7  }
0xd1: {  	v6 =	vmul.f32 $-2.755732000e-07, v3;
	(erf) = vpow2.f32 v5;
	v12 =	vpop (erf);
	v8 =	vsub.f32 $0.0e+00, v8  }
0xd2: {  	v4 =	vadd.f32 v4, v10;
	v10 =	vmul.f32 $1.442695020e+00, v11;
	v7 =	vmul.f32 v12, v22  }
0xd3: {  	v5 =	vmul.f32 $1.442695020e+00, v8;
	v8 =	vmul.f32 $1.442695020e+00, v13  }
0xd4: {  	v6 =	vadd.f32 $2.480158760e-05, v6;
	(erf) = vpow2.f32 v10;
	v10 =	vadd.f32 v55, v54  }
0xd5: {  	v11 =	vmul.f32 v15, v17;
	v4 =	vadd.f32 v4, v7;
	(erf) = vpow2.f32 v8  }
0xd6: {  	v6 =	vmul.f32 v6, v3;
	v7 =	vpop (erf);
	(erf) = vpow2.f32 v5;
	v5 =	vadd.f32 v10, v53;
	v53 =	vld [tilespmem:$0x1FFF0]  }
0xd7: {  	v4 =	vadd.f32 v4, v11;
	v7 =	vmul.f32 v7, v39  }
0xd8: {  	v6 =	vadd.f32 $-1.388888920e-03, v6  }
0xd9: {  	v8 =	vmul.f32 v14, v18;
	v4 =	vadd.f32 v4, v7  }
0xda: {  	v6 =	vmul.f32 v6, v3  }
0xdb: {  	v2 =	vmul.f32 v2, v60;
	v7 =	vmul.f32 v9, v53;
	v4 =	vadd.f32 v4, v8  }
0xdc: {  	v6 =	vadd.f32 $4.166666790e-02, v6;
	v0 =	vadd.f32 v5, v0;
	v5 =	vpop (erf)  }
0xdd: {  	v1 =	vmul.f32 v1, v19;
	v5 =	vmul.f32 v5, v25;
	v4 =	vadd.f32 v4, v7  }
0xde: {  	v6 =	vmul.f32 v6, v3;
	v0 =	vadd.f32 v0, v2  }
0xdf: {  	v2 =	vpop (erf);
	v4 =	vadd.f32 v4, v5  }
0xe0: {  	v2 =	vmul.f32 v2, v40;
	v0 =	vadd.f32 v0, v1  }
0xe1: {  	v1 =	vpop (erf);
	v5 =	vadd.f32 $-5.000000000e-01, v6  }
0xe2: {  	v1 =	vmul.f32 v1, v16;
	v0 =	vmul.f32 v0, v52;
	v6 =	vpop (erf);
	v2 =	vadd.f32 v4, v2  }
0xe3: {  	v3 =	vmul.f32 v5, v3;
	v4 =	vpop (erf)  }
0xe4: {  	v5 =	vmul.f32 v0, v32;
	v1 =	vadd.f32 v2, v1;
	v4 =	vmul.f32 v4, v60  }
0xe5: {  	v2 =	vmul.f32 v0, v34;
	v3 =	vadd.f32 $1.000000000e+00, v3  }
0xe6: {  	v6 =	vmul.f32 v6, v19;
	v7 =	vmul.f32 v5, v32;
	v1 =	vadd.f32 v1, v4  }
0xe7: {  	v8 =	vmul.f32 v2, v34;
	v3 =	vmul.f32 v3, v3  }
0xe8: {  	v10 =	vadd.f32 v2, v49;
	v4 =	vmul.f32 v0, v33;
	v1 =	vadd.f32 v1, v6  }
0xe9: {  	v0 =	vadd.f32 v0, v43;
	v6 =	vadd.f32 v7, v41;
	v7 =	vmul.f32 v2, v32  }
0xea: {  	v8 =	vadd.f32 v8, v44;
	v9 =	vmul.f32 v4, v33;
	v1 =	vmul.f32 v1, v3  }
0xeb: {  	s20 =	simm.s32 $0x1000;
	v11 =	vadd.f32 v4, v50;
	v2 =	vmul.f32 v2, v33;
	v4 =	vmul.f32 v4, v32  }
0xec: {  	s19 =	simm.s32 $0x0;
	v19 =	vld [tilespmem:s20+$0x2C00];
	v3 =	vadd.f32 v5, v46;
	v5 =	vadd.f32 v9, v47;
	v9 =	vmul.f32 v1, v37  }
0xed: {  	v49 =	vld [tilespmem:s19+$0x6C00];
	v7 =	vadd.f32 v7, v48;
	v12 =	vmul.f32 v1, v35;
	v16 =	vmul.f32 v1, v36  }
0xee: {  	s21 =	simm.s32 $0x0;
	v14 =	vld [tilespmem:s20+$0x2D00];
	v2 =	vadd.f32 v2, v45;
	v4 =	vadd.f32 v4, v42;
	v15 =	vmul.f32 v9, v37  }
0xef: {  	[tilespmem:$0x1FF10] =	vst v40;
	v13 =	vld [tilespmem:s21+$0x2C00];
	v40 =	vadd.f32 v1, v0;
	v17 =	vmul.f32 v16, v36;
	v18 =	vmul.f32 v12, v35  }
0xf0: {  	v54 =	vmul.f32 v9, v35;
	v41 =	vadd.f32 v9, v10;
	v0 =	vmul.f32 v9, v36  }
0xf1: {  	v48 =	vld [tilespmem:s19+$0x6F00];
	v38 =	vadd.f32 v12, v11;
	v1 =	vmul.f32 v12, v36;
	v37 =	vadd.f32 v16, v3  }
0xf2: {  	v42 =	vld [tilespmem:s19+$0x6F80];
	v50 =	vmul.f32 v49, v40;
	v9 =	vmul.f32 v19, v40;
	v35 =	vadd.f32 v18, v5  }
0xf3: {  	v5 =	vmul.f32 v14, v40;
	v32 =	vadd.f32 v0, v7;
	v10 =	vmul.f32 v19, v41  }
0xf4: {  	v7 =	vmul.f32 v13, v38;
	v36 =	vadd.f32 v54, v2;
	v2 =	vmul.f32 v13, v37  }
0xf5: {  	[tilespmem:$0x1FE70] =	vst v61;
	v34 =	vadd.f32 v1, v4;
	v1 =	vmul.f32 v13, v40;
	v4 =	vmul.f32 v13, v41  }
0xf6: {  	[tilespmem:$0x1FED0] =	vst v21;
	v45 =	vld [tilespmem:s19+$0x6C80];
	v11 =	vmul.f32 v49, v41;
	v12 =	vmul.f32 v48, v41  }
0xf7: {  	[tilespmem:$0x1FEF0] =	vst v39;
	v21 =	vld [tilespmem:s19+$0x6D80];
	v39 =	vadd.f32 v15, v8;
	v61 =	vmul.f32 v14, v41;
	v63 =	vmul.f32 v42, v38  }
0xf8: {  	[tilespmem:$0x1FE90] =	vst v58;
	v46 =	vld [tilespmem:s19+$0x6D00];
	v58 =	vmul.f32 v14, v37;
	v23 =	vmul.f32 v14, v38  }
0xf9: {  	v0 =	vmul.f32 v13, v39;
	v8 =	vmul.f32 v13, v35  }
0xfa: {  	v33 =	vadd.f32 v17, v6;
	v3 =	vmul.f32 v19, v32;
	v47 =	vmul.f32 v49, v39  }
0xfb: {  	v6 =	vld [tilespmem:s20+$0x2C80];
	v2 =	vadd.f32 v5, v2;
	v5 =	vmul.f32 v19, v39;
	v52 =	vmul.f32 v45, v36  }
0xfc: {  	v16 =	vadd.f32 v10, v1;
	v44 =	vmul.f32 v42, v34;
	v53 =	vmul.f32 v14, v32  }
0xfd: {  	[tilespmem:$0x1FEB0] =	vst v59;
	v4 =	vadd.f32 v9, v4;
	v59 =	vmul.f32 v21, v32;
	v54 =	vmul.f32 v46, v32  }
0xfe: {  	v57 =	vmul.f32 v14, v34;
	v1 =	vmul.f32 v21, v36;
	v2 =	vadd.f32 v2, v3  }
0xff: {  	v51 =	vld [tilespmem:s19+$0x6E00];
	v3 =	vmul.f32 v19, v38;
	v4 =	vadd.f32 v4, v5;
	v5 =	vmul.f32 v19, v36  }
0x100: {  	v15 =	vmul.f32 v6, v38;
	v56 =	vmul.f32 v6, v34  }
0x101: {  	[tilespmem:$0x1FF20] =	vst v60;
	v43 =	vld [tilespmem:s19+$0x6E80];
	v16 =	vadd.f32 v47, v16;
	v60 =	vmul.f32 v6, v36;
	v9 =	vmul.f32 v6, v40  }
0x102: {  	[tilespmem:$0x1FEE0] =	vst v22;
	v0 =	vadd.f32 v10, v0;
	v22 =	vmul.f32 v6, v37;
	v18 =	vmul.f32 v6, v35  }
0x103: {  	v6 =	vmul.f32 v6, v41;
	v10 =	vadd.f32 v12, v2;
	v17 =	vadd.f32 v9, v7  }
0x104: {  	v2 =	vmul.f32 v51, v40;
	v12 =	vadd.f32 v52, v16;
	v7 =	vmul.f32 v42, v40  }
0x105: {  	v8 =	vadd.f32 v15, v8;
	v5 =	vadd.f32 v17, v5;
	v17 =	vmul.f32 v21, v41  }
0x106: {  	v9 =	vadd.f32 v11, v4;
	v4 =	vmul.f32 v43, v40;
	v11 =	vmul.f32 v13, v36  }
0x107: {  	v16 =	vadd.f32 v54, v12;
	v12 =	vmul.f32 v51, v35;
	v5 =	vadd.f32 v17, v5  }
0x108: {  	v55 =	vadd.f32 v6, v11;
	v2 =	vadd.f32 v2, v8;
	v6 =	vmul.f32 v48, v40  }
0x109: {  	[tilespmem:$0x1FE50] =	vst v62;
	v15 =	vadd.f32 v16, v15;
	v8 =	vadd.f32 v5, v18;
	v18 =	vmul.f32 v21, v40  }
0x10a: {  	[tilespmem:$0x1FE80] =	vst v29;
	v17 =	vmul.f32 v19, v37;
	v16 =	vadd.f32 v2, v1;
	v19 =	vmul.f32 v13, v34  }
0x10b: {  	[tilespmem:$0x1FEC0] =	vst v30;
	v2 =	vmul.f32 v14, v33;
	v15 =	vadd.f32 v15, v1;
	v62 =	vadd.f32 v18, v55;
	v55 =	vld [tilespmem:s19+$0x7000]  }
0x10c: {  	[tilespmem:$0x1FF00] =	vst v25;
	v1 =	vmul.f32 v21, v39;
	v5 =	vmul.f32 v48, v32;
	v14 =	vadd.f32 v22, v19  }
0x10d: {  	s22 =	simm.s32 $0x4000;
	s23 =	simm.s32 $0x1200;
	v25 =	vmovc v20;
	v19 =	vadd.f32 v23, v19;
	v18 =	vmul.f32 v13, v33;
	v13 =	vmul.f32 v13, v32  }
.LBB2_4:
0x10e: {  	p0 =	sne.s32 s23, $0x22E00;
	v20 =	vmul.f32 v43, v34;
	v21 =	vmul.f32 v46, v40;
	v16 =	vadd.f32 v16, v12;
	s18 =	sadd.s32 $0x200, s18;
	s22 =	sadd.s32 $0x600, s22  }
0x10f: {  	v22 =	vmul.f32 v48, v36;
	v18 =	vadd.f32 v58, v18;
	s24 =	smov.u32 s23;
	s23 =	sadd.s32 $0x1200, s23;
	v17 =	vadd.f32 v17, v13  }
0x110: {  	v3 =	vadd.f32 v3, v11;
	v11 =	vmul.f32 v45, v40;
	v23 =	vmul.f32 v55, v40  }
0x111: {  	v7 =	vadd.f32 v7, v19;
	v17 =	vadd.f32 v21, v17;
	v21 =	vmul.f32 v49, v32  }
0x112: {  	v9 =	vadd.f32 v9, v60;
	v19 =	vmul.f32 v49, v36;
	v18 =	vadd.f32 v23, v18  }
0x113: {  	v3 =	vadd.f32 v11, v3;
	v11 =	vmul.f32 v45, v34;
	v7 =	vadd.f32 v7, v22  }
0x114: {  	v12 =	vadd.f32 v15, v12;
	v10 =	vadd.f32 v10, v56;
	v15 =	vmul.f32 v45, v35  }
0x115: {  	v4 =	vadd.f32 v4, v14;
	v14 =	vmul.f32 v48, v39;
	v3 =	vadd.f32 v3, v19  }
0x116: {  	v22 =	vmul.f32 v43, v37;
	v19 =	vmul.f32 v46, v37;
	v17 =	vadd.f32 v17, v21  }
0x117: {  	v13 =	vadd.f32 v61, v13;
	v21 =	vmul.f32 v42, v35;
	v18 =	vadd.f32 v18, v5  }
0x118: {  	v0 =	vadd.f32 v50, v0;
	v4 =	vadd.f32 v4, v59;
	v23 =	vmul.f32 v51, v38  }
0x119: {  	v48 =	vmul.f32 v51, v34;
	v12 =	vadd.f32 v12, v20;
	v10 =	vadd.f32 v10, v63  }
0x11a: {  	v0 =	vadd.f32 v0, v47;
	v47 =	vmul.f32 v46, v34;
	v6 =	vadd.f32 v6, v13  }
0x11b: {  	v13 =	vmul.f32 v45, v38;
	v4 =	vadd.f32 v4, v48;
	v8 =	vadd.f32 v8, v23  }
0x11c: {  	v12 =	vadd.f32 v12, v58;
	v6 =	vadd.f32 v6, v14  }
0x11d: {  	v9 =	vadd.f32 v9, v13;
	v13 =	vmul.f32 v51, v36;
	v8 =	vadd.f32 v8, v57  }
0x11e: {  	v1 =	vadd.f32 v62, v1;
	v0 =	vadd.f32 v0, v52;
	v14 =	vmul.f32 v46, v33  }
0x11f: {  	v5 =	vadd.f32 v12, v5;
	v12 =	vmul.f32 v55, v37;
	v8 =	vadd.f32 v8, v22  }
0x120: {  	v9 =	vadd.f32 v9, v53;
	v1 =	vadd.f32 v1, v13;
	v13 =	vmul.f32 v43, v32  }
0x121: {  	v2 =	vadd.f32 v10, v2;
	v5 =	vadd.f32 v5, v44;
	v22 =	vmul.f32 v55, v33  }
0x122: {  	v10 =	vmul.f32 v42, v36;
	v9 =	vadd.f32 v9, v19;
	v1 =	vadd.f32 v1, v13  }
0x123: {  	v18 =	vadd.f32 v18, v44;
	v13 =	vmul.f32 v43, v33;
	v5 =	vadd.f32 v5, v22  }
0x124: {  	v6 =	vadd.f32 v6, v10;
	v7 =	vadd.f32 v7, v21  }
0x125: {  	v2 =	vadd.f32 v2, v12;
	v4 =	vadd.f32 v4, v13;
	[tilespmem:s21+$0xFC00] =	vst v5  }
0x126: {  	v0 =	vadd.f32 v0, v54;
	v5 =	vadd.f32 v17, v11;
	[tilespmem:s20+$0xFC00] =	vst v9  }
0x127: {  	[tilespmem:s20+$0xFD00] =	vst v2;
	v2 =	vadd.f32 v3, v15  }
0x128: {  	v3 =	vadd.f32 v5, v14;
	[tilespmem:s20+$0xFC80] =	vst v8  }
0x129: {  	[tilespmem:s19+$0x13C00] =	vst v0;
	v0 =	vadd.f32 v2, v47;
	v2 =	vmul.f32 v55, v32  }
0x12a: {  	v5 =	vmul.f32 v55, v34;
	[tilespmem:s19+$0x13D00] =	vst v3;
	v3 =	vadd.f32 v16, v20  }
0x12b: {  	[tilespmem:s19+$0x13C80] =	vst v0;
	v0 =	vadd.f32 v6, v2  }
0x12c: {  	v2 =	vadd.f32 v7, v5;
	[tilespmem:s19+$0x13E00] =	vst v3  }
0x12d: {  	[tilespmem:s19+$0x13F00] =	vst v0;
	v0 =	vadd.f32 v18, v22  }
0x12e: {  	[tilespmem:s19+$0x13F80] =	vst v2  }
0x12f: {  	[tilespmem:s19+$0x14000] =	vst v0  }
0x130: {  	s21 =	sshra.s32 s18, $0x2;
	s20 =	sshra.s32 s22, $0x2;
	[tilespmem:s19+$0x13D80] =	vst v1  }
0x131: {  	[tilespmem:s19+$0x13E80] =	vst v4  }
0x132: {  	v1 =	vld [tilespmem:s20+$0x2D00]  }
0x133: {  	v13 =	vld [tilespmem:s21+$0x2C00]  }
0x134: {  	s19 =	sshra.s32 s24, $0x2;
	v2 =	vld [tilespmem:s20+$0x2C00]  }
0x135: {  	v49 =	vld [tilespmem:s19+$0x6C00];
	_ =	sdelay $0x1  }
0x136: {  	v0 =	vmul.f32 v1, v40  }
0x137: {  	v45 =	vld [tilespmem:s19+$0x6C80];
	v5 =	vmul.f32 v13, v39;
	v4 =	vmul.f32 v13, v35  }
0x138: {  	v7 =	vmul.f32 v13, v38;
	v48 =	vld [tilespmem:s19+$0x6F00];
	v6 =	vmul.f32 v2, v41  }
0x139: {  	v3 =	vmul.f32 v2, v32;
	v8 =	vld [tilespmem:s20+$0x2C80];
	v50 =	vmul.f32 v49, v40  }
0x13a: {  	v9 =	vmul.f32 v13, v37;
	v47 =	vmul.f32 v49, v39  }
0x13b: {  	v10 =	vmul.f32 v13, v40;
	v11 =	vmul.f32 v13, v41  }
0x13c: {  	v12 =	vmul.f32 v2, v40;
	v14 =	vmul.f32 v49, v41;
	v0 =	vadd.f32 v0, v9;
	v42 =	vld [tilespmem:s19+$0x6F80]  }
0x13d: {  	v9 =	vadd.f32 v6, v10;
	v10 =	vmul.f32 v2, v39;
	v46 =	vld [tilespmem:s19+$0x6D00];
	v15 =	vmul.f32 v48, v41  }
0x13e: {  	v16 =	vadd.f32 v0, v3;
	v18 =	vmul.f32 v8, v38;
	v56 =	vmul.f32 v8, v34  }
0x13f: {  	v0 =	vadd.f32 v12, v11;
	v60 =	vmul.f32 v8, v36;
	v11 =	vmul.f32 v8, v40;
	v19 =	vld [tilespmem:s19+$0x6D80]  }
0x140: {  	v3 =	vmul.f32 v2, v38;
	v12 =	vadd.f32 v47, v9;
	v52 =	vmul.f32 v45, v36;
	v43 =	vld [tilespmem:s19+$0x6E80]  }
0x141: {  	v20 =	vmul.f32 v8, v37;
	v11 =	vadd.f32 v11, v7;
	v44 =	vmul.f32 v42, v34  }
0x142: {  	v53 =	vmul.f32 v1, v32;
	v0 =	vadd.f32 v0, v10;
	v7 =	vmul.f32 v42, v40  }
0x143: {  	v61 =	vmul.f32 v1, v41;
	v10 =	vmul.f32 v2, v36;
	v17 =	vadd.f32 v18, v4;
	v51 =	vld [tilespmem:s19+$0x6E00]  }
0x144: {  	v9 =	vadd.f32 v14, v0;
	v14 =	vmul.f32 v8, v35;
	v59 =	vmul.f32 v19, v32  }
0x145: {  	v8 =	vmul.f32 v8, v41;
	v21 =	vadd.f32 v11, v10;
	v4 =	vmul.f32 v43, v40  }
0x146: {  	v0 =	vadd.f32 v6, v5;
	v63 =	vmul.f32 v42, v38;
	v11 =	vmul.f32 v13, v36  }
0x147: {  	v58 =	vmul.f32 v1, v37;
	v10 =	vadd.f32 v15, v16;
	v5 =	vmul.f32 v19, v41  }
0x148: {  	v57 =	vmul.f32 v1, v34;
	v15 =	vadd.f32 v8, v11;
	v6 =	vmul.f32 v51, v40  }
0x149: {  	v54 =	vmul.f32 v46, v32;
	v8 =	vadd.f32 v52, v12;
	v5 =	vadd.f32 v5, v21  }
0x14a: {  	v21 =	vmul.f32 v19, v36;
	v16 =	vadd.f32 v6, v17;
	v6 =	vmul.f32 v48, v40  }
0x14b: {  	v22 =	vadd.f32 v54, v8;
	v12 =	vmul.f32 v51, v35;
	v8 =	vadd.f32 v5, v14  }
.Ltmp1:
0x14c: {  	v17 =	vmul.f32 v2, v37;
	v2 =	vmul.f32 v19, v40;
	v16 =	vadd.f32 v16, v21;
	(pc) =	sbr.rel @p0 .LBB2_4-.Ltmp1, $4  }
0x14d: {  	v14 =	vadd.f32 v22, v18;
	v5 =	vmul.f32 v48, v32;
	v18 =	vmul.f32 v13, v33  }
0x14e: {  	v23 =	vmul.f32 v1, v38;
	v22 =	vmul.f32 v13, v34;
	v62 =	vadd.f32 v2, v15;
	v55 =	vld [tilespmem:s19+$0x7000]  }
0x14f: {  	v15 =	vadd.f32 v14, v21;
	v2 =	vmul.f32 v1, v33;
	v1 =	vmul.f32 v19, v39  }
0x150: {  	v13 =	vmul.f32 v13, v32;
	v14 =	vadd.f32 v20, v22;
	v19 =	vadd.f32 v23, v22  }
0x151: {  	v3 =	vadd.f32 v3, v11;
	v41 =	vadd.f32 v58, v18  }
0x152: {  	v9 =	vadd.f32 v9, v60;
	v16 =	vadd.f32 v16, v12  }
0x153: {  	v20 =	vmul.f32 v46, v40;
	v10 =	vadd.f32 v10, v56;
	v17 =	vadd.f32 v17, v13  }
0x154: {  	v18 =	vmul.f32 v45, v40;
	v0 =	vadd.f32 v50, v0;
	v1 =	vadd.f32 v62, v1  }
0x155: {  	v7 =	vadd.f32 v7, v19;
	v17 =	vadd.f32 v20, v17;
	v20 =	vmul.f32 v55, v40  }
0x156: {  	v56 =	vmul.f32 v45, v38;
	v4 =	vadd.f32 v4, v14;
	v3 =	vadd.f32 v18, v3  }
0x157: {  	v40 =	vadd.f32 v15, v12;
	v11 =	vadd.f32 v20, v41;
	v41 =	vmul.f32 v43, v34  }
0x158: {  	v19 =	vmul.f32 v48, v36;
	v10 =	vadd.f32 v10, v63;
	v0 =	vadd.f32 v0, v47  }
0x159: {  	v18 =	vmul.f32 v49, v36;
	v9 =	vadd.f32 v9, v56;
	v12 =	vadd.f32 v40, v41  }
0x15a: {  	v7 =	vadd.f32 v7, v19;
	v15 =	vmul.f32 v49, v32;
	v49 =	vadd.f32 v61, v13  }
0x15b: {  	v60 =	vmul.f32 v55, v37;
	v4 =	vadd.f32 v4, v59;
	v12 =	vadd.f32 v12, v58  }
0x15c: {  	v63 =	vmul.f32 v42, v36;
	v3 =	vadd.f32 v3, v18;
	v9 =	vadd.f32 v9, v53  }
0x15d: {  	v18 =	vmul.f32 v48, v39;
	v11 =	vadd.f32 v11, v5;
	v5 =	vadd.f32 v12, v5  }
0x15e: {  	v15 =	vadd.f32 v17, v15;
	v17 =	vmul.f32 v51, v38;
	v6 =	vadd.f32 v6, v49  }
0x15f: {  	v59 =	vmul.f32 v55, v33;
	v2 =	vadd.f32 v10, v2;
	v5 =	vadd.f32 v5, v44  }
0x160: {  	v8 =	vadd.f32 v8, v17;
	v6 =	vadd.f32 v6, v18;
	v18 =	vmul.f32 v46, v37  }
0x161: {  	v19 =	vmul.f32 v43, v37;
	v0 =	vadd.f32 v0, v52;
	v5 =	vadd.f32 v5, v59  }
0x162: {  	v58 =	vmul.f32 v45, v34;
	v8 =	vadd.f32 v8, v57;
	v9 =	vadd.f32 v9, v18  }
0x163: {  	v20 =	vmul.f32 v42, v35;
	v2 =	vadd.f32 v2, v60;
	v17 =	vmul.f32 v45, v35;
	[tilespmem:s21+$0xFC00] =	vst v5  }
0x164: {  	v8 =	vadd.f32 v8, v19;
	v61 =	vadd.f32 v15, v58;
	v5 =	vmul.f32 v46, v33;
	[tilespmem:s20+$0xFC00] =	vst v9  }
0x165: {  	v0 =	vadd.f32 v0, v54;
	v18 =	vmul.f32 v46, v34;
	[tilespmem:s20+$0xFD00] =	vst v2;
	v2 =	vadd.f32 v3, v17  }
0x166: {  	v7 =	vadd.f32 v7, v20;
	[tilespmem:s20+$0xFC80] =	vst v8;
	v5 =	vadd.f32 v61, v5  }
0x167: {  	v6 =	vadd.f32 v6, v63;
	[tilespmem:s19+$0x13C00] =	vst v0;
	v0 =	vadd.f32 v2, v18;
	v2 =	vmul.f32 v55, v32  }
0x168: {  	v12 =	vmul.f32 v55, v34;
	v3 =	vmul.f32 v51, v36;
	[tilespmem:s19+$0x13D00] =	vst v5;
	v5 =	vadd.f32 v16, v41  }
0x169: {  	v14 =	vmul.f32 v51, v34;
	v34 =	vadd.f32 v11, v44;
	[tilespmem:s19+$0x13C80] =	vst v0;
	v0 =	vadd.f32 v6, v2  }
0x16a: {  	v1 =	vadd.f32 v1, v3;
	v3 =	vadd.f32 v7, v12;
	v2 =	vmul.f32 v43, v32;
	[tilespmem:s19+$0x13E00] =	vst v5  }
0x16b: {  	v4 =	vadd.f32 v4, v14;
	v5 =	vmul.f32 v43, v33;
	[tilespmem:s19+$0x13F00] =	vst v0;
	v0 =	vadd.f32 v34, v59  }
0x16c: {  	[tilespmem:s19+$0x13F80] =	vst v3;
	v1 =	vadd.f32 v1, v2  }
0x16d: {  	v2 =	vadd.f32 v4, v5;
	[tilespmem:s19+$0x14000] =	vst v0  }
0x16e: {  	[tilespmem:s19+$0x13D80] =	vst v1  }
0x16f: {  	s18 =	simm.s32 $0x0;
	[tilespmem:s19+$0x13E80] =	vst v2  }
0x170: {  	v0 =	vld [tilespmem:s18+$0xC10];
	_ =	sdelay $0x4  }
0x171: {  	v1 =	vadd.s32 $0x400, v0;
	_ =	sdelay $0x1  }
0x172: {  	v16 =	vld [tilespmem:s5+$0x10];
	v2 =	vadd.s32 $0x800, v0  }
0x173: {  	v18 =	vld [tilespmem:s5+$0x410];
	s18 =	simm.s32 $0x0  }
0x174: {  	v0 =	vld.idx.msk [tilespmem:v0+s18+$0x0], $0xffff  }
0x175: {  	v1 =	vld.idx.msk [tilespmem:v1+s18+$0x0], $0xffff  }
0x176: {  	v21 =	vld [tilespmem:s5+$0x810]  }
0x177: {  	v2 =	vld.idx.msk [tilespmem:v2+s18+$0x0], $0xffff;
	_ =	sdelay $0x2  }
0x178: {  	v34 =	vsub.f32 v0, v16;
	v32 =	vsub.f32 v1, v18;
	_ =	sdelay $0x1  }
0x179: {  	v0 =	vmul.f32 v34, v34;
	v33 =	vsub.f32 v2, v21;
	v1 =	vmul.f32 v32, v32;
	_ =	sdelay $0x1  }
0x17a: {  	v0 =	vadd.f32 v1, v0;
	v1 =	vmul.f32 v33, v33;
	_ =	sdelay $0x1  }
0x17b: {  	v0 =	vadd.f32 v1, v0;
	_ =	sdelay $0x1  }
0x17c: {  	v0 =	vadd.f32 $1.000000010e-10, v0;
	_ =	sdelay $0x1  }
0x17d: {  	v1 =	vshra.s32 v0, $0x1;
	v2 =	vmul.f32 $5.000000000e-01, v0  }
0x17e: {  	v1 =	vsub.s32 $0x5F3759DF, v1  }
0x17f: {  	v3 =	vmul.f32 v1, v2;
	_ =	sdelay $0x1  }
0x180: {  	v3 =	vmul.f32 v1, v3;
	_ =	sdelay $0x1  }
0x181: {  	v3 =	vsub.f32 $1.500000000e+00, v3;
	_ =	sdelay $0x1  }
0x182: {  	v1 =	vmul.f32 v1, v3;
	_ =	sdelay $0x1  }
0x183: {  	v2 =	vmul.f32 v1, v2;
	_ =	sdelay $0x1  }
0x184: {  	v2 =	vmul.f32 v2, v1;
	_ =	sdelay $0x1  }
0x185: {  	v2 =	vsub.f32 $1.500000000e+00, v2  }
0x186: {  	v42 =	vld [tilespmem:$0x1FEB0]  }
0x187: {  	v37 =	vld [tilespmem:$0x1FE60];
	v1 =	vmul.f32 v2, v1  }
0x188: {  	v45 =	vld [tilespmem:$0x1FF30]  }
0x189: {  	v43 =	vld [tilespmem:$0x1FE90];
	v1 =	vmul.f32 v1, v0  }
0x18a: {  	v44 =	vld [tilespmem:$0x1FEA0]  }
0x18b: {  	s31 =	simm.s32 $0x80;
	v36 =	vld [tilespmem:$0x1FF80];
	v0 =	vsub.f32 v1, v42  }
0x18c: {  	v2 =	vld [tilespmem:s31+$0xC10]  }
0x18d: {  	v40 =	vld [tilespmem:$0x1FE50];
	v0 =	vmul.f32 v0, v0  }
0x18e: {  	v38 =	vld [tilespmem:$0x1FE70];
	v4 =	vsub.f32 v1, v43  }
0x18f: {  	v29 =	vld [tilespmem:$0x1FF50];
	v5 =	vsub.f32 v1, v44;
	v0 =	vsub.f32 $0.0e+00, v0  }
0x190: {  	v3 =	vmin.f32 v1, $5.000000000e+00;
	v6 =	vsub.f32 v1, v45;
	v7 =	vsub.f32 v1, v25  }
0x191: {  	v9 =	vsub.f32 v1, v36;
	v35 =	vadd.s32 $0x400, v2;
	v0 =	vmul.f32 $1.442695020e+00, v0  }
0x192: {  	v10 =	vsub.f32 v1, v37;
	v12 =	vsub.f32 v1, v40;
	v39 =	vadd.s32 $0x800, v2  }
0x193: {  	v62 =	vld [tilespmem:$0x1FF60];
	v4 =	vmul.f32 v4, v4;
	(erf) = vpow2.f32 v0;
	v0 =	vsub.f32 v1, v38  }
0x194: {  	v52 =	vsub.f32 v1, v29;
	v3 =	vmul.f32 $3.141592740e-01, v3;
	v5 =	vmul.f32 v5, v5;
	v2 =	vld.idx.msk [tilespmem:v2+s18+$0x0], $0xffff  }
0x195: {  	v17 =	vld [tilespmem:$0x1FE80];
	v7 =	vmul.f32 v7, v7;
	v4 =	vsub.f32 $0.0e+00, v4;
	v0 =	vmul.f32 v0, v0  }
0x196: {  	v6 =	vmul.f32 v6, v6;
	v9 =	vmul.f32 v9, v9;
	v5 =	vsub.f32 $0.0e+00, v5;
	v8 =	vld.idx.msk [tilespmem:v35+s18+$0x0], $0xffff  }
0x197: {  	v10 =	vmul.f32 v10, v10;
	v4 =	vmul.f32 $1.442695020e+00, v4;
	v41 =	vsub.f32 $0.0e+00, v0;
	v0 =	vld [tilespmem:$0x1FEC0]  }
0x198: {  	v12 =	vmul.f32 v12, v12;
	v6 =	vsub.f32 $0.0e+00, v6;
	v5 =	vmul.f32 $1.442695020e+00, v5;
	v47 =	vld.idx.msk [tilespmem:v39+s18+$0x0], $0xffff  }
0x199: {  	v30 =	vld [tilespmem:$0x1FF40];
	v11 =	vmul.f32 v52, v52;
	(erf) = vpow2.f32 v4;
	v37 =	vsub.f32 v2, v16  }
0x19a: {  	v6 =	vmul.f32 $1.442695020e+00, v6;
	v2 =	vsub.f32 v1, v62;
	(erf) = vpow2.f32 v5  }
0x19b: {  	v15 =	vld [tilespmem:$0x1FF70];
	v5 =	vsub.f32 v1, v17;
	v35 =	vsub.f32 v8, v18;
	v50 =	vmul.f32 v37, v37  }
0x19c: {  	v46 =	vsub.f32 v1, v0;
	v0 =	vmul.f32 v3, v3;
	v3 =	vsub.f32 $0.0e+00, v10  }
0x19d: {  	v36 =	vsub.f32 v47, v21;
	v2 =	vmul.f32 v2, v2;
	v5 =	vmul.f32 v5, v5  }
0x19e: {  	v48 =	vsub.f32 v1, v30;
	v51 =	vmul.f32 v35, v35;
	v3 =	vmul.f32 $1.442695020e+00, v3  }
0x19f: {  	v12 =	vsub.f32 $0.0e+00, v12;
	v53 =	vmul.f32 v36, v36;
	v13 =	vmul.f32 $1.442695020e+00, v41;
	v4 =	vpop (erf)  }
0x1a0: {  	v11 =	vsub.f32 $0.0e+00, v11;
	v4 =	vmul.f32 v4, v15;
	v15 =	vld [tilespmem:$0x1FFA0];
	(erf) = vpow2.f32 v3  }
0x1a1: {  	v19 =	vmovc v16;
	v16 =	vld [tilespmem:$0x1FF90];
	v2 =	vsub.f32 $0.0e+00, v2;
	v10 =	vadd.f32 v51, v50;
	(erf) = vpow2.f32 v13  }
0x1a2: {  	v12 =	vmul.f32 $1.442695020e+00, v12;
	v5 =	vsub.f32 $0.0e+00, v5;
	(erf) = vpow2.f32 v6  }
0x1a3: {  	v11 =	vmul.f32 $1.442695020e+00, v11;
	v2 =	vmul.f32 $1.442695020e+00, v2;
	v6 =	vadd.f32 v53, v10  }
0x1a4: {  	v5 =	vmul.f32 $1.442695020e+00, v5;
	v55 =	vpop (erf);
	v3 =	vmul.f32 v48, v48  }
0x1a5: {  	v49 =	vmul.f32 v46, v46;
	v56 =	vpop (erf);
	v15 =	vsub.f32 v1, v15;
	v6 =	vadd.f32 $1.000000010e-10, v6  }
0x1a6: {  	v14 =	vmul.f32 v56, v16;
	v3 =	vsub.f32 $0.0e+00, v3;
	(erf) = vpow2.f32 v12  }
0x1a7: {  	v41 =	vld [tilespmem:$0x1FFE0];
	v54 =	vmul.f32 v15, v15;
	v57 =	vshra.s32 v6, $0x1;
	v15 =	vmul.f32 $5.000000000e-01, v6  }
0x1a8: {  	v3 =	vmul.f32 $1.442695020e+00, v3;
	(erf) = vpow2.f32 v5;
	v12 =	vsub.s32 $0x5F3759DF, v57  }
0x1a9: {  	v4 =	vadd.f32 $0.0e+00, v4;
	v5 =	vmul.f32 v12, v15;
	v16 =	vpop (erf);
	(erf) = vpow2.f32 v11  }
0x1aa: {  	v7 =	vsub.f32 $0.0e+00, v7;
	v8 =	vsub.f32 $0.0e+00, v49;
	v58 =	vpop (erf);
	(erf) = vpow2.f32 v2  }
0x1ab: {  	v4 =	vadd.f32 v4, v14;
	v2 =	vmul.f32 v12, v5;
	v59 =	vpop (erf);
	(erf) = vpow2.f32 v3;
	v3 =	vld [tilespmem:$0x1FED0]  }
0x1ac: {  	v1 =	vsub.f32 v1, v41;
	v5 =	vsub.f32 $0.0e+00, v9;
	v9 =	vmul.f32 v59, v31  }
0x1ad: {  	v60 =	vld [tilespmem:$0x1FFB0];
	v7 =	vmul.f32 $1.442695020e+00, v7;
	v8 =	vmul.f32 $1.442695020e+00, v8;
	v2 =	vsub.f32 $1.500000000e+00, v2  }
0x1ae: {  	v1 =	vmul.f32 v1, v1;
	v5 =	vmul.f32 $1.442695020e+00, v5;
	v4 =	vadd.f32 v4, v9  }
0x1af: {  	v61 =	vld [tilespmem:$0x1FFC0];
	(erf) = vpow2.f32 v8;
	v2 =	vmul.f32 v12, v2  }
0x1b0: {  	v10 =	vsub.f32 $0.0e+00, v54;
	v63 =	vpop (erf);
	(erf) = vpow2.f32 v5;
	v3 =	vmul.f32 v58, v3  }
0x1b1: {  	v49 =	vld [tilespmem:$0x1FEE0];
	v1 =	vsub.f32 $0.0e+00, v1;
	v5 =	vmul.f32 $-2.755732000e-07, v0;
	v39 =	vmul.f32 v2, v15  }
0x1b2: {  	v10 =	vmul.f32 $1.442695020e+00, v10;
	v11 =	vmul.f32 v55, v60;
	v3 =	vadd.f32 v4, v3;
	v4 =	vpop (erf)  }
0x1b3: {  	v5 =	vadd.f32 $2.480158760e-05, v5;
	(erf) = vpow2.f32 v7;
	v7 =	vmul.f32 v39, v2;
	v46 =	vpop (erf)  }
0x1b4: {  	v1 =	vmul.f32 $1.442695020e+00, v1;
	v13 =	vmul.f32 v16, v61;
	v3 =	vadd.f32 v3, v11;
	v47 =	vpop (erf)  }
0x1b5: {  	v5 =	vmul.f32 v5, v0;
	(erf) = vpow2.f32 v10;
	v7 =	vsub.f32 $1.500000000e+00, v7;
	v48 =	vpop (erf)  }
0x1b6: {  	(erf) = vpow2.f32 v1;
	v1 =	vld [tilespmem:$0x1FF10];
	v3 =	vadd.f32 v3, v13;
	v10 =	vmul.f32 v48, v49  }
0x1b7: {  	[tilespmem:$0x1FE40] =	vst v31;
	v31 =	vld [tilespmem:$0x1FEF0];
	v5 =	vadd.f32 $-1.388888920e-03, v5;
	v2 =	vmul.f32 v7, v2  }
0x1b8: {  	v4 =	vmul.f32 v4, v24;
	v3 =	vadd.f32 v3, v10  }
0x1b9: {  	v5 =	vmul.f32 v5, v0;
	v51 =	vmul.f32 v2, v6  }
0x1ba: {  	v6 =	vpop (erf);
	v3 =	vadd.f32 v3, v4  }
0x1bb: {  	v52 =	vmul.f32 v6, v1;
	v1 =	vsub.f32 v51, v42;
	v4 =	vadd.f32 $4.166666790e-02, v5;
	v5 =	vld [tilespmem:$0x1FFF0]  }
0x1bc: {  	v7 =	vld [tilespmem:$0x1FF00];
	v2 =	vmul.f32 v63, v31  }
0x1bd: {  	v41 =	vimm.f32 $0.0e+00;
	v39 =	vmovc v42;
	v49 =	vimm.f32 $0.0e+00;
	v1 =	vmul.f32 v1, v1  }
0x1be: {  	v48 =	vimm.f32 $0.0e+00;
	v54 =	vpop (erf);
	v6 =	vmul.f32 v47, v28;
	v47 =	vimm.f32 $0.0e+00  }
0x1bf: {  	v59 =	vsub.f32 v51, v25;
	v42 =	vimm.f32 $0.0e+00;
	v56 =	vpop (erf);
	v1 =	vsub.f32 $0.0e+00, v1  }
0x1c0: {  	v58 =	vmul.f32 v46, v5;
	v5 =	vadd.f32 v3, v2;
	v2 =	vpop (erf);
	v3 =	vmin.f32 v51, $5.000000000e+00  }
0x1c1: {  	v46 =	vimm.f32 $0.0e+00;
	v57 =	vmul.f32 v2, v7;
	v61 =	vmul.f32 $3.141592740e-01, v3  }
0x1c2: {  	v2 =	vsub.f32 v51, v43;
	v3 =	vmul.f32 v4, v0;
	v4 =	vsub.f32 v51, v38  }
0x1c3: {  	v20 =	vmovc v44;
	v7 =	vsub.f32 v51, v44;
	v55 =	vmul.f32 $1.442695020e+00, v1;
	v44 =	vimm.f32 $0.0e+00  }
0x1c4: {  	v23 =	vmovc v43;
	v43 =	vimm.f32 $0.0e+00;
	v50 =	vmul.f32 v2, v2;
	v2 =	vsub.f32 v51, v45  }
0x1c5: {  	v4 =	vmul.f32 v4, v4;
	v53 =	vadd.f32 $-5.000000000e-01, v3;
	v7 =	vmul.f32 v7, v7  }
0x1c6: {  	v63 =	vmovc v38;
	v38 =	vmovc v45;
	(erf) = vpow2.f32 v55;
	v55 =	vmul.f32 v59, v59;
	v45 =	vimm.f32 $0.0e+00  }
0x1c7: {  	v22 =	vmovc v18;
	v40 =	vmovc v21;
	v3 =	vsub.f32 $0.0e+00, v50;
	v1 =	vsub.f32 $0.0e+00, v4;
	v60 =	vmul.f32 v53, v0  }
0x1c8: {  	s19 =	simm.s32 $0x400;
	v21 =	vld [tilespmem:$0x1FF20];
	v59 =	vpop (erf);
	v4 =	vsub.f32 $0.0e+00, v7;
	v0 =	vadd.f32 v5, v6;
	v50 =	vimm.f32 $0.0e+00  }
.LBB2_6:
0x1c9: {  	_ =	sdelay $0x1  }
0x1ca: {  	s20 =	sshra.s32 s19, $0x2;
	v10 =	vld [tilespmem:$0x1FE60]  }
0x1cb: {  	v7 =	vld [tilespmem:s20+$0xC10];
	v0 =	vadd.f32 v0, v58  }
0x1cc: {  	v3 =	vmul.f32 $1.442695020e+00, v3  }
0x1cd: {  	v8 =	vld [tilespmem:$0x1FE50];
	v4 =	vmul.f32 $1.442695020e+00, v4;
	v0 =	vadd.f32 v0, v57  }
0x1ce: {  	v2 =	vmul.f32 v2, v2;
	v13 =	vadd.f32 $1.000000000e+00, v60;
	(erf) = vpow2.f32 v3  }
0x1cf: {  	v10 =	vsub.f32 v51, v10;
	v60 =	vpop (erf);
	(erf) = vpow2.f32 v4;
	v4 =	vadd.f32 v0, v52;
	v0 =	vld [tilespmem:$0x1FF70]  }
0x1d0: {  	v53 =	vmul.f32 v61, v61;
	v14 =	vadd.s32 $0x400, v7  }
0x1d1: {  	v2 =	vsub.f32 $0.0e+00, v2;
	v61 =	vsub.f32 v51, v17;
	v17 =	vld [tilespmem:$0x1FFA0];
	v16 =	vmul.f32 v10, v10  }
0x1d2: {  	v6 =	vmul.f32 v56, v21;
	v8 =	vsub.f32 v51, v8;
	v15 =	vadd.s32 $0x800, v7  }
0x1d3: {  	v1 =	vmul.f32 $1.442695020e+00, v1;
	v2 =	vmul.f32 $1.442695020e+00, v2;
	v3 =	vsub.f32 $0.0e+00, v16  }
0x1d4: {  	v8 =	vmul.f32 v8, v8;
	v7 =	vld.idx.msk [tilespmem:v7+s18+$0x0], $0xffff;
	v0 =	vmul.f32 v60, v0  }
0x1d5: {  	v12 =	vsub.f32 v51, v30;
	v10 =	vmul.f32 v13, v13;
	v3 =	vmul.f32 $1.442695020e+00, v3;
	v13 =	vld.idx.msk [tilespmem:v14+s18+$0x0], $0xffff  }
0x1d6: {  	v17 =	vsub.f32 v51, v17;
	v18 =	vadd.f32 $0.0e+00, v0;
	v0 =	vmul.f32 v61, v61  }
0x1d7: {  	v8 =	vsub.f32 $0.0e+00, v8;
	v14 =	vsub.f32 v51, v62;
	v15 =	vld.idx.msk [tilespmem:v15+s18+$0x0], $0xffff;
	(erf) = vpow2.f32 v3  }
0x1d8: {  	v56 =	vmul.f32 v17, v17;
	(erf) = vpow2.f32 v1;
	v0 =	vsub.f32 $0.0e+00, v0  }
0x1d9: {  	v62 =	vsub.f32 v51, v29;
	v3 =	vmul.f32 v12, v12;
	(erf) = vpow2.f32 v2  }
0x1da: {  	v5 =	vld [tilespmem:$0x1FF80];
	v60 =	vsub.f32 v13, v22;
	v1 =	vmul.f32 $1.442695020e+00, v0;
	v0 =	vsub.f32 v7, v19  }
0x1db: {  	v11 =	vld [tilespmem:$0x1FEC0];
	v2 =	vsub.f32 $0.0e+00, v3;
	v3 =	vmul.f32 $1.442695020e+00, v8;
	v7 =	vmul.f32 v62, v62  }
0x1dc: {  	v62 =	vsub.f32 v15, v40;
	v15 =	vmul.f32 v60, v60;
	v17 =	vmul.f32 v0, v0  }
0x1dd: {  	v9 =	vmul.f32 v54, v27;
	v54 =	vmul.f32 v14, v14;
	v14 =	vpop (erf)  }
0x1de: {  	v12 =	vpop (erf);
	(erf) = vpow2.f32 v3;
	v3 =	vadd.f32 v15, v17;
	v15 =	vld [tilespmem:$0x1FF90]  }
0x1df: {  	v5 =	vsub.f32 v51, v5  }
0x1e0: {  	v58 =	vld [tilespmem:$0x1FED0];
	v11 =	vsub.f32 v51, v11  }
0x1e1: {  	v5 =	vmul.f32 v5, v5  }
0x1e2: {  	v11 =	vmul.f32 v11, v11;
	v4 =	vadd.f32 v4, v9;
	v7 =	vsub.f32 $0.0e+00, v7  }
0x1e3: {  	v16 =	vmul.f32 v59, v26;
	v13 =	vpop (erf);
	v12 =	vmul.f32 v12, v15  }
0x1e4: {  	v5 =	vsub.f32 $0.0e+00, v5;
	v59 =	vld [tilespmem:$0x1FFC0];
	v4 =	vadd.f32 v4, v6;
	v6 =	vmul.f32 $1.442695020e+00, v7;
	v15 =	vpop (erf)  }
0x1e5: {  	v9 =	vmul.f32 v15, v58;
	v15 =	vpop (erf);
	(erf) = vpow2.f32 v1;
	v1 =	vadd.f32 v18, v12;
	v12 =	vld [tilespmem:$0x1FE40]  }
0x1e6: {  	v8 =	vsub.f32 $0.0e+00, v54;
	v57 =	vmul.f32 v62, v62;
	(erf) = vpow2.f32 v6;
	v6 =	vld [tilespmem:$0x1FFB0]  }
0x1e7: {  	v11 =	vsub.f32 $0.0e+00, v11  }
0x1e8: {  	v5 =	vmul.f32 $1.442695020e+00, v5;
	v8 =	vmul.f32 $1.442695020e+00, v8;
	v3 =	vadd.f32 v57, v3  }
0x1e9: {  	v4 =	vadd.f32 v4, v16;
	v61 =	vmul.f32 $1.442695020e+00, v11;
	v2 =	vmul.f32 $1.442695020e+00, v2  }
0x1ea: {  	v3 =	vadd.f32 $1.000000010e-10, v3;
	(erf) = vpow2.f32 v8;
	v12 =	vmul.f32 v15, v12  }
0x1eb: {  	v7 =	vsub.f32 $0.0e+00, v56;
	v8 =	vmul.f32 v13, v59;
	v6 =	vmul.f32 v14, v6;
	v14 =	vld [tilespmem:$0x1FFE0]  }
0x1ec: {  	v13 =	vmul.f32 $5.000000000e-01, v3;
	v1 =	vadd.f32 v1, v12;
	v12 =	vshra.s32 v3, $0x1  }
0x1ed: {  	v4 =	vmul.f32 v4, v10;
	(erf) = vpow2.f32 v2;
	v12 =	vsub.s32 $0x5F3759DF, v12  }
0x1ee: {  	v7 =	vmul.f32 $1.442695020e+00, v7;
	v1 =	vadd.f32 v1, v9;
	v52 =	vmul.f32 v12, v13  }
0x1ef: {  	v54 =	vsub.f32 $0.0e+00, v55;
	v57 =	vmul.f32 $-2.755732000e-07, v53;
	v2 =	vpop (erf);
	(erf) = vpow2.f32 v61  }
0x1f0: {  	v14 =	vsub.f32 v51, v14;
	v1 =	vadd.f32 v1, v6;
	v6 =	vmul.f32 v12, v52  }
0x1f1: {  	v2 =	vmul.f32 v2, v31;
	v15 =	vmul.f32 v4, v34  }
0x1f2: {  	v16 =	vld [tilespmem:$0x1FEE0];
	v56 =	vpop (erf);
	(erf) = vpow2.f32 v5;
	v5 =	vsub.f32 $1.500000000e+00, v6;
	v6 =	vmul.f32 $1.442695020e+00, v54  }
0x1f3: {  	v34 =	vmul.f32 v15, v34;
	v9 =	vpop (erf);
	v55 =	vmul.f32 v14, v14  }
0x1f4: {  	v1 =	vadd.f32 v1, v8;
	v14 =	vpop (erf);
	v5 =	vmul.f32 v12, v5;
	(erf) = vpow2.f32 v6  }
0x1f5: {  	v6 =	vadd.f32 $2.480158760e-05, v57;
	v12 =	vmul.f32 v4, v32;
	(erf) = vpow2.f32 v7  }
0x1f6: {  	v8 =	vsub.f32 $0.0e+00, v55;
	v7 =	vmul.f32 v15, v33;
	v58 =	vmul.f32 v5, v13;
	v13 =	vpop (erf)  }
0x1f7: {  	v41 =	vadd.f32 v4, v41;
	v6 =	vmul.f32 v6, v53;
	v59 =	vmul.f32 v13, v16  }
0x1f8: {  	v61 =	vld [tilespmem:$0x1FF10];
	v8 =	vmul.f32 $1.442695020e+00, v8;
	v49 =	vadd.f32 v7, v49;
	v7 =	vmul.f32 v58, v5  }
0x1f9: {  	v10 =	vmul.f32 v56, v24;
	v6 =	vadd.f32 $-1.388888920e-03, v6;
	v1 =	vadd.f32 v1, v59  }
0x1fa: {  	v13 =	vpop (erf);
	(erf) = vpow2.f32 v8;
	v8 =	vmul.f32 v12, v32;
	v7 =	vsub.f32 $1.500000000e+00, v7  }
0x1fb: {  	v6 =	vmul.f32 v6, v53;
	v11 =	vadd.f32 v1, v10;
	v10 =	vmul.f32 v14, v28;
	v14 =	vld [tilespmem:$0x1FF00]  }
0x1fc: {  	v48 =	vadd.f32 v12, v48;
	v5 =	vmul.f32 v7, v5;
	v7 =	vmul.f32 v12, v33;
	v12 =	vld [tilespmem:$0x1FFF0]  }
0x1fd: {  	v50 =	vadd.f32 v15, v50;
	v47 =	vadd.f32 v34, v47;
	v52 =	vmul.f32 v13, v61;
	v54 =	vpop (erf)  }
0x1fe: {  	v45 =	vadd.f32 v8, v45;
	v6 =	vadd.f32 $4.166666790e-02, v6;
	v56 =	vpop (erf);
	v51 =	vmul.f32 v5, v3  }
0x1ff: {  	v5 =	vadd.f32 v11, v2;
	v1 =	vpop (erf);
	v46 =	vadd.f32 v7, v46;
	v3 =	vmul.f32 v4, v33  }
0x200: {  	v34 =	vmovc v37;
	v57 =	vmul.f32 v1, v14;
	v1 =	vmin.f32 v51, $5.000000000e+00;
	v2 =	vsub.f32 v51, v39  }
0x201: {  	v37 =	vmovc v0;
	v0 =	vsub.f32 v51, v23;
	v4 =	vsub.f32 v51, v20;
	v58 =	vmul.f32 v9, v12  }
0x202: {  	v7 =	vsub.f32 v51, v63;
	v61 =	vmul.f32 $3.141592740e-01, v1;
	v2 =	vmul.f32 v2, v2  }
0x203: {  	v44 =	vadd.f32 v3, v44;
	v1 =	vmul.f32 v6, v53;
	v6 =	vmul.f32 v3, v33  }
0x204: {  	p0 =	sne.s32 s19, $0x3E00;
	v9 =	vmul.f32 v15, v32;
	v0 =	vmul.f32 v0, v0;
	v3 =	vsub.f32 $0.0e+00, v2  }
.Ltmp2:
0x205: {  	v7 =	vmul.f32 v7, v7;
	v55 =	vadd.f32 $-5.000000000e-01, v1;
	v42 =	vadd.f32 v6, v42;
	(pc) =	sbr.rel @p0 .LBB2_6-.Ltmp2, $4  }
0x206: {  	v32 =	vmovc v35;
	v35 =	vmovc v60;
	v6 =	vsub.f32 v51, v25;
	v43 =	vadd.f32 v9, v43;
	v60 =	vmul.f32 $1.442695020e+00, v3  }
0x207: {  	v17 =	vld [tilespmem:$0x1FE80];
	v2 =	vsub.f32 v51, v38;
	v3 =	vsub.f32 $0.0e+00, v0;
	v0 =	vmul.f32 v4, v4  }
0x208: {  	v13 =	vld [tilespmem:$0x1FF10];
	v59 =	vpop (erf);
	v1 =	vsub.f32 $0.0e+00, v7;
	(erf) = vpow2.f32 v60;
	v60 =	vmul.f32 v55, v53  }
0x209: {  	s19 =	sadd.s32 $0x200, s19;
	v33 =	vmovc v36;
	v36 =	vmovc v62;
	v62 =	vld [tilespmem:$0x1FF60];
	v4 =	vsub.f32 $0.0e+00, v0;
	v55 =	vmul.f32 v6, v6;
	v0 =	vadd.f32 v5, v10  }
0x20a: {  	v5 =	vld [tilespmem:$0x1FE60];
	_ =	sdelay $0x4  }
0x20b: {  	v6 =	vld [tilespmem:$0x1FE50];
	v5 =	vsub.f32 v51, v5  }
0x20c: {  	v2 =	vmul.f32 v2, v2  }
0x20d: {  	v3 =	vmul.f32 $1.442695020e+00, v3;
	v5 =	vmul.f32 v5, v5  }
0x20e: {  	v1 =	vmul.f32 $1.442695020e+00, v1;
	v4 =	vmul.f32 $1.442695020e+00, v4  }
0x20f: {  	(erf) = vpow2.f32 v3;
	v2 =	vsub.f32 $0.0e+00, v2;
	v5 =	vsub.f32 $0.0e+00, v5  }
0x210: {  	(erf) = vpow2.f32 v4;
	v4 =	vsub.f32 v51, v17;
	v6 =	vsub.f32 v51, v6  }
0x211: {  	v2 =	vmul.f32 $1.442695020e+00, v2;
	v3 =	vmul.f32 $1.442695020e+00, v5  }
0x212: {  	v7 =	vsub.f32 v51, v30;
	v4 =	vmul.f32 v4, v4;
	v6 =	vmul.f32 v6, v6  }
0x213: {  	v5 =	vsub.f32 v51, v62;
	(erf) = vpow2.f32 v3;
	v3 =	vsub.f32 v51, v29  }
0x214: {  	(erf) = vpow2.f32 v1;
	v1 =	vsub.f32 $0.0e+00, v6;
	v6 =	vmul.f32 v7, v7;
	v7 =	vld [tilespmem:$0x1FF70]  }
0x215: {  	(erf) = vpow2.f32 v2;
	v2 =	vmul.f32 v3, v3  }
0x216: {  	v3 =	vsub.f32 $0.0e+00, v4;
	v4 =	vmul.f32 v5, v5;
	v1 =	vmul.f32 $1.442695020e+00, v1  }
0x217: {  	v2 =	vsub.f32 $0.0e+00, v2  }
0x218: {  	v5 =	vpop (erf);
	v3 =	vmul.f32 $1.442695020e+00, v3;
	v4 =	vsub.f32 $0.0e+00, v4;
	(erf) = vpow2.f32 v1  }
0x219: {  	v5 =	vmul.f32 v5, v7;
	v2 =	vmul.f32 $1.442695020e+00, v2  }
0x21a: {  	v4 =	vmul.f32 $1.442695020e+00, v4;
	v1 =	vpop (erf);
	(erf) = vpow2.f32 v3  }
0x21b: {  	v7 =	vpop (erf);
	(erf) = vpow2.f32 v2  }
0x21c: {  	v9 =	vpop (erf);
	(erf) = vpow2.f32 v4;
	v4 =	vadd.f32 $0.0e+00, v5;
	v5 =	vld [tilespmem:$0x1FF90];
	_ =	sdelay $0x4  }
0x21d: {  	v8 =	vld [tilespmem:$0x1FFA0];
	v6 =	vsub.f32 $0.0e+00, v6;
	v5 =	vmul.f32 v7, v5  }
0x21e: {  	v2 =	vld [tilespmem:$0x1FEC0]  }
0x21f: {  	v6 =	vmul.f32 $1.442695020e+00, v6;
	v4 =	vadd.f32 v4, v5;
	v5 =	vld [tilespmem:$0x1FE40]  }
0x220: {  	v3 =	vld [tilespmem:$0x1FF80]  }
0x221: {  	v10 =	vld [tilespmem:$0x1FED0]  }
0x222: {  	v7 =	vpop (erf)  }
0x223: {  	v11 =	vld [tilespmem:$0x1FFB0];
	v8 =	vsub.f32 v51, v8;
	(erf) = vpow2.f32 v6;
	v6 =	vpop (erf)  }
0x224: {  	v2 =	vsub.f32 v51, v2;
	v5 =	vmul.f32 v6, v5  }
0x225: {  	v8 =	vmul.f32 v8, v8;
	v3 =	vsub.f32 v51, v3  }
0x226: {  	v2 =	vmul.f32 v2, v2;
	v7 =	vmul.f32 v7, v10;
	v4 =	vadd.f32 v4, v5  }
0x227: {  	v8 =	vsub.f32 $0.0e+00, v8;
	v3 =	vmul.f32 v3, v3  }
0x228: {  	v1 =	vmul.f32 v1, v11;
	v2 =	vsub.f32 $0.0e+00, v2;
	v4 =	vadd.f32 v4, v7  }
0x229: {  	v11 =	vld [tilespmem:$0x1FFC0];
	v3 =	vsub.f32 $0.0e+00, v3  }
0x22a: {  	v10 =	vsub.f32 $0.0e+00, v55;
	v2 =	vmul.f32 $1.442695020e+00, v2;
	v1 =	vadd.f32 v4, v1;
	v4 =	vld [tilespmem:$0x1FFE0]  }
0x22b: {  	v3 =	vmul.f32 $1.442695020e+00, v3;
	v5 =	vmul.f32 $1.442695020e+00, v8  }
0x22c: {  	v8 =	vpop (erf);
	(erf) = vpow2.f32 v2;
	v2 =	vmul.f32 $1.442695020e+00, v10  }
0x22d: {  	v7 =	vpop (erf)  }
0x22e: {  	v6 =	vmul.f32 v61, v61;
	v10 =	vpop (erf)  }
0x22f: {  	v9 =	vmul.f32 v9, v11;
	(erf) = vpow2.f32 v3;
	v3 =	vpop (erf);
	v4 =	vsub.f32 v51, v4  }
0x230: {  	v11 =	vmul.f32 $-2.755732000e-07, v6;
	(erf) = vpow2.f32 v2;
	v2 =	vpop (erf)  }
0x231: {  	v1 =	vadd.f32 v1, v9;
	v2 =	vmul.f32 v2, v16;
	v4 =	vmul.f32 v4, v4  }
0x232: {  	(erf) = vpow2.f32 v5;
	v5 =	vadd.f32 $2.480158760e-05, v11  }
0x233: {  	v7 =	vmul.f32 v7, v24;
	v1 =	vadd.f32 v1, v2;
	v2 =	vsub.f32 $0.0e+00, v4  }
0x234: {  	v0 =	vadd.f32 v0, v58;
	v5 =	vmul.f32 v5, v6  }
0x235: {  	v1 =	vadd.f32 v1, v7;
	v4 =	vmul.f32 v8, v31;
	v2 =	vmul.f32 $1.442695020e+00, v2  }
0x236: {  	v5 =	vadd.f32 $-1.388888920e-03, v5  }
0x237: {  	v0 =	vadd.f32 v0, v57;
	v1 =	vadd.f32 v1, v4;
	v4 =	vmul.f32 v54, v27  }
0x238: {  	v3 =	vmul.f32 v3, v28;
	v7 =	vpop (erf);
	v5 =	vmul.f32 v5, v6  }
0x239: {  	v0 =	vadd.f32 v0, v52;
	(erf) = vpow2.f32 v2;
	v2 =	vpop (erf)  }
0x23a: {  	v5 =	vadd.f32 $4.166666790e-02, v5;
	v8 =	vmul.f32 v10, v12;
	v1 =	vadd.f32 v1, v3;
	v9 =	vpop (erf)  }
0x23b: {  	v3 =	vmul.f32 v56, v21;
	v0 =	vadd.f32 v0, v4;
	v4 =	vpop (erf)  }
0x23c: {  	v5 =	vmul.f32 v5, v6;
	v1 =	vadd.f32 v1, v8;
	v4 =	vmul.f32 v4, v14  }
0x23d: {  	v10 =	vmul.f32 v59, v26;
	v8 =	vadd.f32 $1.000000000e+00, v60;
	v0 =	vadd.f32 v0, v3  }
0x23e: {  	v5 =	vadd.f32 $-5.000000000e-01, v5;
	v3 =	vmul.f32 v7, v13;
	v1 =	vadd.f32 v1, v4  }
0x23f: {  	v0 =	vadd.f32 v0, v10;
	v4 =	vmul.f32 v8, v8  }
0x240: {  	v2 =	vmul.f32 v2, v27;
	v1 =	vadd.f32 v1, v3  }
0x241: {  	v0 =	vmul.f32 v0, v4;
	v3 =	vmul.f32 v5, v6  }
0x242: {  	v4 =	vmul.f32 v9, v21;
	v5 =	vpop (erf);
	v1 =	vadd.f32 v1, v2  }
0x243: {  	v5 =	vmul.f32 v5, v26;
	v2 =	vmul.f32 v0, v34;
	v3 =	vadd.f32 $1.000000000e+00, v3  }
0x244: {  	v7 =	vmul.f32 v0, v32;
	v1 =	vadd.f32 v1, v4;
	v4 =	vadd.f32 v0, v41  }
0x245: {  	v6 =	vmul.f32 v2, v33;
	v9 =	vadd.f32 v2, v50;
	v3 =	vmul.f32 v3, v3  }
0x246: {  	v0 =	vmul.f32 v0, v33;
	v8 =	vmul.f32 v7, v33;
	v1 =	vadd.f32 v1, v5  }
0x247: {  	v10 =	vadd.f32 v7, v48;
	v5 =	vadd.f32 v6, v49;
	v6 =	vmul.f32 v2, v34  }
0x248: {  	s19 =	simm.s32 $0x1010;
	v11 =	vadd.f32 v8, v46;
	v2 =	vmul.f32 v2, v32;
	v1 =	vmul.f32 v1, v3  }
0x249: {  	v31 =	vld [tilespmem:s19+$0x2C00];
	v13 =	vadd.f32 v0, v44;
	v3 =	vmul.f32 v7, v32;
	v7 =	vmul.f32 v0, v33  }
0x24a: {  	v30 =	vld [tilespmem:s19+$0x2C80];
	v6 =	vadd.f32 v6, v47;
	v12 =	vmul.f32 v1, v35;
	v14 =	vmul.f32 v1, v37  }
0x24b: {  	s18 =	simm.s32 $0x0;
	v23 =	vld [tilespmem:s19+$0x2D00];
	v19 =	vadd.f32 v2, v43;
	v8 =	vadd.f32 v1, v4;
	v1 =	vmul.f32 v1, v36  }
0x24c: {  	v18 =	vld [tilespmem:s18+$0x6C10];
	v0 =	vadd.f32 v3, v45;
	v2 =	vmul.f32 v12, v35;
	v3 =	vmul.f32 v14, v37  }
0x24d: {  	v16 =	vld [tilespmem:s18+$0x6F10];
	v15 =	vadd.f32 v7, v42;
	v4 =	vmul.f32 v14, v36;
	v17 =	vmul.f32 v12, v36  }
0x24e: {  	s20 =	simm.s32 $0x10;
	v47 =	vld [tilespmem:s18+$0x6D90];
	v9 =	vadd.f32 v14, v9;
	v20 =	vmul.f32 v1, v36;
	v26 =	vmul.f32 v31, v8  }
0x24f: {  	v45 =	vld [tilespmem:s20+$0x2C00];
	v28 =	vmul.f32 v30, v8;
	v7 =	vadd.f32 v3, v6;
	v3 =	vadd.f32 v2, v0  }
0x250: {  	v6 =	vadd.f32 v12, v10;
	v10 =	vmul.f32 v14, v35;
	v12 =	vmul.f32 v23, v8  }
0x251: {  	v29 =	vmul.f32 v31, v9;
	v2 =	vadd.f32 v17, v11;
	v17 =	vmul.f32 v18, v8  }
0x252: {  	v0 =	vadd.f32 v4, v5;
	v58 =	vmul.f32 v18, v9;
	v59 =	vmul.f32 v16, v9  }
0x253: {  	v5 =	vadd.f32 v1, v13;
	v56 =	vmul.f32 v30, v9;
	v57 =	vmul.f32 v47, v9  }
0x254: {  	v1 =	vadd.f32 v20, v15;
	v35 =	vmul.f32 v16, v8;
	v20 =	vmul.f32 v45, v9  }
0x255: {  	v22 =	vmul.f32 v45, v7;
	v25 =	vmul.f32 v45, v3  }
0x256: {  	v21 =	vmul.f32 v45, v6;
	v11 =	vmul.f32 v31, v0  }
0x257: {  	v14 =	vmul.f32 v18, v7;
	v15 =	vmul.f32 v45, v5  }
0x258: {  	v4 =	vadd.f32 v10, v19;
	v19 =	vmul.f32 v45, v8;
	v34 =	vmul.f32 v30, v6  }
0x259: {  	v24 =	vmul.f32 v30, v2;
	v36 =	vmul.f32 v31, v6  }
0x25a: {  	v51 =	vmul.f32 v30, v5;
	v63 =	vmul.f32 v30, v3  }
0x25b: {  	v48 =	vmul.f32 v31, v5;
	v49 =	vmul.f32 v45, v1;
	v26 =	vadd.f32 v26, v20  }
0x25c: {  	v13 =	vld [tilespmem:s18+$0x6C90];
	v33 =	vmul.f32 v47, v7;
	v12 =	vadd.f32 v12, v15;
	v15 =	vadd.f32 v29, v19  }
0x25d: {  	v10 =	vld [tilespmem:s18+$0x6F90];
	v19 =	vmul.f32 v31, v7;
	v27 =	vmul.f32 v30, v4;
	v38 =	vadd.f32 v28, v21  }
0x25e: {  	v21 =	vmul.f32 v23, v0;
	v39 =	vmul.f32 v31, v4;
	v61 =	vadd.f32 v14, v15;
	v15 =	vld [tilespmem:s18+$0x6D10]  }
0x25f: {  	v62 =	vadd.f32 v34, v25;
	v28 =	vmul.f32 v23, v9;
	v43 =	vmul.f32 v45, v4  }
0x260: {  	v32 =	vadd.f32 v29, v22;
	v29 =	vmul.f32 v23, v5;
	v25 =	vmul.f32 v23, v2  }
0x261: {  	v31 =	vmul.f32 v47, v8;
	v20 =	vmul.f32 v13, v4;
	v26 =	vadd.f32 v26, v19;
	v19 =	vld [tilespmem:s18+$0x6E10]  }
0x262: {  	v60 =	vadd.f32 v12, v11;
	v11 =	vld [tilespmem:s18+$0x6E90];
	v39 =	vadd.f32 v38, v39;
	v12 =	vmul.f32 v10, v2  }
0x263: {  	v40 =	vmul.f32 v10, v8;
	v37 =	vadd.f32 v20, v61;
	v22 =	vmul.f32 v15, v0  }
0x264: {  	v30 =	vmul.f32 v10, v6;
	v41 =	vadd.f32 v58, v26;
	v42 =	vadd.f32 v59, v60  }
0x265: {  	v26 =	vmul.f32 v47, v0;
	v58 =	vadd.f32 v56, v43;
	v53 =	vadd.f32 v22, v37  }
0x266: {  	v39 =	vadd.f32 v57, v39;
	v60 =	vmul.f32 v47, v4;
	v59 =	vmul.f32 v19, v8  }
0x267: {  	v31 =	vadd.f32 v31, v58;
	v38 =	vmul.f32 v11, v8;
	v34 =	vadd.f32 v53, v34  }
0x268: {  	v61 =	vadd.f32 v59, v62;
	v37 =	vadd.f32 v39, v63;
	v62 =	vmul.f32 v45, v2  }
0x269: {  	v63 =	vmul.f32 v23, v6;
	v46 =	vadd.f32 v34, v60;
	v34 =	vmul.f32 v23, v1;
	v23 =	vld [tilespmem:s18+$0x7010]  }
0x26a: {  	v44 =	vmul.f32 v19, v3;
	v39 =	vmul.f32 v16, v0;
	v50 =	vadd.f32 v61, v60  }
0x26b: {  	s21 =	simm.s32 $0x40;
	s22 =	simm.s32 $0x4040;
	s23 =	simm.s32 $0x1200;
	v45 =	vmul.f32 v45, v0;
	v47 =	vadd.f32 v51, v62;
	v51 =	vadd.f32 v63, v62  }
.LBB2_8:
0x26c: {  	p0 =	sne.s32 s23, $0x22E00;
	v52 =	vmul.f32 v11, v2;
	v53 =	vmul.f32 v15, v8;
	v50 =	vadd.f32 v50, v44;
	s21 =	sadd.s32 $0x200, s21;
	s22 =	sadd.s32 $0x600, s22  }
0x26d: {  	v54 =	vmul.f32 v16, v4;
	v49 =	vadd.f32 v29, v49;
	s24 =	smov.u32 s23;
	s23 =	sadd.s32 $0x1200, s23;
	v48 =	vadd.f32 v48, v45  }
0x26e: {  	v36 =	vadd.f32 v36, v43;
	v43 =	vmul.f32 v13, v8;
	v55 =	vmul.f32 v23, v8  }
0x26f: {  	v40 =	vadd.f32 v40, v51;
	v48 =	vadd.f32 v53, v48;
	v53 =	vmul.f32 v18, v0  }
0x270: {  	v27 =	vadd.f32 v41, v27;
	v18 =	vmul.f32 v18, v4;
	v41 =	vadd.f32 v55, v49  }
0x271: {  	v36 =	vadd.f32 v43, v36;
	v43 =	vmul.f32 v13, v2;
	v40 =	vadd.f32 v40, v54  }
0x272: {  	v44 =	vadd.f32 v46, v44;
	v24 =	vadd.f32 v42, v24;
	v42 =	vmul.f32 v13, v3  }
0x273: {  	v16 =	vmul.f32 v16, v7;
	v18 =	vadd.f32 v36, v18;
	v36 =	vadd.f32 v38, v47  }
0x274: {  	v46 =	vmul.f32 v11, v5;
	v38 =	vmul.f32 v15, v5;
	v47 =	vadd.f32 v48, v53  }
0x275: {  	v28 =	vadd.f32 v28, v45;
	v45 =	vmul.f32 v10, v3;
	v41 =	vadd.f32 v41, v39  }
0x276: {  	v17 =	vadd.f32 v17, v32;
	v48 =	vmul.f32 v19, v6;
	v26 =	vadd.f32 v36, v26  }
0x277: {  	v32 =	vadd.f32 v44, v52;
	v24 =	vadd.f32 v24, v30;
	v30 =	vmul.f32 v19, v2  }
0x278: {  	v14 =	vadd.f32 v17, v14;
	v17 =	vmul.f32 v15, v2;
	v28 =	vadd.f32 v35, v28  }
0x279: {  	v13 =	vmul.f32 v13, v6;
	v35 =	vadd.f32 v37, v48;
	v26 =	vadd.f32 v26, v30  }
0x27a: {  	v29 =	vadd.f32 v32, v29;
	v16 =	vadd.f32 v28, v16  }
0x27b: {  	v13 =	vadd.f32 v27, v13;
	v19 =	vmul.f32 v19, v4;
	v25 =	vadd.f32 v35, v25  }
0x27c: {  	v14 =	vadd.f32 v14, v20;
	v20 =	vadd.f32 v31, v33;
	v15 =	vmul.f32 v15, v1  }
0x27d: {  	v28 =	vmul.f32 v23, v5;
	v27 =	vadd.f32 v29, v39;
	v25 =	vadd.f32 v25, v46  }
0x27e: {  	v13 =	vadd.f32 v13, v21;
	v19 =	vadd.f32 v20, v19;
	v20 =	vmul.f32 v11, v0  }
0x27f: {  	v24 =	vadd.f32 v24, v34;
	v21 =	vadd.f32 v27, v12;
	v27 =	vmul.f32 v23, v1  }
0x280: {  	v10 =	vmul.f32 v10, v4;
	v13 =	vadd.f32 v13, v38;
	v19 =	vadd.f32 v19, v20  }
0x281: {  	v11 =	vmul.f32 v11, v1;
	v12 =	vadd.f32 v41, v12;
	v20 =	vadd.f32 v21, v27  }
0x282: {  	v10 =	vadd.f32 v16, v10;
	v16 =	vadd.f32 v40, v45  }
0x283: {  	v11 =	vadd.f32 v26, v11;
	[tilespmem:s20+$0xFC00] =	vst v20;
	v20 =	vadd.f32 v24, v28  }
0x284: {  	[tilespmem:s19+$0xFC00] =	vst v13;
	v13 =	vadd.f32 v14, v22;
	v14 =	vadd.f32 v47, v43  }
0x285: {  	v18 =	vadd.f32 v18, v42;
	[tilespmem:s19+$0xFD00] =	vst v20  }
0x286: {  	[tilespmem:s19+$0xFC80] =	vst v25;
	v14 =	vadd.f32 v14, v15  }
0x287: {  	v15 =	vmul.f32 v23, v0;
	[tilespmem:s18+$0x13C10] =	vst v13;
	v13 =	vadd.f32 v18, v17  }
0x288: {  	v17 =	vmul.f32 v23, v2;
	[tilespmem:s18+$0x13D10] =	vst v14;
	v14 =	vadd.f32 v50, v52  }
0x289: {  	v10 =	vadd.f32 v10, v15;
	[tilespmem:s18+$0x13C90] =	vst v13  }
0x28a: {  	v13 =	vadd.f32 v16, v17;
	[tilespmem:s18+$0x13E10] =	vst v14  }
0x28b: {  	[tilespmem:s18+$0x13F10] =	vst v10;
	v10 =	vadd.f32 v12, v27  }
0x28c: {  	[tilespmem:s18+$0x13F90] =	vst v13  }
0x28d: {  	[tilespmem:s18+$0x14010] =	vst v10  }
0x28e: {  	s20 =	sshra.s32 s21, $0x2;
	s19 =	sshra.s32 s22, $0x2;
	[tilespmem:s18+$0x13D90] =	vst v19  }
0x28f: {  	[tilespmem:s18+$0x13E90] =	vst v11  }
0x290: {  	v33 =	vld [tilespmem:s19+$0x2D00]  }
0x291: {  	v45 =	vld [tilespmem:s20+$0x2C00]  }
0x292: {  	s18 =	sshra.s32 s24, $0x2;
	v23 =	vld [tilespmem:s19+$0x2C00]  }
0x293: {  	v18 =	vld [tilespmem:s18+$0x6C10];
	_ =	sdelay $0x1  }
0x294: {  	v11 =	vmul.f32 v33, v8  }
0x295: {  	v13 =	vld [tilespmem:s18+$0x6C90];
	v22 =	vmul.f32 v45, v7;
	v25 =	vmul.f32 v45, v3  }
0x296: {  	v19 =	vmul.f32 v45, v6;
	v16 =	vld [tilespmem:s18+$0x6F10];
	v29 =	vmul.f32 v23, v9  }
0x297: {  	v12 =	vmul.f32 v23, v0;
	v30 =	vld [tilespmem:s19+$0x2C80];
	v17 =	vmul.f32 v18, v8  }
0x298: {  	v15 =	vmul.f32 v45, v5;
	v14 =	vmul.f32 v18, v7  }
0x299: {  	v20 =	vmul.f32 v45, v8;
	v21 =	vmul.f32 v45, v9  }
0x29a: {  	v26 =	vmul.f32 v23, v8;
	v31 =	vmul.f32 v18, v9;
	v11 =	vadd.f32 v11, v15;
	v10 =	vld [tilespmem:s18+$0x6F90]  }
0x29b: {  	v28 =	vmul.f32 v23, v7;
	v20 =	vadd.f32 v29, v20;
	v15 =	vld [tilespmem:s18+$0x6D10];
	v34 =	vmul.f32 v16, v9  }
0x29c: {  	v35 =	vadd.f32 v11, v12;
	v39 =	vmul.f32 v30, v6;
	v24 =	vmul.f32 v30, v2  }
0x29d: {  	v21 =	vadd.f32 v26, v21;
	v27 =	vmul.f32 v30, v4;
	v26 =	vmul.f32 v30, v8;
	v47 =	vld [tilespmem:s18+$0x6D90]  }
0x29e: {  	v36 =	vmul.f32 v23, v6;
	v37 =	vadd.f32 v14, v20;
	v20 =	vmul.f32 v13, v4;
	v11 =	vld [tilespmem:s18+$0x6E90]  }
0x29f: {  	v51 =	vmul.f32 v30, v5;
	v32 =	vadd.f32 v26, v19;
	v12 =	vmul.f32 v10, v2  }
0x2a0: {  	v26 =	vadd.f32 v21, v28;
	v21 =	vmul.f32 v33, v0;
	v40 =	vmul.f32 v10, v8  }
0x2a1: {  	v38 =	vmul.f32 v23, v4;
	v44 =	vadd.f32 v39, v25;
	v28 =	vmul.f32 v33, v9;
	v19 =	vld [tilespmem:s18+$0x6E10]  }
0x2a2: {  	v41 =	vadd.f32 v31, v26;
	v31 =	vmul.f32 v30, v3;
	v26 =	vmul.f32 v47, v0  }
0x2a3: {  	v48 =	vmul.f32 v30, v9;
	v46 =	vadd.f32 v32, v38;
	v38 =	vmul.f32 v11, v8  }
0x2a4: {  	v43 =	vmul.f32 v45, v4;
	v30 =	vmul.f32 v10, v6;
	v32 =	vadd.f32 v29, v22  }
0x2a5: {  	v42 =	vadd.f32 v34, v35;
	v29 =	vmul.f32 v33, v5;
	v49 =	vmul.f32 v47, v9  }
0x2a6: {  	v25 =	vmul.f32 v33, v2;
	v34 =	vadd.f32 v48, v43;
	v35 =	vmul.f32 v19, v8  }
0x2a7: {  	v37 =	vadd.f32 v20, v37;
	v22 =	vmul.f32 v15, v0;
	v46 =	vadd.f32 v49, v46  }
0x2a8: {  	v52 =	vmul.f32 v47, v4;
	v49 =	vadd.f32 v35, v44;
	v35 =	vmul.f32 v16, v8  }
0x2a9: {  	v53 =	vadd.f32 v22, v37;
	v37 =	vadd.f32 v46, v31;
	v44 =	vmul.f32 v19, v3  }
.Ltmp3:
0x2aa: {  	v48 =	vmul.f32 v23, v5;
	v31 =	vmul.f32 v47, v8;
	v50 =	vadd.f32 v49, v52;
	(pc) =	sbr.rel @p0 .LBB2_8-.Ltmp3, $4  }
0x2ab: {  	v46 =	vadd.f32 v53, v39;
	v39 =	vmul.f32 v16, v0;
	v49 =	vmul.f32 v45, v1  }
0x2ac: {  	v54 =	vmul.f32 v33, v6;
	v53 =	vmul.f32 v45, v2;
	v31 =	vadd.f32 v31, v34;
	v23 =	vld [tilespmem:s18+$0x7010]  }
0x2ad: {  	v46 =	vadd.f32 v46, v52;
	v34 =	vmul.f32 v33, v1;
	v33 =	vmul.f32 v47, v7  }
0x2ae: {  	v47 =	vadd.f32 v51, v53;
	v51 =	vadd.f32 v54, v53;
	v45 =	vmul.f32 v45, v0  }
0x2af: {  	v9 =	vmul.f32 v15, v8;
	v50 =	vadd.f32 v50, v44  }
0x2b0: {  	v52 =	vmul.f32 v16, v4;
	v49 =	vadd.f32 v29, v49;
	v36 =	vadd.f32 v36, v43  }
0x2b1: {  	v63 =	vmul.f32 v13, v8;
	v27 =	vadd.f32 v41, v27;
	v56 =	vadd.f32 v46, v44  }
0x2b2: {  	v54 =	vmul.f32 v18, v4;
	v24 =	vadd.f32 v42, v24;
	v60 =	vadd.f32 v17, v32  }
0x2b3: {  	v55 =	vmul.f32 v18, v0;
	v48 =	vadd.f32 v48, v45;
	v40 =	vadd.f32 v40, v51  }
0x2b4: {  	v38 =	vadd.f32 v38, v47;
	v28 =	vadd.f32 v28, v45;
	v62 =	vmul.f32 v23, v8  }
0x2b5: {  	v8 =	vadd.f32 v63, v36;
	v9 =	vadd.f32 v9, v48;
	v48 =	vmul.f32 v11, v2  }
0x2b6: {  	v57 =	vmul.f32 v13, v2;
	v24 =	vadd.f32 v24, v30;
	v14 =	vadd.f32 v60, v14  }
0x2b7: {  	v59 =	vmul.f32 v13, v3;
	v36 =	vadd.f32 v40, v52;
	v58 =	vadd.f32 v56, v48  }
0x2b8: {  	v63 =	vmul.f32 v13, v6;
	v35 =	vadd.f32 v35, v28;
	v53 =	vadd.f32 v62, v49  }
0x2b9: {  	v7 =	vmul.f32 v16, v7;
	v8 =	vadd.f32 v8, v54;
	v61 =	vadd.f32 v58, v29  }
0x2ba: {  	v32 =	vmul.f32 v15, v5;
	v62 =	vadd.f32 v38, v26;
	v13 =	vadd.f32 v27, v63  }
0x2bb: {  	v43 =	vadd.f32 v24, v34;
	v29 =	vmul.f32 v19, v6;
	v30 =	vadd.f32 v61, v39  }
0x2bc: {  	v44 =	vmul.f32 v10, v3;
	v14 =	vadd.f32 v14, v20;
	v9 =	vadd.f32 v9, v55  }
0x2bd: {  	v6 =	vadd.f32 v37, v29;
	v37 =	vmul.f32 v23, v1;
	v16 =	vadd.f32 v30, v12  }
0x2be: {  	v46 =	vmul.f32 v15, v1;
	v7 =	vadd.f32 v35, v7;
	v13 =	vadd.f32 v13, v21  }
0x2bf: {  	v41 =	vadd.f32 v53, v39;
	v39 =	vmul.f32 v23, v5;
	v16 =	vadd.f32 v16, v37  }
0x2c0: {  	v38 =	vmul.f32 v11, v5;
	v13 =	vadd.f32 v13, v32;
	v6 =	vadd.f32 v6, v25  }
0x2c1: {  	v45 =	vmul.f32 v15, v2;
	v3 =	vadd.f32 v36, v44;
	v5 =	vadd.f32 v43, v39;
	[tilespmem:s20+$0xFC00] =	vst v16  }
0x2c2: {  	v47 =	vmul.f32 v10, v4;
	v9 =	vadd.f32 v9, v57;
	v6 =	vadd.f32 v6, v38;
	[tilespmem:s19+$0xFC00] =	vst v13  }
0x2c3: {  	v52 =	vmul.f32 v19, v4;
	v56 =	vadd.f32 v50, v48;
	v49 =	vadd.f32 v14, v22;
	[tilespmem:s19+$0xFD00] =	vst v5  }
0x2c4: {  	v55 =	vmul.f32 v23, v0;
	v7 =	vadd.f32 v7, v47;
	v54 =	vadd.f32 v9, v46;
	[tilespmem:s19+$0xFC80] =	vst v6  }
0x2c5: {  	v51 =	vadd.f32 v8, v59;
	v53 =	vadd.f32 v31, v33;
	v57 =	vmul.f32 v23, v2;
	[tilespmem:s18+$0x13C10] =	vst v49  }
0x2c6: {  	v58 =	vmul.f32 v19, v2;
	v59 =	vadd.f32 v41, v12;
	v60 =	vadd.f32 v7, v55;
	[tilespmem:s18+$0x13D10] =	vst v54  }
0x2c7: {  	v4 =	vadd.f32 v53, v52;
	v61 =	vmul.f32 v11, v0;
	v3 =	vadd.f32 v3, v57;
	[tilespmem:s18+$0x13E10] =	vst v56  }
0x2c8: {  	v2 =	vadd.f32 v62, v58;
	v62 =	vmul.f32 v11, v1;
	v63 =	vadd.f32 v59, v37;
	[tilespmem:s18+$0x13F10] =	vst v60  }
0x2c9: {  	v0 =	vadd.f32 v4, v61;
	[tilespmem:s18+$0x13F90] =	vst v3  }
0x2ca: {  	v1 =	vadd.f32 v2, v62;
	[tilespmem:s18+$0x14010] =	vst v63  }
0x2cb: {  	s17 =	sadd.s32 $0x1, s17;
	v5 =	vadd.f32 v51, v45;
	[tilespmem:s18+$0x13D90] =	vst v0  }
0x2cc: {  	p0 =	sne.s32 s17, s11;
	[tilespmem:s18+$0x13E90] =	vst v1  }
.Ltmp4:
0x2cd: {  	[tilespmem:s18+$0x13C90] =	vst v5;
	(pc) =	sbr.rel @p0 .LBB2_1-.Ltmp4, $4  }
0x2ce: {  	[hbm4b:s10+s4] =	stream.linear.scatter [tilespmem:s16], [sflag:$0x1], $0xD000, $0x38;
	[tilespmem:$0x1CC00] =	vst v63  }
0x2cf: {  	_ =	swait.ge [sflag:s12], $0xD000  }
0x2d0: {  	[sflag:s12] =	ssyncset.done $0x0  }
0x2d1: {  	[sflag:s12] =	ssyncadd.s32 $0xFFFF3000  }
0x2d2: {  	_ =	sfence.sel $0x180000  }
0x2d3: {  	[bflag:$0x0] =	sbarrier.arrive $0xFFFF  }
0x2d4: {  	p0 =	sne.s32 s0, $0x0;
	_ =	strace $0x90000047  }
0x2d5: {  	s0 =	sadd.s32 @!p0 $0x100000, s2;
	[bflag:$0x2] =	sbarrier.arrive $0xFFFF  }
0x2d6: {  	[sflag:s0] =	ssyncadd.tile.s32 @!p0 $0x1;
	_ =	shalt  }
.Lfunc_end2:
_tile_overlayer_lowered:
.L_overlay_start_2:
0x2d7: {  	(tag) =	ssettag $0x2  }
0x2d8: {  	s0 =	rddreg [dreg:$0x0];
	s2 =	stileid.u32  }
0x2d9: {  	s1 =	rddreg [dreg:$0x1];
	p0 =	sne.s32 s2, $0x0  }
0x2da: {  	s3 =	rddreg [dreg:$0x2];
	[bflag:$0x3] =	sbarrier.arrive $0xFFFF;
	s2 =	simm.s32 @!p0 $0x1C01  }
0x2db: {  	[timem:s3], [sflag:s2] =	dma.local @!p0 [hbm:s0], s1  }
0x2dc: {  	s0 =	simm.s32 @!p0 $0x1  }
0x2dd: {  	_ =	swait.ge @!p0 [sflag:s0], s1  }
0x2de: {  	s1 =	ssub.s32 @!p0 $0x0, s1;
	[sflag:s0] =	ssyncset.done @!p0 $0x0  }
0x2df: {  	[sflag:s0] =	ssyncadd.s32 @!p0 s1  }
0x2e0: {  	[bflag:$0x3] =	sbarrier.arrive $0xFFFF  }
0x2e1: {  	_ =	shalt  }

</sc_bundles>
